<compile_context>
chip_gen: v7x
topology: tpu7x:2x2x1
jax: 0.10.2.dev20260603
libtpu: 0.0.44.dev20260713+nightly
codegen_flags: <defaults>
</compile_context>

<pallas_src>
import functools

import jax
import jax.numpy as jnp
from jax import lax
from jax.experimental import pallas as pl
from jax.experimental.pallas import tpu as pltpu
from jax.experimental.pallas import tpu_sc as plsc

N = 10000
E = 320000
D_IN = 128
D_H = 64
R = 5
B = 64
OUT = 12
PROP_STEPS = 6
S2S_STEPS = 6

HALF = 32
NSEG = N * R
TRASH = NSEG
CH = 128
NC = 2
NS = 16
NW = NC * NS
E_PAD = 323584
EPT = E_PAD // NS
ZROWS = 3200
A_ROWS = NS * ZROWS
OPT = 3128
OUT_HALF = NS * OPT


def _make_sc_kernel(do_gather):
    mesh = plsc.VectorSubcoreMesh(core_axis_name="c", subcore_axis_name="s")
    scratch = [
        pltpu.VMEM((CH,), jnp.int32),
        pltpu.VMEM((CH,), jnp.int32),
        pltpu.VMEM((CH, HALF), jnp.float32),
        pltpu.VMEM_SHARED((A_ROWS, HALF), jnp.float32),
        pltpu.SemaphoreType.DMA,
    ]

    def body(hsplit_hbm, src_hbm, seg_hbm, zeros_hbm, ones_hbm, out_hbm,
             srcv, segv, rows, acc, sem):
        c = lax.axis_index("c")
        s = lax.axis_index("s")
        pltpu.sync_copy(zeros_hbm, acc.at[pl.ds(s * ZROWS, ZROWS)])
        if not do_gather:
            pltpu.sync_copy(ones_hbm, rows)
        plsc.subcore_barrier()
        base = s * EPT

        def chunk(i, carry):
            off = base + i * CH
            pltpu.sync_copy(seg_hbm.at[pl.ds(off, CH)], segv)
            if do_gather:
                pltpu.sync_copy(src_hbm.at[pl.ds(off, CH)], srcv)
                for j in range(CH // 16):
                    sl = pl.ds(j * 16, 16)
                    srcv[sl] = srcv[sl] + c * N
                pltpu.async_copy(hsplit_hbm.at[srcv], rows, sem).wait()
            pltpu.sync_copy(rows, acc.at[segv], add=True)
            return carry

        lax.fori_loop(0, EPT // CH, chunk, 0)
        plsc.subcore_barrier()
        pltpu.sync_copy(
            acc.at[pl.ds(s * OPT, OPT)],
            out_hbm.at[pl.ds(c * OUT_HALF + s * OPT, OPT)])

    return functools.partial(
        pl.kernel, mesh=mesh,
        out_type=jax.ShapeDtypeStruct((NC * OUT_HALF, HALF), jnp.float32),
        scratch_types=scratch,
        compiler_params=pltpu.CompilerParams(use_tc_tiling_on_sc=False),
    )(body)


@functools.lru_cache(maxsize=None)
def _sc_kernel(do_gather):
    return _make_sc_kernel(do_gather)


def _lin0_body(x_ref, w0_ref, b0_ref, o_ref):
    h = lax.dot_general(x_ref[...], w0_ref[...], (((1,), (1,)), ((), ())),
                        preferred_element_type=jnp.float32)
    o_ref[...] = jnp.maximum(h + b0_ref[...], 0.0)


def _lin0(x, w0, b0):
    return pl.pallas_call(
        _lin0_body,
        out_shape=jax.ShapeDtypeStruct((N, D_H), jnp.float32),
    )(x, w0, b0)


def _step_body(h_ref, a_ref, cnt_ref, wrel_ref, wroot_ref, bconv_ref, o_ref):
    out = lax.dot_general(h_ref[...], wroot_ref[...], (((1,), (0,)), ((), ())),
                          preferred_element_type=jnp.float32) + bconv_ref[...]
    invc = 1.0 / jnp.maximum(cnt_ref[...], 1.0)
    for r in range(R):
        m = a_ref[r * N:(r + 1) * N, :] * invc[:, r:r + 1]
        out = out + lax.dot_general(m, wrel_ref[r], (((1,), (0,)), ((), ())),
                                    preferred_element_type=jnp.float32)
    o_ref[...] = jnp.maximum(out, 0.0)


def _step(h, a, cnt, wrel, wroot, bconv):
    return pl.pallas_call(
        _step_body,
        out_shape=jax.ShapeDtypeStruct((N, D_H), jnp.float32),
        compiler_params=pltpu.CompilerParams(vmem_limit_bytes=100 * 2**20),
    )(h, a, cnt, wrel, wroot, bconv)


def _s2s_body(h_ref, batch_ref, wih_ref, whh_ref, bih_ref, bhh_ref,
              w1_ref, b1_ref, w2_ref, b2_ref, o_ref):
    h = h_ref[...]
    p = (batch_ref[...] == lax.broadcasted_iota(jnp.int32, (N, B), 1)
         ).astype(jnp.float32)
    q_star = jnp.zeros((B, 2 * D_H), jnp.float32)
    hh = jnp.zeros((B, D_H), jnp.float32)
    cc = jnp.zeros((B, D_H), jnp.float32)
    for _ in range(S2S_STEPS):
        gates = (lax.dot_general(q_star, wih_ref[...], (((1,), (1,)), ((), ())),
                                 preferred_element_type=jnp.float32)
                 + bih_ref[...]
                 + lax.dot_general(hh, whh_ref[...], (((1,), (1,)), ((), ())),
                                   preferred_element_type=jnp.float32)
                 + bhh_ref[...])
        gi = jax.nn.sigmoid(gates[:, 0:D_H])
        gf = jax.nn.sigmoid(gates[:, D_H:2 * D_H])
        gg = jnp.tanh(gates[:, 2 * D_H:3 * D_H])
        go = jax.nn.sigmoid(gates[:, 3 * D_H:4 * D_H])
        cc = gf * cc + gi * gg
        hh = go * jnp.tanh(cc)
        q = hh
        qn = lax.dot_general(p, q, (((1,), (0,)), ((), ())),
                             preferred_element_type=jnp.float32)
        e = jnp.sum(h * qn, axis=1, keepdims=True)
        smat = p * e + (p - 1.0) * 1e30
        emax = jnp.max(smat, axis=0, keepdims=True)
        emax_n = lax.dot_general(p, emax, (((1,), (1,)), ((), ())),
                                 preferred_element_type=jnp.float32)
        ee = jnp.exp(e - emax_n)
        denom = lax.dot_general(p, ee, (((0,), (0,)), ((), ())),
                                preferred_element_type=jnp.float32)
        denom_n = lax.dot_general(p, denom, (((1,), (0,)), ((), ())),
                                  preferred_element_type=jnp.float32)
        a = ee / denom_n
        rvec = lax.dot_general(p, a * h, (((0,), (0,)), ((), ())),
                               preferred_element_type=jnp.float32)
        q_star = jnp.concatenate([q, rvec], axis=1)
    o1 = jnp.maximum(
        lax.dot_general(q_star, w1_ref[...], (((1,), (1,)), ((), ())),
                        preferred_element_type=jnp.float32) + b1_ref[...], 0.0)
    o_ref[...] = lax.dot_general(o1, w2_ref[...], (((1,), (1,)), ((), ())),
                                 preferred_element_type=jnp.float32) + b2_ref[...]


def _s2s(h, batch, wih, whh, bih, bhh, w1, b1, w2, b2):
    return pl.pallas_call(
        _s2s_body,
        out_shape=jax.ShapeDtypeStruct((B, OUT), jnp.float32),
    )(h, batch, wih, whh, bih, bhh, w1, b1, w2, b2)


def kernel(x, edge_index, edge_attr, batch, W0, b0, W_rel, W_root, b_conv,
           W_ih, W_hh, b_ih, b_hh, W1, b1, W2, b2):
    src = edge_index[0]
    dst = edge_index[1]
    seg = edge_attr * N + dst
    pad = E_PAD - E
    src_p = jnp.concatenate([src, jnp.zeros((pad,), jnp.int32)])
    seg_p = jnp.concatenate([seg, jnp.full((pad,), TRASH, jnp.int32)])
    zeros_blk = jnp.zeros((ZROWS, HALF), jnp.float32)
    ones_blk = jnp.ones((CH, HALF), jnp.float32)
    dummy_h = jnp.zeros((2 * N, HALF), jnp.float32)

    h = _lin0(x, W0, b0.reshape(1, -1))

    cnt_raw = _sc_kernel(False)(dummy_h, src_p, seg_p, zeros_blk, ones_blk)
    cnt = cnt_raw[:NSEG, 0].reshape(R, N).T

    for _ in range(PROP_STEPS):
        hsplit = h.reshape(N, 2, HALF).transpose(1, 0, 2).reshape(2 * N, HALF)
        a_raw = _sc_kernel(True)(hsplit, src_p, seg_p, zeros_blk, ones_blk)
        a = jnp.concatenate(
            [a_raw[:NSEG], a_raw[OUT_HALF:OUT_HALF + NSEG]], axis=1)
        h = _step(h, a, cnt, W_rel, W_root, b_conv.reshape(1, -1))

    return _s2s(h, batch.reshape(N, 1).astype(jnp.int32), W_ih, W_hh,
                b_ih.reshape(1, -1), b_hh.reshape(1, -1),
                W1, b1.reshape(1, -1), W2, b2.reshape(1, -1))

# --- scband reference (transcript-rebuilt; emitter-appended) ---
"""Pipeline reference for scband-rgcn-54631984005709 (READ-ONLY COPY).

The authoritative reference and input builder live on the scoring server;
editing this copy changes nothing except your own understanding.
"""

import jax, jax.numpy as jnp
import numpy as np

N = 10000
E = 320000
D_IN = 128
D_H = 64
R = 5
B = 64
OUT = 12
PROP_STEPS = 6
S2S_STEPS = 6


def setup_inputs(seed: int = 0):
    key = jax.random.key(seed)
    ks = jax.random.split(key, 16)
    s = 0.05
    x = jax.random.normal(ks[0], (N, D_IN), dtype=jnp.float32)
    edge_index = jax.random.randint(ks[1], (2, E), 0, N, dtype=jnp.int32)
    edge_attr = jax.random.randint(ks[2], (E,), 0, R, dtype=jnp.int32)
    batch = jnp.sort(jax.random.randint(ks[3], (N,), 0, B, dtype=jnp.int32))
    W0 = jax.random.normal(ks[4], (D_H, D_IN), dtype=jnp.float32) * s
    b0 = jnp.zeros((D_H,), dtype=jnp.float32)
    W_rel = jax.random.normal(ks[5], (R, D_H, D_H), dtype=jnp.float32) * s
    W_root = jax.random.normal(ks[6], (D_H, D_H), dtype=jnp.float32) * s
    b_conv = jnp.zeros((D_H,), dtype=jnp.float32)
    W_ih = jax.random.normal(ks[7], (4 * D_H, 2 * D_H), dtype=jnp.float32) * s
    W_hh = jax.random.normal(ks[8], (4 * D_H, D_H), dtype=jnp.float32) * s
    b_ih = jnp.zeros((4 * D_H,), dtype=jnp.float32)
    b_hh = jnp.zeros((4 * D_H,), dtype=jnp.float32)
    W1 = jax.random.normal(ks[9], (D_H, 2 * D_H), dtype=jnp.float32) * s
    b1 = jnp.zeros((D_H,), dtype=jnp.float32)
    W2 = jax.random.normal(ks[10], (OUT, D_H), dtype=jnp.float32) * s
    b2 = jnp.zeros((OUT,), dtype=jnp.float32)
    return {"x": x, "edge_index": edge_index, "edge_attr": edge_attr, "batch": batch,
            "W0": W0, "b0": b0, "W_rel": W_rel, "W_root": W_root, "b_conv": b_conv,
            "W_ih": W_ih, "W_hh": W_hh, "b_ih": b_ih, "b_hh": b_hh,
            "W1": W1, "b1": b1, "W2": W2, "b2": b2}


def _forward(x, edge_index, edge_attr, batch, W0, b0, W_rel, W_root, b_conv,
             W_ih, W_hh, b_ih, b_hh, W1, b1, W2, b2):
    src = edge_index[0]
    dst = edge_index[1]
    # lin0 + relu
    h = jax.nn.relu(x @ W0.T + b0)
    # num_step_prop rounds of RGCNConv (PyG semantics: per-relation mean aggregation + root + bias)
    for _ in range(PROP_STEPS):
        out = h @ W_root + b_conv
        hs = h[src]
        for r in range(R):
            mask = (edge_attr == r).astype(h.dtype)
            msg = (hs @ W_rel[r]) * mask[:, None]
            ssum = jax.ops.segment_sum(msg, dst, num_segments=N)
            cnt = jax.ops.segment_sum(mask, dst, num_segments=N)
            out = out + ssum / jnp.maximum(cnt, 1.0)[:, None]
        h = jax.nn.relu(out)
    # Set2Set global pooling (LSTM cell, PyTorch gate order i,f,g,o)
    q_star = jnp.zeros((B, 2 * D_H), dtype=h.dtype)
    hh = jnp.zeros((B, D_H), dtype=h.dtype)
    cc = jnp.zeros((B, D_H), dtype=h.dtype)
    for _ in range(S2S_STEPS):
        gates = q_star @ W_ih.T + b_ih + hh @ W_hh.T + b_hh
        i, f, g, o = jnp.split(gates, 4, axis=-1)
        i = jax.nn.sigmoid(i)
        f = jax.nn.sigmoid(f)
        g = jnp.tanh(g)
        o = jax.nn.sigmoid(o)
        cc = f * cc + i * g
        hh = o * jnp.tanh(cc)
        q = hh
        e = jnp.sum(h * q[batch], axis=-1)
        emax = jax.ops.segment_max(e, batch, num_segments=B)
        ee = jnp.exp(e - emax[batch])
        denom = jax.ops.segment_sum(ee, batch, num_segments=B)
        a = ee / denom[batch]
        rvec = jax.ops.segment_sum(a[:, None] * h, batch, num_segments=B)
        q_star = jnp.concatenate([q, rvec], axis=-1)
    out = jax.nn.relu(q_star @ W1.T + b1)
    out = out @ W2.T + b2
    return out


def reference(x, edge_index, edge_attr, batch, W0, b0, W_rel, W_root, b_conv,
              W_ih, W_hh, b_ih, b_hh, W1, b1, W2, b2):
    return _forward(x, edge_index, edge_attr, batch, W0, b0, W_rel, W_root, b_conv,
                    W_ih, W_hh, b_ih, b_hh, W1, b1, W2, b2)

if __name__ == "__main__":
    import jax
    _d = setup_inputs()
    print(jax.jit(kernel)(*tuple(_d.values())))

</pallas_src>

<mosaic_0001>
#map = affine_map<(d0, d1) -> (0, 0)>
#map1 = affine_map<(d0, d1) -> (0)>
module attributes {stable_mosaic.version = 14 : i64} {
  func.func @body(%arg0: i32, %arg1: i32, %arg2: memref<20000x32xf32, #tpu.memory_space<hbm>>, %arg3: memref<323584xi32, #tpu.memory_space<hbm>>, %arg4: memref<323584xi32, #tpu.memory_space<hbm>>, %arg5: memref<3200x32xf32, #tpu.memory_space<hbm>>, %arg6: memref<128x32xf32, #tpu.memory_space<hbm>>, %arg7: memref<100096x32xf32, #tpu.memory_space<hbm>>, %arg8: memref<128xi32, #tpu.memory_space<vmem>>, %arg9: memref<128xi32, #tpu.memory_space<vmem>>, %arg10: memref<128x32xf32, #tpu.memory_space<vmem>>, %arg11: memref<51200x32xf32, #tpu.memory_space<vmem_shared>>, %arg12: memref<!tpu.dma_semaphore, #tpu.memory_space<semaphore_mem>>) attributes {dimension_semantics = [#tpu.dimension_semantics<core_parallel>, #tpu.dimension_semantics<subcore_parallel>], iteration_bounds = array<i64: 2, 16>, scalar_prefetch = 0 : i64, scratch_operands = 5 : i64, tpu.core_type = #tpu.core_type<sc_vector_subcore>, window_params = [{transform_indices = #map}, {transform_indices = #map1}, {transform_indices = #map1}, {transform_indices = #map}, {transform_indices = #map}, {transform_indices = #map}]} {
    %mul3A = arith.constant 3200 : i32
    %mul3A_0 = arith.muli %arg1, %mul3A : i32
    "tpu.region"() ({
      %run_scoped3A = tpu.sem_alloc : memref<!tpu.dma_semaphore, #tpu.memory_space<semaphore_mem>>
      %dma_start3A = arith.constant 0 : i32
      %dma_start3A_15 = tpu.memref_slice %arg11[%mul3A_0, %dma_start3A] : memref<51200x32xf32, #tpu.memory_space<vmem_shared>> -> memref<3200x32xf32, #tpu.memory_space<vmem_shared>>
      tpu.enqueue_dma source(%arg5 : memref<3200x32xf32, #tpu.memory_space<hbm>>) target(%dma_start3A_15 : memref<3200x32xf32, #tpu.memory_space<vmem_shared>>) target_semaphore(%run_scoped3A : memref<!tpu.dma_semaphore, #tpu.memory_space<semaphore_mem>>)
      %dma_wait3A = arith.constant 0 : i32
      %dma_wait3A_16 = tpu.memref_slice %arg11[%mul3A_0, %dma_wait3A] : memref<51200x32xf32, #tpu.memory_space<vmem_shared>> -> memref<3200x32xf32, #tpu.memory_space<vmem_shared>>
      tpu.wait_dma2 semaphore(%run_scoped3A : memref<!tpu.dma_semaphore, #tpu.memory_space<semaphore_mem>>) src(%arg5 : memref<3200x32xf32, #tpu.memory_space<hbm>>) dst(%dma_wait3A_16 : memref<3200x32xf32, #tpu.memory_space<vmem_shared>>)
      tpu.yield
    }) : () -> ()
    %barrier3A = arith.constant 0 : index
    tpu.barrier barrier_id(%barrier3A)
    %mul3A_1 = arith.constant 20224 : i32
    %mul3A_2 = arith.muli %arg1, %mul3A_1 : i32
    %scan3A = arith.constant 0 : i32
    %scan3A_3 = arith.constant 0 : i32
    %scan3A_4 = arith.constant 158 : i32
    %scan3A_5 = arith.addi %scan3A_3, %scan3A_4 : i32
    %scan3A_6 = arith.constant 1 : i32
    scf.for %scan3A_15 = %scan3A_3 to %scan3A_5 step %scan3A_6  : i32 {
      %mul3A_16 = arith.constant 128 : i32
      %mul3A_17 = arith.muli %scan3A_15, %mul3A_16 : i32
      %add3A_18 = arith.addi %mul3A_2, %mul3A_17 : i32
      "tpu.region"() ({
        %run_scoped3A = tpu.sem_alloc : memref<!tpu.dma_semaphore, #tpu.memory_space<semaphore_mem>>
        %dma_start3A_109 = tpu.memref_slice %arg4[%add3A_18] : memref<323584xi32, #tpu.memory_space<hbm>> -> memref<128xi32, #tpu.memory_space<hbm>>
        %dma_start3A_110 = tpu.memref_slice %arg4[%add3A_18] : memref<323584xi32, #tpu.memory_space<hbm>> -> memref<128xi32, #tpu.memory_space<hbm>>
        tpu.enqueue_dma source(%dma_start3A_110 : memref<128xi32, #tpu.memory_space<hbm>>) target(%arg9 : memref<128xi32, #tpu.memory_space<vmem>>) target_semaphore(%run_scoped3A : memref<!tpu.dma_semaphore, #tpu.memory_space<semaphore_mem>>)
        %dma_wait3A_111 = tpu.memref_slice %arg4[%add3A_18] : memref<323584xi32, #tpu.memory_space<hbm>> -> memref<128xi32, #tpu.memory_space<hbm>>
        %dma_wait3A_112 = tpu.memref_slice %arg4[%add3A_18] : memref<323584xi32, #tpu.memory_space<hbm>> -> memref<128xi32, #tpu.memory_space<hbm>>
        tpu.wait_dma2 semaphore(%run_scoped3A : memref<!tpu.dma_semaphore, #tpu.memory_space<semaphore_mem>>) src(%dma_wait3A_112 : memref<128xi32, #tpu.memory_space<hbm>>) dst(%arg9 : memref<128xi32, #tpu.memory_space<vmem>>)
        tpu.yield
      }) : () -> ()
      "tpu.region"() ({
        %run_scoped3A = tpu.sem_alloc : memref<!tpu.dma_semaphore, #tpu.memory_space<semaphore_mem>>
        %dma_start3A_109 = tpu.memref_slice %arg3[%add3A_18] : memref<323584xi32, #tpu.memory_space<hbm>> -> memref<128xi32, #tpu.memory_space<hbm>>
        %dma_start3A_110 = tpu.memref_slice %arg3[%add3A_18] : memref<323584xi32, #tpu.memory_space<hbm>> -> memref<128xi32, #tpu.memory_space<hbm>>
        tpu.enqueue_dma source(%dma_start3A_110 : memref<128xi32, #tpu.memory_space<hbm>>) target(%arg8 : memref<128xi32, #tpu.memory_space<vmem>>) target_semaphore(%run_scoped3A : memref<!tpu.dma_semaphore, #tpu.memory_space<semaphore_mem>>)
        %dma_wait3A_111 = tpu.memref_slice %arg3[%add3A_18] : memref<323584xi32, #tpu.memory_space<hbm>> -> memref<128xi32, #tpu.memory_space<hbm>>
        %dma_wait3A_112 = tpu.memref_slice %arg3[%add3A_18] : memref<323584xi32, #tpu.memory_space<hbm>> -> memref<128xi32, #tpu.memory_space<hbm>>
        tpu.wait_dma2 semaphore(%run_scoped3A : memref<!tpu.dma_semaphore, #tpu.memory_space<semaphore_mem>>) src(%dma_wait3A_112 : memref<128xi32, #tpu.memory_space<hbm>>) dst(%arg8 : memref<128xi32, #tpu.memory_space<vmem>>)
        tpu.yield
      }) : () -> ()
      %get3A = arith.constant 0 : index
      %get3A_19 = tpu.vector_load %arg8[%get3A] {strides = array<i32>} : memref<128xi32, #tpu.memory_space<vmem>>, vector<16xi32>,
      %get3A_20 = vector.shape_cast %get3A_19 : vector<16xi32> to vector<16xi32>
      %mul3A_21 = arith.constant 10000 : i32
      %mul3A_22 = arith.muli %arg0, %mul3A_21 : i32
      %add3A_23 = vector.broadcast %mul3A_22 : i32 to vector<16xi32>
      %add3A_24 = arith.addi %get3A_20, %add3A_23 : vector<16xi32>
      %swap3A = arith.constant 0 : index
      %swap3A_25 = tpu.vector_load %arg8[%swap3A] {strides = array<i32>} : memref<128xi32, #tpu.memory_space<vmem>>, vector<16xi32>,
      %swap3A_26 = vector.shape_cast %swap3A_25 : vector<16xi32> to vector<16xi32>
      %swap3A_27 = vector.shape_cast %add3A_24 : vector<16xi32> to vector<16xi32>
      tpu.vector_store %arg8[%swap3A], %swap3A_27 {strides = array<i32>} : memref<128xi32, #tpu.memory_space<vmem>>, vector<16xi32>,
      %get3A_28 = arith.constant 16 : index
      %get3A_29 = tpu.vector_load %arg8[%get3A_28] {strides = array<i32>} : memref<128xi32, #tpu.memory_space<vmem>>, vector<16xi32>,
      %get3A_30 = vector.shape_cast %get3A_29 : vector<16xi32> to vector<16xi32>
      %mul3A_31 = arith.constant 10000 : i32
      %mul3A_32 = arith.muli %arg0, %mul3A_31 : i32
      %add3A_33 = vector.broadcast %mul3A_32 : i32 to vector<16xi32>
      %add3A_34 = arith.addi %get3A_30, %add3A_33 : vector<16xi32>
      %swap3A_35 = arith.constant 16 : index
      %swap3A_36 = tpu.vector_load %arg8[%swap3A_35] {strides = array<i32>} : memref<128xi32, #tpu.memory_space<vmem>>, vector<16xi32>,
      %swap3A_37 = vector.shape_cast %swap3A_36 : vector<16xi32> to vector<16xi32>
      %swap3A_38 = vector.shape_cast %add3A_34 : vector<16xi32> to vector<16xi32>
      tpu.vector_store %arg8[%swap3A_35], %swap3A_38 {strides = array<i32>} : memref<128xi32, #tpu.memory_space<vmem>>, vector<16xi32>,
      %get3A_39 = arith.constant 32 : index
      %get3A_40 = tpu.vector_load %arg8[%get3A_39] {strides = array<i32>} : memref<128xi32, #tpu.memory_space<vmem>>, vector<16xi32>,
      %get3A_41 = vector.shape_cast %get3A_40 : vector<16xi32> to vector<16xi32>
      %mul3A_42 = arith.constant 10000 : i32
      %mul3A_43 = arith.muli %arg0, %mul3A_42 : i32
      %add3A_44 = vector.broadcast %mul3A_43 : i32 to vector<16xi32>
      %add3A_45 = arith.addi %get3A_41, %add3A_44 : vector<16xi32>
      %swap3A_46 = arith.constant 32 : index
      %swap3A_47 = tpu.vector_load %arg8[%swap3A_46] {strides = array<i32>} : memref<128xi32, #tpu.memory_space<vmem>>, vector<16xi32>,
      %swap3A_48 = vector.shape_cast %swap3A_47 : vector<16xi32> to vector<16xi32>
      %swap3A_49 = vector.shape_cast %add3A_45 : vector<16xi32> to vector<16xi32>
      tpu.vector_store %arg8[%swap3A_46], %swap3A_49 {strides = array<i32>} : memref<128xi32, #tpu.memory_space<vmem>>, vector<16xi32>,
      %get3A_50 = arith.constant 48 : index
      %get3A_51 = tpu.vector_load %arg8[%get3A_50] {strides = array<i32>} : memref<128xi32, #tpu.memory_space<vmem>>, vector<16xi32>,
      %get3A_52 = vector.shape_cast %get3A_51 : vector<16xi32> to vector<16xi32>
      %mul3A_53 = arith.constant 10000 : i32
      %mul3A_54 = arith.muli %arg0, %mul3A_53 : i32
      %add3A_55 = vector.broadcast %mul3A_54 : i32 to vector<16xi32>
      %add3A_56 = arith.addi %get3A_52, %add3A_55 : vector<16xi32>
      %swap3A_57 = arith.constant 48 : index
      %swap3A_58 = tpu.vector_load %arg8[%swap3A_57] {strides = array<i32>} : memref<128xi32, #tpu.memory_space<vmem>>, vector<16xi32>,
      %swap3A_59 = vector.shape_cast %swap3A_58 : vector<16xi32> to vector<16xi32>
      %swap3A_60 = vector.shape_cast %add3A_56 : vector<16xi32> to vector<16xi32>
      tpu.vector_store %arg8[%swap3A_57], %swap3A_60 {strides = array<i32>} : memref<128xi32, #tpu.memory_space<vmem>>, vector<16xi32>,
      %get3A_61 = arith.constant 64 : index
      %get3A_62 = tpu.vector_load %arg8[%get3A_61] {strides = array<i32>} : memref<128xi32, #tpu.memory_space<vmem>>, vector<16xi32>,
      %get3A_63 = vector.shape_cast %get3A_62 : vector<16xi32> to vector<16xi32>
      %mul3A_64 = arith.constant 10000 : i32
      %mul3A_65 = arith.muli %arg0, %mul3A_64 : i32
      %add3A_66 = vector.broadcast %mul3A_65 : i32 to vector<16xi32>
      %add3A_67 = arith.addi %get3A_63, %add3A_66 : vector<16xi32>
      %swap3A_68 = arith.constant 64 : index
      %swap3A_69 = tpu.vector_load %arg8[%swap3A_68] {strides = array<i32>} : memref<128xi32, #tpu.memory_space<vmem>>, vector<16xi32>,
      %swap3A_70 = vector.shape_cast %swap3A_69 : vector<16xi32> to vector<16xi32>
      %swap3A_71 = vector.shape_cast %add3A_67 : vector<16xi32> to vector<16xi32>
      tpu.vector_store %arg8[%swap3A_68], %swap3A_71 {strides = array<i32>} : memref<128xi32, #tpu.memory_space<vmem>>, vector<16xi32>,
      %get3A_72 = arith.constant 80 : index
      %get3A_73 = tpu.vector_load %arg8[%get3A_72] {strides = array<i32>} : memref<128xi32, #tpu.memory_space<vmem>>, vector<16xi32>,
      %get3A_74 = vector.shape_cast %get3A_73 : vector<16xi32> to vector<16xi32>
      %mul3A_75 = arith.constant 10000 : i32
      %mul3A_76 = arith.muli %arg0, %mul3A_75 : i32
      %add3A_77 = vector.broadcast %mul3A_76 : i32 to vector<16xi32>
      %add3A_78 = arith.addi %get3A_74, %add3A_77 : vector<16xi32>
      %swap3A_79 = arith.constant 80 : index
      %swap3A_80 = tpu.vector_load %arg8[%swap3A_79] {strides = array<i32>} : memref<128xi32, #tpu.memory_space<vmem>>, vector<16xi32>,
      %swap3A_81 = vector.shape_cast %swap3A_80 : vector<16xi32> to vector<16xi32>
      %swap3A_82 = vector.shape_cast %add3A_78 : vector<16xi32> to vector<16xi32>
      tpu.vector_store %arg8[%swap3A_79], %swap3A_82 {strides = array<i32>} : memref<128xi32, #tpu.memory_space<vmem>>, vector<16xi32>,
      %get3A_83 = arith.constant 96 : index
      %get3A_84 = tpu.vector_load %arg8[%get3A_83] {strides = array<i32>} : memref<128xi32, #tpu.memory_space<vmem>>, vector<16xi32>,
      %get3A_85 = vector.shape_cast %get3A_84 : vector<16xi32> to vector<16xi32>
      %mul3A_86 = arith.constant 10000 : i32
      %mul3A_87 = arith.muli %arg0, %mul3A_86 : i32
      %add3A_88 = vector.broadcast %mul3A_87 : i32 to vector<16xi32>
      %add3A_89 = arith.addi %get3A_85, %add3A_88 : vector<16xi32>
      %swap3A_90 = arith.constant 96 : index
      %swap3A_91 = tpu.vector_load %arg8[%swap3A_90] {strides = array<i32>} : memref<128xi32, #tpu.memory_space<vmem>>, vector<16xi32>,
      %swap3A_92 = vector.shape_cast %swap3A_91 : vector<16xi32> to vector<16xi32>
      %swap3A_93 = vector.shape_cast %add3A_89 : vector<16xi32> to vector<16xi32>
      tpu.vector_store %arg8[%swap3A_90], %swap3A_93 {strides = array<i32>} : memref<128xi32, #tpu.memory_space<vmem>>, vector<16xi32>,
      %get3A_94 = arith.constant 112 : index
      %get3A_95 = tpu.vector_load %arg8[%get3A_94] {strides = array<i32>} : memref<128xi32, #tpu.memory_space<vmem>>, vector<16xi32>,
      %get3A_96 = vector.shape_cast %get3A_95 : vector<16xi32> to vector<16xi32>
      %mul3A_97 = arith.constant 10000 : i32
      %mul3A_98 = arith.muli %arg0, %mul3A_97 : i32
      %add3A_99 = vector.broadcast %mul3A_98 : i32 to vector<16xi32>
      %add3A_100 = arith.addi %get3A_96, %add3A_99 : vector<16xi32>
      %swap3A_101 = arith.constant 112 : index
      %swap3A_102 = tpu.vector_load %arg8[%swap3A_101] {strides = array<i32>} : memref<128xi32, #tpu.memory_space<vmem>>, vector<16xi32>,
      %swap3A_103 = vector.shape_cast %swap3A_102 : vector<16xi32> to vector<16xi32>
      %swap3A_104 = vector.shape_cast %add3A_100 : vector<16xi32> to vector<16xi32>
      tpu.vector_store %arg8[%swap3A_101], %swap3A_104 {strides = array<i32>} : memref<128xi32, #tpu.memory_space<vmem>>, vector<16xi32>,
      %dma_start3A = arith.constant 0 : i32
      %dma_start3A_105 = arith.constant 0 : i32
      %dma_start3A_106 = tpu.memref_slice %arg2[%dma_start3A, %dma_start3A_105] : memref<20000x32xf32, #tpu.memory_space<hbm>> -> memref<20000x32xf32, #tpu.memory_space<hbm>>
      tpu.enqueue_indirect_dma source(%dma_start3A_106 : memref<20000x32xf32, #tpu.memory_space<hbm>>) target(%arg10 : memref<128x32xf32, #tpu.memory_space<vmem>>) offsets(%arg8 : memref<128xi32, #tpu.memory_space<vmem>>) semaphore(%arg12 : memref<!tpu.dma_semaphore, #tpu.memory_space<semaphore_mem>>)
      %dma_wait3A = arith.constant 0 : i32
      %dma_wait3A_107 = arith.constant 0 : i32
      %dma_wait3A_108 = tpu.memref_slice %arg2[%dma_wait3A, %dma_wait3A_107] : memref<20000x32xf32, #tpu.memory_space<hbm>> -> memref<20000x32xf32, #tpu.memory_space<hbm>>
      tpu.wait_indirect_dma semaphore(%arg12 : memref<!tpu.dma_semaphore, #tpu.memory_space<semaphore_mem>>) src(%dma_wait3A_108 : memref<20000x32xf32, #tpu.memory_space<hbm>>) dst(%arg10 : memref<128x32xf32, #tpu.memory_space<vmem>>)
      "tpu.region"() ({
        %run_scoped3A = tpu.sem_alloc : memref<!tpu.dma_semaphore, #tpu.memory_space<semaphore_mem>>
        %dma_start3A_109 = arith.constant 0 : i32
        %dma_start3A_110 = arith.constant 0 : i32
        %dma_start3A_111 = tpu.memref_slice %arg11[%dma_start3A_109, %dma_start3A_110] : memref<51200x32xf32, #tpu.memory_space<vmem_shared>> -> memref<51200x32xf32, #tpu.memory_space<vmem_shared>>
        tpu.enqueue_indirect_dma source(%arg10 : memref<128x32xf32, #tpu.memory_space<vmem>>) target(%dma_start3A_111 : memref<51200x32xf32, #tpu.memory_space<vmem_shared>>) offsets(%arg9 : memref<128xi32, #tpu.memory_space<vmem>>) semaphore(%run_scoped3A : memref<!tpu.dma_semaphore, #tpu.memory_space<semaphore_mem>>) {add = true}
        %dma_wait3A_112 = arith.constant 0 : i32
        %dma_wait3A_113 = arith.constant 0 : i32
        %dma_wait3A_114 = tpu.memref_slice %arg11[%dma_wait3A_112, %dma_wait3A_113] : memref<51200x32xf32, #tpu.memory_space<vmem_shared>> -> memref<51200x32xf32, #tpu.memory_space<vmem_shared>>
        tpu.wait_indirect_dma semaphore(%run_scoped3A : memref<!tpu.dma_semaphore, #tpu.memory_space<semaphore_mem>>) src(%arg10 : memref<128x32xf32, #tpu.memory_space<vmem>>) dst(%dma_wait3A_114 : memref<51200x32xf32, #tpu.memory_space<vmem_shared>>)
        tpu.yield
      }) : () -> ()
    }
    %scan3A_7 = arith.constant 158 : i32
    %barrier3A_8 = arith.constant 0 : index
    tpu.barrier barrier_id(%barrier3A_8)
    %mul3A_9 = arith.constant 3128 : i32
    %mul3A_10 = arith.muli %arg1, %mul3A_9 : i32
    %mul3A_11 = arith.constant 50048 : i32
    %mul3A_12 = arith.muli %arg0, %mul3A_11 : i32
    %mul3A_13 = arith.constant 3128 : i32
    %mul3A_14 = arith.muli %arg1, %mul3A_13 : i32
    %add3A = arith.addi %mul3A_12, %mul3A_14 : i32
    "tpu.region"() ({
      %run_scoped3A = tpu.sem_alloc : memref<!tpu.dma_semaphore, #tpu.memory_space<semaphore_mem>>
      %dma_start3A = arith.constant 0 : i32
      %dma_start3A_15 = tpu.memref_slice %arg7[%add3A, %dma_start3A] : memref<100096x32xf32, #tpu.memory_space<hbm>> -> memref<3128x32xf32, #tpu.memory_space<hbm>>
      %dma_start3A_16 = arith.constant 0 : i32
      %dma_start3A_17 = tpu.memref_slice %arg11[%mul3A_10, %dma_start3A_16] : memref<51200x32xf32, #tpu.memory_space<vmem_shared>> -> memref<3128x32xf32, #tpu.memory_space<vmem_shared>>
      tpu.enqueue_dma source(%dma_start3A_17 : memref<3128x32xf32, #tpu.memory_space<vmem_shared>>) target(%dma_start3A_15 : memref<3128x32xf32, #tpu.memory_space<hbm>>) target_semaphore(%run_scoped3A : memref<!tpu.dma_semaphore, #tpu.memory_space<semaphore_mem>>)
      %dma_wait3A = arith.constant 0 : i32
      %dma_wait3A_18 = tpu.memref_slice %arg7[%add3A, %dma_wait3A] : memref<100096x32xf32, #tpu.memory_space<hbm>> -> memref<3128x32xf32, #tpu.memory_space<hbm>>
      %dma_wait3A_19 = arith.constant 0 : i32
      %dma_wait3A_20 = tpu.memref_slice %arg11[%mul3A_10, %dma_wait3A_19] : memref<51200x32xf32, #tpu.memory_space<vmem_shared>> -> memref<3128x32xf32, #tpu.memory_space<vmem_shared>>
      tpu.wait_dma2 semaphore(%run_scoped3A : memref<!tpu.dma_semaphore, #tpu.memory_space<semaphore_mem>>) src(%dma_wait3A_20 : memref<3128x32xf32, #tpu.memory_space<vmem_shared>>) dst(%dma_wait3A_18 : memref<3128x32xf32, #tpu.memory_space<hbm>>)
      tpu.yield
    }) : () -> ()
    return
  }
}

#map = affine_map<(d0, d1) -> (0, 0)>
#map1 = affine_map<(d0, d1) -> (0)>
module attributes {stable_mosaic.version = 14 : i64} {
  func.func @body(%arg0: i32, %arg1: i32, %arg2: memref<20000x32xf32, #tpu.memory_space<hbm>>, %arg3: memref<323584xi32, #tpu.memory_space<hbm>>, %arg4: memref<323584xi32, #tpu.memory_space<hbm>>, %arg5: memref<3200x32xf32, #tpu.memory_space<hbm>>, %arg6: memref<128x32xf32, #tpu.memory_space<hbm>>, %arg7: memref<100096x32xf32, #tpu.memory_space<hbm>>, %arg8: memref<128xi32, #tpu.memory_space<vmem>>, %arg9: memref<128xi32, #tpu.memory_space<vmem>>, %arg10: memref<128x32xf32, #tpu.memory_space<vmem>>, %arg11: memref<51200x32xf32, #tpu.memory_space<vmem_shared>>, %arg12: memref<!tpu.dma_semaphore, #tpu.memory_space<semaphore_mem>>) attributes {dimension_semantics = [#tpu.dimension_semantics<core_parallel>, #tpu.dimension_semantics<subcore_parallel>], iteration_bounds = array<i64: 2, 16>, scalar_prefetch = 0 : i64, scratch_operands = 5 : i64, tpu.core_type = #tpu.core_type<sc_vector_subcore>, window_params = [{transform_indices = #map}, {transform_indices = #map1}, {transform_indices = #map1}, {transform_indices = #map}, {transform_indices = #map}, {transform_indices = #map}]} {
    %mul3A = arith.constant 3200 : i32
    %mul3A_0 = arith.muli %arg1, %mul3A : i32
    "tpu.region"() ({
      %run_scoped3A = tpu.sem_alloc : memref<!tpu.dma_semaphore, #tpu.memory_space<semaphore_mem>>
      %dma_start3A = arith.constant 0 : i32
      %dma_start3A_15 = tpu.memref_slice %arg11[%mul3A_0, %dma_start3A] : memref<51200x32xf32, #tpu.memory_space<vmem_shared>> -> memref<3200x32xf32, #tpu.memory_space<vmem_shared>>
      tpu.enqueue_dma source(%arg5 : memref<3200x32xf32, #tpu.memory_space<hbm>>) target(%dma_start3A_15 : memref<3200x32xf32, #tpu.memory_space<vmem_shared>>) target_semaphore(%run_scoped3A : memref<!tpu.dma_semaphore, #tpu.memory_space<semaphore_mem>>)
      %dma_wait3A = arith.constant 0 : i32
      %dma_wait3A_16 = tpu.memref_slice %arg11[%mul3A_0, %dma_wait3A] : memref<51200x32xf32, #tpu.memory_space<vmem_shared>> -> memref<3200x32xf32, #tpu.memory_space<vmem_shared>>
      tpu.wait_dma2 semaphore(%run_scoped3A : memref<!tpu.dma_semaphore, #tpu.memory_space<semaphore_mem>>) src(%arg5 : memref<3200x32xf32, #tpu.memory_space<hbm>>) dst(%dma_wait3A_16 : memref<3200x32xf32, #tpu.memory_space<vmem_shared>>)
      tpu.yield
    }) : () -> ()
    %barrier3A = arith.constant 0 : index
    tpu.barrier barrier_id(%barrier3A)
    %mul3A_1 = arith.constant 20224 : i32
    %mul3A_2 = arith.muli %arg1, %mul3A_1 : i32
    %scan3A = arith.constant 0 : i32
    %scan3A_3 = arith.constant 0 : i32
    %scan3A_4 = arith.constant 158 : i32
    %scan3A_5 = arith.addi %scan3A_3, %scan3A_4 : i32
    %scan3A_6 = arith.constant 1 : i32
    scf.for %scan3A_15 = %scan3A_3 to %scan3A_5 step %scan3A_6  : i32 {
      %mul3A_16 = arith.constant 128 : i32
      %mul3A_17 = arith.muli %scan3A_15, %mul3A_16 : i32
      %add3A_18 = arith.addi %mul3A_2, %mul3A_17 : i32
      "tpu.region"() ({
        %run_scoped3A = tpu.sem_alloc : memref<!tpu.dma_semaphore, #tpu.memory_space<semaphore_mem>>
        %dma_start3A_109 = tpu.memref_slice %arg4[%add3A_18] : memref<323584xi32, #tpu.memory_space<hbm>> -> memref<128xi32, #tpu.memory_space<hbm>>
        %dma_start3A_110 = tpu.memref_slice %arg4[%add3A_18] : memref<323584xi32, #tpu.memory_space<hbm>> -> memref<128xi32, #tpu.memory_space<hbm>>
        tpu.enqueue_dma source(%dma_start3A_110 : memref<128xi32, #tpu.memory_space<hbm>>) target(%arg9 : memref<128xi32, #tpu.memory_space<vmem>>) target_semaphore(%run_scoped3A : memref<!tpu.dma_semaphore, #tpu.memory_space<semaphore_mem>>)
        %dma_wait3A_111 = tpu.memref_slice %arg4[%add3A_18] : memref<323584xi32, #tpu.memory_space<hbm>> -> memref<128xi32, #tpu.memory_space<hbm>>
        %dma_wait3A_112 = tpu.memref_slice %arg4[%add3A_18] : memref<323584xi32, #tpu.memory_space<hbm>> -> memref<128xi32, #tpu.memory_space<hbm>>
        tpu.wait_dma2 semaphore(%run_scoped3A : memref<!tpu.dma_semaphore, #tpu.memory_space<semaphore_mem>>) src(%dma_wait3A_112 : memref<128xi32, #tpu.memory_space<hbm>>) dst(%arg9 : memref<128xi32, #tpu.memory_space<vmem>>)
        tpu.yield
      }) : () -> ()
      "tpu.region"() ({
        %run_scoped3A = tpu.sem_alloc : memref<!tpu.dma_semaphore, #tpu.memory_space<semaphore_mem>>
        %dma_start3A_109 = tpu.memref_slice %arg3[%add3A_18] : memref<323584xi32, #tpu.memory_space<hbm>> -> memref<128xi32, #tpu.memory_space<hbm>>
        %dma_start3A_110 = tpu.memref_slice %arg3[%add3A_18] : memref<323584xi32, #tpu.memory_space<hbm>> -> memref<128xi32, #tpu.memory_space<hbm>>
        tpu.enqueue_dma source(%dma_start3A_110 : memref<128xi32, #tpu.memory_space<hbm>>) target(%arg8 : memref<128xi32, #tpu.memory_space<vmem>>) target_semaphore(%run_scoped3A : memref<!tpu.dma_semaphore, #tpu.memory_space<semaphore_mem>>)
        %dma_wait3A_111 = tpu.memref_slice %arg3[%add3A_18] : memref<323584xi32, #tpu.memory_space<hbm>> -> memref<128xi32, #tpu.memory_space<hbm>>
        %dma_wait3A_112 = tpu.memref_slice %arg3[%add3A_18] : memref<323584xi32, #tpu.memory_space<hbm>> -> memref<128xi32, #tpu.memory_space<hbm>>
        tpu.wait_dma2 semaphore(%run_scoped3A : memref<!tpu.dma_semaphore, #tpu.memory_space<semaphore_mem>>) src(%dma_wait3A_112 : memref<128xi32, #tpu.memory_space<hbm>>) dst(%arg8 : memref<128xi32, #tpu.memory_space<vmem>>)
        tpu.yield
      }) : () -> ()
      %get3A = arith.constant 0 : index
      %get3A_19 = tpu.vector_load %arg8[%get3A] {strides = array<i32>} : memref<128xi32, #tpu.memory_space<vmem>>, vector<16xi32>,
      %get3A_20 = vector.shape_cast %get3A_19 : vector<16xi32> to vector<16xi32>
      %mul3A_21 = arith.constant 10000 : i32
      %mul3A_22 = arith.muli %arg0, %mul3A_21 : i32
      %add3A_23 = vector.broadcast %mul3A_22 : i32 to vector<16xi32>
      %add3A_24 = arith.addi %get3A_20, %add3A_23 : vector<16xi32>
      %swap3A = arith.constant 0 : index
      %swap3A_25 = tpu.vector_load %arg8[%swap3A] {strides = array<i32>} : memref<128xi32, #tpu.memory_space<vmem>>, vector<16xi32>,
      %swap3A_26 = vector.shape_cast %swap3A_25 : vector<16xi32> to vector<16xi32>
      %swap3A_27 = vector.shape_cast %add3A_24 : vector<16xi32> to vector<16xi32>
      tpu.vector_store %arg8[%swap3A], %swap3A_27 {strides = array<i32>} : memref<128xi32, #tpu.memory_space<vmem>>, vector<16xi32>,
      %get3A_28 = arith.constant 16 : index
      %get3A_29 = tpu.vector_load %arg8[%get3A_28] {strides = array<i32>} : memref<128xi32, #tpu.memory_space<vmem>>, vector<16xi32>,
      %get3A_30 = vector.shape_cast %get3A_29 : vector<16xi32> to vector<16xi32>
      %mul3A_31 = arith.constant 10000 : i32
      %mul3A_32 = arith.muli %arg0, %mul3A_31 : i32
      %add3A_33 = vector.broadcast %mul3A_32 : i32 to vector<16xi32>
      %add3A_34 = arith.addi %get3A_30, %add3A_33 : vector<16xi32>
      %swap3A_35 = arith.constant 16 : index
      %swap3A_36 = tpu.vector_load %arg8[%swap3A_35] {strides = array<i32>} : memref<128xi32, #tpu.memory_space<vmem>>, vector<16xi32>,
      %swap3A_37 = vector.shape_cast %swap3A_36 : vector<16xi32> to vector<16xi32>
      %swap3A_38 = vector.shape_cast %add3A_34 : vector<16xi32> to vector<16xi32>
      tpu.vector_store %arg8[%swap3A_35], %swap3A_38 {strides = array<i32>} : memref<128xi32, #tpu.memory_space<vmem>>, vector<16xi32>,
      %get3A_39 = arith.constant 32 : index
      %get3A_40 = tpu.vector_load %arg8[%get3A_39] {strides = array<i32>} : memref<128xi32, #tpu.memory_space<vmem>>, vector<16xi32>,
      %get3A_41 = vector.shape_cast %get3A_40 : vector<16xi32> to vector<16xi32>
      %mul3A_42 = arith.constant 10000 : i32
      %mul3A_43 = arith.muli %arg0, %mul3A_42 : i32
      %add3A_44 = vector.broadcast %mul3A_43 : i32 to vector<16xi32>
      %add3A_45 = arith.addi %get3A_41, %add3A_44 : vector<16xi32>
      %swap3A_46 = arith.constant 32 : index
      %swap3A_47 = tpu.vector_load %arg8[%swap3A_46] {strides = array<i32>} : memref<128xi32, #tpu.memory_space<vmem>>, vector<16xi32>,
      %swap3A_48 = vector.shape_cast %swap3A_47 : vector<16xi32> to vector<16xi32>
      %swap3A_49 = vector.shape_cast %add3A_45 : vector<16xi32> to vector<16xi32>
      tpu.vector_store %arg8[%swap3A_46], %swap3A_49 {strides = array<i32>} : memref<128xi32, #tpu.memory_space<vmem>>, vector<16xi32>,
      %get3A_50 = arith.constant 48 : index
      %get3A_51 = tpu.vector_load %arg8[%get3A_50] {strides = array<i32>} : memref<128xi32, #tpu.memory_space<vmem>>, vector<16xi32>,
      %get3A_52 = vector.shape_cast %get3A_51 : vector<16xi32> to vector<16xi32>
      %mul3A_53 = arith.constant 10000 : i32
      %mul3A_54 = arith.muli %arg0, %mul3A_53 : i32
      %add3A_55 = vector.broadcast %mul3A_54 : i32 to vector<16xi32>
      %add3A_56 = arith.addi %get3A_52, %add3A_55 : vector<16xi32>
      %swap3A_57 = arith.constant 48 : index
      %swap3A_58 = tpu.vector_load %arg8[%swap3A_57] {strides = array<i32>} : memref<128xi32, #tpu.memory_space<vmem>>, vector<16xi32>,
      %swap3A_59 = vector.shape_cast %swap3A_58 : vector<16xi32> to vector<16xi32>
      %swap3A_60 = vector.shape_cast %add3A_56 : vector<16xi32> to vector<16xi32>
      tpu.vector_store %arg8[%swap3A_57], %swap3A_60 {strides = array<i32>} : memref<128xi32, #tpu.memory_space<vmem>>, vector<16xi32>,
      %get3A_61 = arith.constant 64 : index
      %get3A_62 = tpu.vector_load %arg8[%get3A_61] {strides = array<i32>} : memref<128xi32, #tpu.memory_space<vmem>>, vector<16xi32>,
      %get3A_63 = vector.shape_cast %get3A_62 : vector<16xi32> to vector<16xi32>
      %mul3A_64 = arith.constant 10000 : i32
      %mul3A_65 = arith.muli %arg0, %mul3A_64 : i32
      %add3A_66 = vector.broadcast %mul3A_65 : i32 to vector<16xi32>
      %add3A_67 = arith.addi %get3A_63, %add3A_66 : vector<16xi32>
      %swap3A_68 = arith.constant 64 : index
      %swap3A_69 = tpu.vector_load %arg8[%swap3A_68] {strides = array<i32>} : memref<128xi32, #tpu.memory_space<vmem>>, vector<16xi32>,
      %swap3A_70 = vector.shape_cast %swap3A_69 : vector<16xi32> to vector<16xi32>
      %swap3A_71 = vector.shape_cast %add3A_67 : vector<16xi32> to vector<16xi32>
      tpu.vector_store %arg8[%swap3A_68], %swap3A_71 {strides = array<i32>} : memref<128xi32, #tpu.memory_space<vmem>>, vector<16xi32>,
      %get3A_72 = arith.constant 80 : index
      %get3A_73 = tpu.vector_load %arg8[%get3A_72] {strides = array<i32>} : memref<128xi32, #tpu.memory_space<vmem>>, vector<16xi32>,
      %get3A_74 = vector.shape_cast %get3A_73 : vector<16xi32> to vector<16xi32>
      %mul3A_75 = arith.constant 10000 : i32
      %mul3A_76 = arith.muli %arg0, %mul3A_75 : i32
      %add3A_77 = vector.broadcast %mul3A_76 : i32 to vector<16xi32>
      %add3A_78 = arith.addi %get3A_74, %add3A_77 : vector<16xi32>
      %swap3A_79 = arith.constant 80 : index
      %swap3A_80 = tpu.vector_load %arg8[%swap3A_79] {strides = array<i32>} : memref<128xi32, #tpu.memory_space<vmem>>, vector<16xi32>,
      %swap3A_81 = vector.shape_cast %swap3A_80 : vector<16xi32> to vector<16xi32>
      %swap3A_82 = vector.shape_cast %add3A_78 : vector<16xi32> to vector<16xi32>
      tpu.vector_store %arg8[%swap3A_79], %swap3A_82 {strides = array<i32>} : memref<128xi32, #tpu.memory_space<vmem>>, vector<16xi32>,
      %get3A_83 = arith.constant 96 : index
      %get3A_84 = tpu.vector_load %arg8[%get3A_83] {strides = array<i32>} : memref<128xi32, #tpu.memory_space<vmem>>, vector<16xi32>,
      %get3A_85 = vector.shape_cast %get3A_84 : vector<16xi32> to vector<16xi32>
      %mul3A_86 = arith.constant 10000 : i32
      %mul3A_87 = arith.muli %arg0, %mul3A_86 : i32
      %add3A_88 = vector.broadcast %mul3A_87 : i32 to vector<16xi32>
      %add3A_89 = arith.addi %get3A_85, %add3A_88 : vector<16xi32>
      %swap3A_90 = arith.constant 96 : index
      %swap3A_91 = tpu.vector_load %arg8[%swap3A_90] {strides = array<i32>} : memref<128xi32, #tpu.memory_space<vmem>>, vector<16xi32>,
      %swap3A_92 = vector.shape_cast %swap3A_91 : vector<16xi32> to vector<16xi32>
      %swap3A_93 = vector.shape_cast %add3A_89 : vector<16xi32> to vector<16xi32>
      tpu.vector_store %arg8[%swap3A_90], %swap3A_93 {strides = array<i32>} : memref<128xi32, #tpu.memory_space<vmem>>, vector<16xi32>,
      %get3A_94 = arith.constant 112 : index
      %get3A_95 = tpu.vector_load %arg8[%get3A_94] {strides = array<i32>} : memref<128xi32, #tpu.memory_space<vmem>>, vector<16xi32>,
      %get3A_96 = vector.shape_cast %get3A_95 : vector<16xi32> to vector<16xi32>
      %mul3A_97 = arith.constant 10000 : i32
      %mul3A_98 = arith.muli %arg0, %mul3A_97 : i32
      %add3A_99 = vector.broadcast %mul3A_98 : i32 to vector<16xi32>
      %add3A_100 = arith.addi %get3A_96, %add3A_99 : vector<16xi32>
      %swap3A_101 = arith.constant 112 : index
      %swap3A_102 = tpu.vector_load %arg8[%swap3A_101] {strides = array<i32>} : memref<128xi32, #tpu.memory_space<vmem>>, vector<16xi32>,
      %swap3A_103 = vector.shape_cast %swap3A_102 : vector<16xi32> to vector<16xi32>
      %swap3A_104 = vector.shape_cast %add3A_100 : vector<16xi32> to vector<16xi32>
      tpu.vector_store %arg8[%swap3A_101], %swap3A_104 {strides = array<i32>} : memref<128xi32, #tpu.memory_space<vmem>>, vector<16xi32>,
      %dma_start3A = arith.constant 0 : i32
      %dma_start3A_105 = arith.constant 0 : i32
      %dma_start3A_106 = tpu.memref_slice %arg2[%dma_start3A, %dma_start3A_105] : memref<20000x32xf32, #tpu.memory_space<hbm>> -> memref<20000x32xf32, #tpu.memory_space<hbm>>
      tpu.enqueue_indirect_dma source(%dma_start3A_106 : memref<20000x32xf32, #tpu.memory_space<hbm>>) target(%arg10 : memref<128x32xf32, #tpu.memory_space<vmem>>) offsets(%arg8 : memref<128xi32, #tpu.memory_space<vmem>>) semaphore(%arg12 : memref<!tpu.dma_semaphore, #tpu.memory_space<semaphore_mem>>)
      %dma_wait3A = arith.constant 0 : i32
      %dma_wait3A_107 = arith.constant 0 : i32
      %dma_wait3A_108 = tpu.memref_slice %arg2[%dma_wait3A, %dma_wait3A_107] : memref<20000x32xf32, #tpu.memory_space<hbm>> -> memref<20000x32xf32, #tpu.memory_space<hbm>>
      tpu.wait_indirect_dma semaphore(%arg12 : memref<!tpu.dma_semaphore, #tpu.memory_space<semaphore_mem>>) src(%dma_wait3A_108 : memref<20000x32xf32, #tpu.memory_space<hbm>>) dst(%arg10 : memref<128x32xf32, #tpu.memory_space<vmem>>)
      "tpu.region"() ({
        %run_scoped3A = tpu.sem_alloc : memref<!tpu.dma_semaphore, #tpu.memory_space<semaphore_mem>>
        %dma_start3A_109 = arith.constant 0 : i32
        %dma_start3A_110 = arith.constant 0 : i32
        %dma_start3A_111 = tpu.memref_slice %arg11[%dma_start3A_109, %dma_start3A_110] : memref<51200x32xf32, #tpu.memory_space<vmem_shared>> -> memref<51200x32xf32, #tpu.memory_space<vmem_shared>>
        tpu.enqueue_indirect_dma source(%arg10 : memref<128x32xf32, #tpu.memory_space<vmem>>) target(%dma_start3A_111 : memref<51200x32xf32, #tpu.memory_space<vmem_shared>>) offsets(%arg9 : memref<128xi32, #tpu.memory_space<vmem>>) semaphore(%run_scoped3A : memref<!tpu.dma_semaphore, #tpu.memory_space<semaphore_mem>>) {add = true}
        %dma_wait3A_112 = arith.constant 0 : i32
        %dma_wait3A_113 = arith.constant 0 : i32
        %dma_wait3A_114 = tpu.memref_slice %arg11[%dma_wait3A_112, %dma_wait3A_113] : memref<51200x32xf32, #tpu.memory_space<vmem_shared>> -> memref<51200x32xf32, #tpu.memory_space<vmem_shared>>
        tpu.wait_indirect_dma semaphore(%run_scoped3A : memref<!tpu.dma_semaphore, #tpu.memory_space<semaphore_mem>>) src(%arg10 : memref<128x32xf32, #tpu.memory_space<vmem>>) dst(%dma_wait3A_114 : memref<51200x32xf32, #tpu.memory_space<vmem_shared>>)
        tpu.yield
      }) : () -> ()
    }
    %scan3A_7 = arith.constant 158 : i32
    %barrier3A_8 = arith.constant 0 : index
    tpu.barrier barrier_id(%barrier3A_8)
    %mul3A_9 = arith.constant 3128 : i32
    %mul3A_10 = arith.muli %arg1, %mul3A_9 : i32
    %mul3A_11 = arith.constant 50048 : i32
    %mul3A_12 = arith.muli %arg0, %mul3A_11 : i32
    %mul3A_13 = arith.constant 3128 : i32
    %mul3A_14 = arith.muli %arg1, %mul3A_13 : i32
    %add3A = arith.addi %mul3A_12, %mul3A_14 : i32
    "tpu.region"() ({
      %run_scoped3A = tpu.sem_alloc : memref<!tpu.dma_semaphore, #tpu.memory_space<semaphore_mem>>
      %dma_start3A = arith.constant 0 : i32
      %dma_start3A_15 = tpu.memref_slice %arg7[%add3A, %dma_start3A] : memref<100096x32xf32, #tpu.memory_space<hbm>> -> memref<3128x32xf32, #tpu.memory_space<hbm>>
      %dma_start3A_16 = arith.constant 0 : i32
      %dma_start3A_17 = tpu.memref_slice %arg11[%mul3A_10, %dma_start3A_16] : memref<51200x32xf32, #tpu.memory_space<vmem_shared>> -> memref<3128x32xf32, #tpu.memory_space<vmem_shared>>
      tpu.enqueue_dma source(%dma_start3A_17 : memref<3128x32xf32, #tpu.memory_space<vmem_shared>>) target(%dma_start3A_15 : memref<3128x32xf32, #tpu.memory_space<hbm>>) target_semaphore(%run_scoped3A : memref<!tpu.dma_semaphore, #tpu.memory_space<semaphore_mem>>)
      %dma_wait3A = arith.constant 0 : i32
      %dma_wait3A_18 = tpu.memref_slice %arg7[%add3A, %dma_wait3A] : memref<100096x32xf32, #tpu.memory_space<hbm>> -> memref<3128x32xf32, #tpu.memory_space<hbm>>
      %dma_wait3A_19 = arith.constant 0 : i32
      %dma_wait3A_20 = tpu.memref_slice %arg11[%mul3A_10, %dma_wait3A_19] : memref<51200x32xf32, #tpu.memory_space<vmem_shared>> -> memref<3128x32xf32, #tpu.memory_space<vmem_shared>>
      tpu.wait_dma2 semaphore(%run_scoped3A : memref<!tpu.dma_semaphore, #tpu.memory_space<semaphore_mem>>) src(%dma_wait3A_20 : memref<3128x32xf32, #tpu.memory_space<vmem_shared>>) dst(%dma_wait3A_18 : memref<3128x32xf32, #tpu.memory_space<hbm>>)
      tpu.yield
    }) : () -> ()
    return
  }
}

#map = affine_map<(d0, d1) -> (0, 0)>
#map1 = affine_map<(d0, d1) -> (0)>
module attributes {stable_mosaic.version = 14 : i64} {
  func.func @body(%arg0: i32, %arg1: i32, %arg2: memref<20000x32xf32, #tpu.memory_space<hbm>>, %arg3: memref<323584xi32, #tpu.memory_space<hbm>>, %arg4: memref<323584xi32, #tpu.memory_space<hbm>>, %arg5: memref<3200x32xf32, #tpu.memory_space<hbm>>, %arg6: memref<128x32xf32, #tpu.memory_space<hbm>>, %arg7: memref<100096x32xf32, #tpu.memory_space<hbm>>, %arg8: memref<128xi32, #tpu.memory_space<vmem>>, %arg9: memref<128xi32, #tpu.memory_space<vmem>>, %arg10: memref<128x32xf32, #tpu.memory_space<vmem>>, %arg11: memref<51200x32xf32, #tpu.memory_space<vmem_shared>>, %arg12: memref<!tpu.dma_semaphore, #tpu.memory_space<semaphore_mem>>) attributes {dimension_semantics = [#tpu.dimension_semantics<core_parallel>, #tpu.dimension_semantics<subcore_parallel>], iteration_bounds = array<i64: 2, 16>, scalar_prefetch = 0 : i64, scratch_operands = 5 : i64, tpu.core_type = #tpu.core_type<sc_vector_subcore>, window_params = [{transform_indices = #map}, {transform_indices = #map1}, {transform_indices = #map1}, {transform_indices = #map}, {transform_indices = #map}, {transform_indices = #map}]} {
    %mul3A = arith.constant 3200 : i32
    %mul3A_0 = arith.muli %arg1, %mul3A : i32
    "tpu.region"() ({
      %run_scoped3A = tpu.sem_alloc : memref<!tpu.dma_semaphore, #tpu.memory_space<semaphore_mem>>
      %dma_start3A = arith.constant 0 : i32
      %dma_start3A_15 = tpu.memref_slice %arg11[%mul3A_0, %dma_start3A] : memref<51200x32xf32, #tpu.memory_space<vmem_shared>> -> memref<3200x32xf32, #tpu.memory_space<vmem_shared>>
      tpu.enqueue_dma source(%arg5 : memref<3200x32xf32, #tpu.memory_space<hbm>>) target(%dma_start3A_15 : memref<3200x32xf32, #tpu.memory_space<vmem_shared>>) target_semaphore(%run_scoped3A : memref<!tpu.dma_semaphore, #tpu.memory_space<semaphore_mem>>)
      %dma_wait3A = arith.constant 0 : i32
      %dma_wait3A_16 = tpu.memref_slice %arg11[%mul3A_0, %dma_wait3A] : memref<51200x32xf32, #tpu.memory_space<vmem_shared>> -> memref<3200x32xf32, #tpu.memory_space<vmem_shared>>
      tpu.wait_dma2 semaphore(%run_scoped3A : memref<!tpu.dma_semaphore, #tpu.memory_space<semaphore_mem>>) src(%arg5 : memref<3200x32xf32, #tpu.memory_space<hbm>>) dst(%dma_wait3A_16 : memref<3200x32xf32, #tpu.memory_space<vmem_shared>>)
      tpu.yield
    }) : () -> ()
    "tpu.region"() ({
      %run_scoped3A = tpu.sem_alloc : memref<!tpu.dma_semaphore, #tpu.memory_space<semaphore_mem>>
      tpu.enqueue_dma source(%arg6 : memref<128x32xf32, #tpu.memory_space<hbm>>) target(%arg10 : memref<128x32xf32, #tpu.memory_space<vmem>>) target_semaphore(%run_scoped3A : memref<!tpu.dma_semaphore, #tpu.memory_space<semaphore_mem>>)
      tpu.wait_dma2 semaphore(%run_scoped3A : memref<!tpu.dma_semaphore, #tpu.memory_space<semaphore_mem>>) src(%arg6 : memref<128x32xf32, #tpu.memory_space<hbm>>) dst(%arg10 : memref<128x32xf32, #tpu.memory_space<vmem>>)
      tpu.yield
    }) : () -> ()
    %barrier3A = arith.constant 0 : index
    tpu.barrier barrier_id(%barrier3A)
    %mul3A_1 = arith.constant 20224 : i32
    %mul3A_2 = arith.muli %arg1, %mul3A_1 : i32
    %scan3A = arith.constant 0 : i32
    %scan3A_3 = arith.constant 0 : i32
    %scan3A_4 = arith.constant 158 : i32
    %scan3A_5 = arith.addi %scan3A_3, %scan3A_4 : i32
    %scan3A_6 = arith.constant 1 : i32
    scf.for %scan3A_15 = %scan3A_3 to %scan3A_5 step %scan3A_6  : i32 {
      %mul3A_16 = arith.constant 128 : i32
      %mul3A_17 = arith.muli %scan3A_15, %mul3A_16 : i32
      %add3A_18 = arith.addi %mul3A_2, %mul3A_17 : i32
      "tpu.region"() ({
        %run_scoped3A = tpu.sem_alloc : memref<!tpu.dma_semaphore, #tpu.memory_space<semaphore_mem>>
        %dma_start3A = tpu.memref_slice %arg4[%add3A_18] : memref<323584xi32, #tpu.memory_space<hbm>> -> memref<128xi32, #tpu.memory_space<hbm>>
        %dma_start3A_19 = tpu.memref_slice %arg4[%add3A_18] : memref<323584xi32, #tpu.memory_space<hbm>> -> memref<128xi32, #tpu.memory_space<hbm>>
        tpu.enqueue_dma source(%dma_start3A_19 : memref<128xi32, #tpu.memory_space<hbm>>) target(%arg9 : memref<128xi32, #tpu.memory_space<vmem>>) target_semaphore(%run_scoped3A : memref<!tpu.dma_semaphore, #tpu.memory_space<semaphore_mem>>)
        %dma_wait3A = tpu.memref_slice %arg4[%add3A_18] : memref<323584xi32, #tpu.memory_space<hbm>> -> memref<128xi32, #tpu.memory_space<hbm>>
        %dma_wait3A_20 = tpu.memref_slice %arg4[%add3A_18] : memref<323584xi32, #tpu.memory_space<hbm>> -> memref<128xi32, #tpu.memory_space<hbm>>
        tpu.wait_dma2 semaphore(%run_scoped3A : memref<!tpu.dma_semaphore, #tpu.memory_space<semaphore_mem>>) src(%dma_wait3A_20 : memref<128xi32, #tpu.memory_space<hbm>>) dst(%arg9 : memref<128xi32, #tpu.memory_space<vmem>>)
        tpu.yield
      }) : () -> ()
      "tpu.region"() ({
        %run_scoped3A = tpu.sem_alloc : memref<!tpu.dma_semaphore, #tpu.memory_space<semaphore_mem>>
        %dma_start3A = arith.constant 0 : i32
        %dma_start3A_19 = arith.constant 0 : i32
        %dma_start3A_20 = tpu.memref_slice %arg11[%dma_start3A, %dma_start3A_19] : memref<51200x32xf32, #tpu.memory_space<vmem_shared>> -> memref<51200x32xf32, #tpu.memory_space<vmem_shared>>
        tpu.enqueue_indirect_dma source(%arg10 : memref<128x32xf32, #tpu.memory_space<vmem>>) target(%dma_start3A_20 : memref<51200x32xf32, #tpu.memory_space<vmem_shared>>) offsets(%arg9 : memref<128xi32, #tpu.memory_space<vmem>>) semaphore(%run_scoped3A : memref<!tpu.dma_semaphore, #tpu.memory_space<semaphore_mem>>) {add = true}
        %dma_wait3A = arith.constant 0 : i32
        %dma_wait3A_21 = arith.constant 0 : i32
        %dma_wait3A_22 = tpu.memref_slice %arg11[%dma_wait3A, %dma_wait3A_21] : memref<51200x32xf32, #tpu.memory_space<vmem_shared>> -> memref<51200x32xf32, #tpu.memory_space<vmem_shared>>
        tpu.wait_indirect_dma semaphore(%run_scoped3A : memref<!tpu.dma_semaphore, #tpu.memory_space<semaphore_mem>>) src(%arg10 : memref<128x32xf32, #tpu.memory_space<vmem>>) dst(%dma_wait3A_22 : memref<51200x32xf32, #tpu.memory_space<vmem_shared>>)
        tpu.yield
      }) : () -> ()
    }
    %scan3A_7 = arith.constant 158 : i32
    %barrier3A_8 = arith.constant 0 : index
    tpu.barrier barrier_id(%barrier3A_8)
    %mul3A_9 = arith.constant 3128 : i32
    %mul3A_10 = arith.muli %arg1, %mul3A_9 : i32
    %mul3A_11 = arith.constant 50048 : i32
    %mul3A_12 = arith.muli %arg0, %mul3A_11 : i32
    %mul3A_13 = arith.constant 3128 : i32
    %mul3A_14 = arith.muli %arg1, %mul3A_13 : i32
    %add3A = arith.addi %mul3A_12, %mul3A_14 : i32
    "tpu.region"() ({
      %run_scoped3A = tpu.sem_alloc : memref<!tpu.dma_semaphore, #tpu.memory_space<semaphore_mem>>
      %dma_start3A = arith.constant 0 : i32
      %dma_start3A_15 = tpu.memref_slice %arg7[%add3A, %dma_start3A] : memref<100096x32xf32, #tpu.memory_space<hbm>> -> memref<3128x32xf32, #tpu.memory_space<hbm>>
      %dma_start3A_16 = arith.constant 0 : i32
      %dma_start3A_17 = tpu.memref_slice %arg11[%mul3A_10, %dma_start3A_16] : memref<51200x32xf32, #tpu.memory_space<vmem_shared>> -> memref<3128x32xf32, #tpu.memory_space<vmem_shared>>
      tpu.enqueue_dma source(%dma_start3A_17 : memref<3128x32xf32, #tpu.memory_space<vmem_shared>>) target(%dma_start3A_15 : memref<3128x32xf32, #tpu.memory_space<hbm>>) target_semaphore(%run_scoped3A : memref<!tpu.dma_semaphore, #tpu.memory_space<semaphore_mem>>)
      %dma_wait3A = arith.constant 0 : i32
      %dma_wait3A_18 = tpu.memref_slice %arg7[%add3A, %dma_wait3A] : memref<100096x32xf32, #tpu.memory_space<hbm>> -> memref<3128x32xf32, #tpu.memory_space<hbm>>
      %dma_wait3A_19 = arith.constant 0 : i32
      %dma_wait3A_20 = tpu.memref_slice %arg11[%mul3A_10, %dma_wait3A_19] : memref<51200x32xf32, #tpu.memory_space<vmem_shared>> -> memref<3128x32xf32, #tpu.memory_space<vmem_shared>>
      tpu.wait_dma2 semaphore(%run_scoped3A : memref<!tpu.dma_semaphore, #tpu.memory_space<semaphore_mem>>) src(%dma_wait3A_20 : memref<3128x32xf32, #tpu.memory_space<vmem_shared>>) dst(%dma_wait3A_18 : memref<3128x32xf32, #tpu.memory_space<hbm>>)
      tpu.yield
    }) : () -> ()
    return
  }
}

#map = affine_map<(d0, d1) -> (0, 0)>
#map1 = affine_map<(d0, d1) -> (0)>
module attributes {stable_mosaic.version = 14 : i64} {
  func.func @body(%arg0: i32, %arg1: i32, %arg2: memref<20000x32xf32, #tpu.memory_space<hbm>>, %arg3: memref<323584xi32, #tpu.memory_space<hbm>>, %arg4: memref<323584xi32, #tpu.memory_space<hbm>>, %arg5: memref<3200x32xf32, #tpu.memory_space<hbm>>, %arg6: memref<128x32xf32, #tpu.memory_space<hbm>>, %arg7: memref<100096x32xf32, #tpu.memory_space<hbm>>, %arg8: memref<128xi32, #tpu.memory_space<vmem>>, %arg9: memref<128xi32, #tpu.memory_space<vmem>>, %arg10: memref<128x32xf32, #tpu.memory_space<vmem>>, %arg11: memref<51200x32xf32, #tpu.memory_space<vmem_shared>>, %arg12: memref<!tpu.dma_semaphore, #tpu.memory_space<semaphore_mem>>) attributes {dimension_semantics = [#tpu.dimension_semantics<core_parallel>, #tpu.dimension_semantics<subcore_parallel>], iteration_bounds = array<i64: 2, 16>, scalar_prefetch = 0 : i64, scratch_operands = 5 : i64, tpu.core_type = #tpu.core_type<sc_vector_subcore>, window_params = [{transform_indices = #map}, {transform_indices = #map1}, {transform_indices = #map1}, {transform_indices = #map}, {transform_indices = #map}, {transform_indices = #map}]} {
    %mul3A = arith.constant 3200 : i32
    %mul3A_0 = arith.muli %arg1, %mul3A : i32
    "tpu.region"() ({
      %run_scoped3A = tpu.sem_alloc : memref<!tpu.dma_semaphore, #tpu.memory_space<semaphore_mem>>
      %dma_start3A = arith.constant 0 : i32
      %dma_start3A_15 = tpu.memref_slice %arg11[%mul3A_0, %dma_start3A] : memref<51200x32xf32, #tpu.memory_space<vmem_shared>> -> memref<3200x32xf32, #tpu.memory_space<vmem_shared>>
      tpu.enqueue_dma source(%arg5 : memref<3200x32xf32, #tpu.memory_space<hbm>>) target(%dma_start3A_15 : memref<3200x32xf32, #tpu.memory_space<vmem_shared>>) target_semaphore(%run_scoped3A : memref<!tpu.dma_semaphore, #tpu.memory_space<semaphore_mem>>)
      %dma_wait3A = arith.constant 0 : i32
      %dma_wait3A_16 = tpu.memref_slice %arg11[%mul3A_0, %dma_wait3A] : memref<51200x32xf32, #tpu.memory_space<vmem_shared>> -> memref<3200x32xf32, #tpu.memory_space<vmem_shared>>
      tpu.wait_dma2 semaphore(%run_scoped3A : memref<!tpu.dma_semaphore, #tpu.memory_space<semaphore_mem>>) src(%arg5 : memref<3200x32xf32, #tpu.memory_space<hbm>>) dst(%dma_wait3A_16 : memref<3200x32xf32, #tpu.memory_space<vmem_shared>>)
      tpu.yield
    }) : () -> ()
    %barrier3A = arith.constant 0 : index
    tpu.barrier barrier_id(%barrier3A)
    %mul3A_1 = arith.constant 20224 : i32
    %mul3A_2 = arith.muli %arg1, %mul3A_1 : i32
    %scan3A = arith.constant 0 : i32
    %scan3A_3 = arith.constant 0 : i32
    %scan3A_4 = arith.constant 158 : i32
    %scan3A_5 = arith.addi %scan3A_3, %scan3A_4 : i32
    %scan3A_6 = arith.constant 1 : i32
    scf.for %scan3A_15 = %scan3A_3 to %scan3A_5 step %scan3A_6  : i32 {
      %mul3A_16 = arith.constant 128 : i32
      %mul3A_17 = arith.muli %scan3A_15, %mul3A_16 : i32
      %add3A_18 = arith.addi %mul3A_2, %mul3A_17 : i32
      "tpu.region"() ({
        %run_scoped3A = tpu.sem_alloc : memref<!tpu.dma_semaphore, #tpu.memory_space<semaphore_mem>>
        %dma_start3A_109 = tpu.memref_slice %arg4[%add3A_18] : memref<323584xi32, #tpu.memory_space<hbm>> -> memref<128xi32, #tpu.memory_space<hbm>>
        %dma_start3A_110 = tpu.memref_slice %arg4[%add3A_18] : memref<323584xi32, #tpu.memory_space<hbm>> -> memref<128xi32, #tpu.memory_space<hbm>>
        tpu.enqueue_dma source(%dma_start3A_110 : memref<128xi32, #tpu.memory_space<hbm>>) target(%arg9 : memref<128xi32, #tpu.memory_space<vmem>>) target_semaphore(%run_scoped3A : memref<!tpu.dma_semaphore, #tpu.memory_space<semaphore_mem>>)
        %dma_wait3A_111 = tpu.memref_slice %arg4[%add3A_18] : memref<323584xi32, #tpu.memory_space<hbm>> -> memref<128xi32, #tpu.memory_space<hbm>>
        %dma_wait3A_112 = tpu.memref_slice %arg4[%add3A_18] : memref<323584xi32, #tpu.memory_space<hbm>> -> memref<128xi32, #tpu.memory_space<hbm>>
        tpu.wait_dma2 semaphore(%run_scoped3A : memref<!tpu.dma_semaphore, #tpu.memory_space<semaphore_mem>>) src(%dma_wait3A_112 : memref<128xi32, #tpu.memory_space<hbm>>) dst(%arg9 : memref<128xi32, #tpu.memory_space<vmem>>)
        tpu.yield
      }) : () -> ()
      "tpu.region"() ({
        %run_scoped3A = tpu.sem_alloc : memref<!tpu.dma_semaphore, #tpu.memory_space<semaphore_mem>>
        %dma_start3A_109 = tpu.memref_slice %arg3[%add3A_18] : memref<323584xi32, #tpu.memory_space<hbm>> -> memref<128xi32, #tpu.memory_space<hbm>>
        %dma_start3A_110 = tpu.memref_slice %arg3[%add3A_18] : memref<323584xi32, #tpu.memory_space<hbm>> -> memref<128xi32, #tpu.memory_space<hbm>>
        tpu.enqueue_dma source(%dma_start3A_110 : memref<128xi32, #tpu.memory_space<hbm>>) target(%arg8 : memref<128xi32, #tpu.memory_space<vmem>>) target_semaphore(%run_scoped3A : memref<!tpu.dma_semaphore, #tpu.memory_space<semaphore_mem>>)
        %dma_wait3A_111 = tpu.memref_slice %arg3[%add3A_18] : memref<323584xi32, #tpu.memory_space<hbm>> -> memref<128xi32, #tpu.memory_space<hbm>>
        %dma_wait3A_112 = tpu.memref_slice %arg3[%add3A_18] : memref<323584xi32, #tpu.memory_space<hbm>> -> memref<128xi32, #tpu.memory_space<hbm>>
        tpu.wait_dma2 semaphore(%run_scoped3A : memref<!tpu.dma_semaphore, #tpu.memory_space<semaphore_mem>>) src(%dma_wait3A_112 : memref<128xi32, #tpu.memory_space<hbm>>) dst(%arg8 : memref<128xi32, #tpu.memory_space<vmem>>)
        tpu.yield
      }) : () -> ()
      %get3A = arith.constant 0 : index
      %get3A_19 = tpu.vector_load %arg8[%get3A] {strides = array<i32>} : memref<128xi32, #tpu.memory_space<vmem>>, vector<16xi32>,
      %get3A_20 = vector.shape_cast %get3A_19 : vector<16xi32> to vector<16xi32>
      %mul3A_21 = arith.constant 10000 : i32
      %mul3A_22 = arith.muli %arg0, %mul3A_21 : i32
      %add3A_23 = vector.broadcast %mul3A_22 : i32 to vector<16xi32>
      %add3A_24 = arith.addi %get3A_20, %add3A_23 : vector<16xi32>
      %swap3A = arith.constant 0 : index
      %swap3A_25 = tpu.vector_load %arg8[%swap3A] {strides = array<i32>} : memref<128xi32, #tpu.memory_space<vmem>>, vector<16xi32>,
      %swap3A_26 = vector.shape_cast %swap3A_25 : vector<16xi32> to vector<16xi32>
      %swap3A_27 = vector.shape_cast %add3A_24 : vector<16xi32> to vector<16xi32>
      tpu.vector_store %arg8[%swap3A], %swap3A_27 {strides = array<i32>} : memref<128xi32, #tpu.memory_space<vmem>>, vector<16xi32>,
      %get3A_28 = arith.constant 16 : index
      %get3A_29 = tpu.vector_load %arg8[%get3A_28] {strides = array<i32>} : memref<128xi32, #tpu.memory_space<vmem>>, vector<16xi32>,
      %get3A_30 = vector.shape_cast %get3A_29 : vector<16xi32> to vector<16xi32>
      %mul3A_31 = arith.constant 10000 : i32
      %mul3A_32 = arith.muli %arg0, %mul3A_31 : i32
      %add3A_33 = vector.broadcast %mul3A_32 : i32 to vector<16xi32>
      %add3A_34 = arith.addi %get3A_30, %add3A_33 : vector<16xi32>
      %swap3A_35 = arith.constant 16 : index
      %swap3A_36 = tpu.vector_load %arg8[%swap3A_35] {strides = array<i32>} : memref<128xi32, #tpu.memory_space<vmem>>, vector<16xi32>,
      %swap3A_37 = vector.shape_cast %swap3A_36 : vector<16xi32> to vector<16xi32>
      %swap3A_38 = vector.shape_cast %add3A_34 : vector<16xi32> to vector<16xi32>
      tpu.vector_store %arg8[%swap3A_35], %swap3A_38 {strides = array<i32>} : memref<128xi32, #tpu.memory_space<vmem>>, vector<16xi32>,
      %get3A_39 = arith.constant 32 : index
      %get3A_40 = tpu.vector_load %arg8[%get3A_39] {strides = array<i32>} : memref<128xi32, #tpu.memory_space<vmem>>, vector<16xi32>,
      %get3A_41 = vector.shape_cast %get3A_40 : vector<16xi32> to vector<16xi32>
      %mul3A_42 = arith.constant 10000 : i32
      %mul3A_43 = arith.muli %arg0, %mul3A_42 : i32
      %add3A_44 = vector.broadcast %mul3A_43 : i32 to vector<16xi32>
      %add3A_45 = arith.addi %get3A_41, %add3A_44 : vector<16xi32>
      %swap3A_46 = arith.constant 32 : index
      %swap3A_47 = tpu.vector_load %arg8[%swap3A_46] {strides = array<i32>} : memref<128xi32, #tpu.memory_space<vmem>>, vector<16xi32>,
      %swap3A_48 = vector.shape_cast %swap3A_47 : vector<16xi32> to vector<16xi32>
      %swap3A_49 = vector.shape_cast %add3A_45 : vector<16xi32> to vector<16xi32>
      tpu.vector_store %arg8[%swap3A_46], %swap3A_49 {strides = array<i32>} : memref<128xi32, #tpu.memory_space<vmem>>, vector<16xi32>,
      %get3A_50 = arith.constant 48 : index
      %get3A_51 = tpu.vector_load %arg8[%get3A_50] {strides = array<i32>} : memref<128xi32, #tpu.memory_space<vmem>>, vector<16xi32>,
      %get3A_52 = vector.shape_cast %get3A_51 : vector<16xi32> to vector<16xi32>
      %mul3A_53 = arith.constant 10000 : i32
      %mul3A_54 = arith.muli %arg0, %mul3A_53 : i32
      %add3A_55 = vector.broadcast %mul3A_54 : i32 to vector<16xi32>
      %add3A_56 = arith.addi %get3A_52, %add3A_55 : vector<16xi32>
      %swap3A_57 = arith.constant 48 : index
      %swap3A_58 = tpu.vector_load %arg8[%swap3A_57] {strides = array<i32>} : memref<128xi32, #tpu.memory_space<vmem>>, vector<16xi32>,
      %swap3A_59 = vector.shape_cast %swap3A_58 : vector<16xi32> to vector<16xi32>
      %swap3A_60 = vector.shape_cast %add3A_56 : vector<16xi32> to vector<16xi32>
      tpu.vector_store %arg8[%swap3A_57], %swap3A_60 {strides = array<i32>} : memref<128xi32, #tpu.memory_space<vmem>>, vector<16xi32>,
      %get3A_61 = arith.constant 64 : index
      %get3A_62 = tpu.vector_load %arg8[%get3A_61] {strides = array<i32>} : memref<128xi32, #tpu.memory_space<vmem>>, vector<16xi32>,
      %get3A_63 = vector.shape_cast %get3A_62 : vector<16xi32> to vector<16xi32>
      %mul3A_64 = arith.constant 10000 : i32
      %mul3A_65 = arith.muli %arg0, %mul3A_64 : i32
      %add3A_66 = vector.broadcast %mul3A_65 : i32 to vector<16xi32>
      %add3A_67 = arith.addi %get3A_63, %add3A_66 : vector<16xi32>
      %swap3A_68 = arith.constant 64 : index
      %swap3A_69 = tpu.vector_load %arg8[%swap3A_68] {strides = array<i32>} : memref<128xi32, #tpu.memory_space<vmem>>, vector<16xi32>,
      %swap3A_70 = vector.shape_cast %swap3A_69 : vector<16xi32> to vector<16xi32>
      %swap3A_71 = vector.shape_cast %add3A_67 : vector<16xi32> to vector<16xi32>
      tpu.vector_store %arg8[%swap3A_68], %swap3A_71 {strides = array<i32>} : memref<128xi32, #tpu.memory_space<vmem>>, vector<16xi32>,
      %get3A_72 = arith.constant 80 : index
      %get3A_73 = tpu.vector_load %arg8[%get3A_72] {strides = array<i32>} : memref<128xi32, #tpu.memory_space<vmem>>, vector<16xi32>,
      %get3A_74 = vector.shape_cast %get3A_73 : vector<16xi32> to vector<16xi32>
      %mul3A_75 = arith.constant 10000 : i32
      %mul3A_76 = arith.muli %arg0, %mul3A_75 : i32
      %add3A_77 = vector.broadcast %mul3A_76 : i32 to vector<16xi32>
      %add3A_78 = arith.addi %get3A_74, %add3A_77 : vector<16xi32>
      %swap3A_79 = arith.constant 80 : index
      %swap3A_80 = tpu.vector_load %arg8[%swap3A_79] {strides = array<i32>} : memref<128xi32, #tpu.memory_space<vmem>>, vector<16xi32>,
      %swap3A_81 = vector.shape_cast %swap3A_80 : vector<16xi32> to vector<16xi32>
      %swap3A_82 = vector.shape_cast %add3A_78 : vector<16xi32> to vector<16xi32>
      tpu.vector_store %arg8[%swap3A_79], %swap3A_82 {strides = array<i32>} : memref<128xi32, #tpu.memory_space<vmem>>, vector<16xi32>,
      %get3A_83 = arith.constant 96 : index
      %get3A_84 = tpu.vector_load %arg8[%get3A_83] {strides = array<i32>} : memref<128xi32, #tpu.memory_space<vmem>>, vector<16xi32>,
      %get3A_85 = vector.shape_cast %get3A_84 : vector<16xi32> to vector<16xi32>
      %mul3A_86 = arith.constant 10000 : i32
      %mul3A_87 = arith.muli %arg0, %mul3A_86 : i32
      %add3A_88 = vector.broadcast %mul3A_87 : i32 to vector<16xi32>
      %add3A_89 = arith.addi %get3A_85, %add3A_88 : vector<16xi32>
      %swap3A_90 = arith.constant 96 : index
      %swap3A_91 = tpu.vector_load %arg8[%swap3A_90] {strides = array<i32>} : memref<128xi32, #tpu.memory_space<vmem>>, vector<16xi32>,
      %swap3A_92 = vector.shape_cast %swap3A_91 : vector<16xi32> to vector<16xi32>
      %swap3A_93 = vector.shape_cast %add3A_89 : vector<16xi32> to vector<16xi32>
      tpu.vector_store %arg8[%swap3A_90], %swap3A_93 {strides = array<i32>} : memref<128xi32, #tpu.memory_space<vmem>>, vector<16xi32>,
      %get3A_94 = arith.constant 112 : index
      %get3A_95 = tpu.vector_load %arg8[%get3A_94] {strides = array<i32>} : memref<128xi32, #tpu.memory_space<vmem>>, vector<16xi32>,
      %get3A_96 = vector.shape_cast %get3A_95 : vector<16xi32> to vector<16xi32>
      %mul3A_97 = arith.constant 10000 : i32
      %mul3A_98 = arith.muli %arg0, %mul3A_97 : i32
      %add3A_99 = vector.broadcast %mul3A_98 : i32 to vector<16xi32>
      %add3A_100 = arith.addi %get3A_96, %add3A_99 : vector<16xi32>
      %swap3A_101 = arith.constant 112 : index
      %swap3A_102 = tpu.vector_load %arg8[%swap3A_101] {strides = array<i32>} : memref<128xi32, #tpu.memory_space<vmem>>, vector<16xi32>,
      %swap3A_103 = vector.shape_cast %swap3A_102 : vector<16xi32> to vector<16xi32>
      %swap3A_104 = vector.shape_cast %add3A_100 : vector<16xi32> to vector<16xi32>
      tpu.vector_store %arg8[%swap3A_101], %swap3A_104 {strides = array<i32>} : memref<128xi32, #tpu.memory_space<vmem>>, vector<16xi32>,
      %dma_start3A = arith.constant 0 : i32
      %dma_start3A_105 = arith.constant 0 : i32
      %dma_start3A_106 = tpu.memref_slice %arg2[%dma_start3A, %dma_start3A_105] : memref<20000x32xf32, #tpu.memory_space<hbm>> -> memref<20000x32xf32, #tpu.memory_space<hbm>>
      tpu.enqueue_indirect_dma source(%dma_start3A_106 : memref<20000x32xf32, #tpu.memory_space<hbm>>) target(%arg10 : memref<128x32xf32, #tpu.memory_space<vmem>>) offsets(%arg8 : memref<128xi32, #tpu.memory_space<vmem>>) semaphore(%arg12 : memref<!tpu.dma_semaphore, #tpu.memory_space<semaphore_mem>>)
      %dma_wait3A = arith.constant 0 : i32
      %dma_wait3A_107 = arith.constant 0 : i32
      %dma_wait3A_108 = tpu.memref_slice %arg2[%dma_wait3A, %dma_wait3A_107] : memref<20000x32xf32, #tpu.memory_space<hbm>> -> memref<20000x32xf32, #tpu.memory_space<hbm>>
      tpu.wait_indirect_dma semaphore(%arg12 : memref<!tpu.dma_semaphore, #tpu.memory_space<semaphore_mem>>) src(%dma_wait3A_108 : memref<20000x32xf32, #tpu.memory_space<hbm>>) dst(%arg10 : memref<128x32xf32, #tpu.memory_space<vmem>>)
      "tpu.region"() ({
        %run_scoped3A = tpu.sem_alloc : memref<!tpu.dma_semaphore, #tpu.memory_space<semaphore_mem>>
        %dma_start3A_109 = arith.constant 0 : i32
        %dma_start3A_110 = arith.constant 0 : i32
        %dma_start3A_111 = tpu.memref_slice %arg11[%dma_start3A_109, %dma_start3A_110] : memref<51200x32xf32, #tpu.memory_space<vmem_shared>> -> memref<51200x32xf32, #tpu.memory_space<vmem_shared>>
        tpu.enqueue_indirect_dma source(%arg10 : memref<128x32xf32, #tpu.memory_space<vmem>>) target(%dma_start3A_111 : memref<51200x32xf32, #tpu.memory_space<vmem_shared>>) offsets(%arg9 : memref<128xi32, #tpu.memory_space<vmem>>) semaphore(%run_scoped3A : memref<!tpu.dma_semaphore, #tpu.memory_space<semaphore_mem>>) {add = true}
        %dma_wait3A_112 = arith.constant 0 : i32
        %dma_wait3A_113 = arith.constant 0 : i32
        %dma_wait3A_114 = tpu.memref_slice %arg11[%dma_wait3A_112, %dma_wait3A_113] : memref<51200x32xf32, #tpu.memory_space<vmem_shared>> -> memref<51200x32xf32, #tpu.memory_space<vmem_shared>>
        tpu.wait_indirect_dma semaphore(%run_scoped3A : memref<!tpu.dma_semaphore, #tpu.memory_space<semaphore_mem>>) src(%arg10 : memref<128x32xf32, #tpu.memory_space<vmem>>) dst(%dma_wait3A_114 : memref<51200x32xf32, #tpu.memory_space<vmem_shared>>)
        tpu.yield
      }) : () -> ()
    }
    %scan3A_7 = arith.constant 158 : i32
    %barrier3A_8 = arith.constant 0 : index
    tpu.barrier barrier_id(%barrier3A_8)
    %mul3A_9 = arith.constant 3128 : i32
    %mul3A_10 = arith.muli %arg1, %mul3A_9 : i32
    %mul3A_11 = arith.constant 50048 : i32
    %mul3A_12 = arith.muli %arg0, %mul3A_11 : i32
    %mul3A_13 = arith.constant 3128 : i32
    %mul3A_14 = arith.muli %arg1, %mul3A_13 : i32
    %add3A = arith.addi %mul3A_12, %mul3A_14 : i32
    "tpu.region"() ({
      %run_scoped3A = tpu.sem_alloc : memref<!tpu.dma_semaphore, #tpu.memory_space<semaphore_mem>>
      %dma_start3A = arith.constant 0 : i32
      %dma_start3A_15 = tpu.memref_slice %arg7[%add3A, %dma_start3A] : memref<100096x32xf32, #tpu.memory_space<hbm>> -> memref<3128x32xf32, #tpu.memory_space<hbm>>
      %dma_start3A_16 = arith.constant 0 : i32
      %dma_start3A_17 = tpu.memref_slice %arg11[%mul3A_10, %dma_start3A_16] : memref<51200x32xf32, #tpu.memory_space<vmem_shared>> -> memref<3128x32xf32, #tpu.memory_space<vmem_shared>>
      tpu.enqueue_dma source(%dma_start3A_17 : memref<3128x32xf32, #tpu.memory_space<vmem_shared>>) target(%dma_start3A_15 : memref<3128x32xf32, #tpu.memory_space<hbm>>) target_semaphore(%run_scoped3A : memref<!tpu.dma_semaphore, #tpu.memory_space<semaphore_mem>>)
      %dma_wait3A = arith.constant 0 : i32
      %dma_wait3A_18 = tpu.memref_slice %arg7[%add3A, %dma_wait3A] : memref<100096x32xf32, #tpu.memory_space<hbm>> -> memref<3128x32xf32, #tpu.memory_space<hbm>>
      %dma_wait3A_19 = arith.constant 0 : i32
      %dma_wait3A_20 = tpu.memref_slice %arg11[%mul3A_10, %dma_wait3A_19] : memref<51200x32xf32, #tpu.memory_space<vmem_shared>> -> memref<3128x32xf32, #tpu.memory_space<vmem_shared>>
      tpu.wait_dma2 semaphore(%run_scoped3A : memref<!tpu.dma_semaphore, #tpu.memory_space<semaphore_mem>>) src(%dma_wait3A_20 : memref<3128x32xf32, #tpu.memory_space<vmem_shared>>) dst(%dma_wait3A_18 : memref<3128x32xf32, #tpu.memory_space<hbm>>)
      tpu.yield
    }) : () -> ()
    return
  }
}

#map = affine_map<(d0, d1) -> (0, 0)>
#map1 = affine_map<(d0, d1) -> (0)>
module attributes {stable_mosaic.version = 14 : i64} {
  func.func @body(%arg0: i32, %arg1: i32, %arg2: memref<20000x32xf32, #tpu.memory_space<hbm>>, %arg3: memref<323584xi32, #tpu.memory_space<hbm>>, %arg4: memref<323584xi32, #tpu.memory_space<hbm>>, %arg5: memref<3200x32xf32, #tpu.memory_space<hbm>>, %arg6: memref<128x32xf32, #tpu.memory_space<hbm>>, %arg7: memref<100096x32xf32, #tpu.memory_space<hbm>>, %arg8: memref<128xi32, #tpu.memory_space<vmem>>, %arg9: memref<128xi32, #tpu.memory_space<vmem>>, %arg10: memref<128x32xf32, #tpu.memory_space<vmem>>, %arg11: memref<51200x32xf32, #tpu.memory_space<vmem_shared>>, %arg12: memref<!tpu.dma_semaphore, #tpu.memory_space<semaphore_mem>>) attributes {dimension_semantics = [#tpu.dimension_semantics<core_parallel>, #tpu.dimension_semantics<subcore_parallel>], iteration_bounds = array<i64: 2, 16>, scalar_prefetch = 0 : i64, scratch_operands = 5 : i64, tpu.core_type = #tpu.core_type<sc_vector_subcore>, window_params = [{transform_indices = #map}, {transform_indices = #map1}, {transform_indices = #map1}, {transform_indices = #map}, {transform_indices = #map}, {transform_indices = #map}]} {
    %mul3A = arith.constant 3200 : i32
    %mul3A_0 = arith.muli %arg1, %mul3A : i32
    "tpu.region"() ({
      %run_scoped3A = tpu.sem_alloc : memref<!tpu.dma_semaphore, #tpu.memory_space<semaphore_mem>>
      %dma_start3A = arith.constant 0 : i32
      %dma_start3A_15 = tpu.memref_slice %arg11[%mul3A_0, %dma_start3A] : memref<51200x32xf32, #tpu.memory_space<vmem_shared>> -> memref<3200x32xf32, #tpu.memory_space<vmem_shared>>
      tpu.enqueue_dma source(%arg5 : memref<3200x32xf32, #tpu.memory_space<hbm>>) target(%dma_start3A_15 : memref<3200x32xf32, #tpu.memory_space<vmem_shared>>) target_semaphore(%run_scoped3A : memref<!tpu.dma_semaphore, #tpu.memory_space<semaphore_mem>>)
      %dma_wait3A = arith.constant 0 : i32
      %dma_wait3A_16 = tpu.memref_slice %arg11[%mul3A_0, %dma_wait3A] : memref<51200x32xf32, #tpu.memory_space<vmem_shared>> -> memref<3200x32xf32, #tpu.memory_space<vmem_shared>>
      tpu.wait_dma2 semaphore(%run_scoped3A : memref<!tpu.dma_semaphore, #tpu.memory_space<semaphore_mem>>) src(%arg5 : memref<3200x32xf32, #tpu.memory_space<hbm>>) dst(%dma_wait3A_16 : memref<3200x32xf32, #tpu.memory_space<vmem_shared>>)
      tpu.yield
    }) : () -> ()
    %barrier3A = arith.constant 0 : index
    tpu.barrier barrier_id(%barrier3A)
    %mul3A_1 = arith.constant 20224 : i32
    %mul3A_2 = arith.muli %arg1, %mul3A_1 : i32
    %scan3A = arith.constant 0 : i32
    %scan3A_3 = arith.constant 0 : i32
    %scan3A_4 = arith.constant 158 : i32
    %scan3A_5 = arith.addi %scan3A_3, %scan3A_4 : i32
    %scan3A_6 = arith.constant 1 : i32
    scf.for %scan3A_15 = %scan3A_3 to %scan3A_5 step %scan3A_6  : i32 {
      %mul3A_16 = arith.constant 128 : i32
      %mul3A_17 = arith.muli %scan3A_15, %mul3A_16 : i32
      %add3A_18 = arith.addi %mul3A_2, %mul3A_17 : i32
      "tpu.region"() ({
        %run_scoped3A = tpu.sem_alloc : memref<!tpu.dma_semaphore, #tpu.memory_space<semaphore_mem>>
        %dma_start3A_109 = tpu.memref_slice %arg4[%add3A_18] : memref<323584xi32, #tpu.memory_space<hbm>> -> memref<128xi32, #tpu.memory_space<hbm>>
        %dma_start3A_110 = tpu.memref_slice %arg4[%add3A_18] : memref<323584xi32, #tpu.memory_space<hbm>> -> memref<128xi32, #tpu.memory_space<hbm>>
        tpu.enqueue_dma source(%dma_start3A_110 : memref<128xi32, #tpu.memory_space<hbm>>) target(%arg9 : memref<128xi32, #tpu.memory_space<vmem>>) target_semaphore(%run_scoped3A : memref<!tpu.dma_semaphore, #tpu.memory_space<semaphore_mem>>)
        %dma_wait3A_111 = tpu.memref_slice %arg4[%add3A_18] : memref<323584xi32, #tpu.memory_space<hbm>> -> memref<128xi32, #tpu.memory_space<hbm>>
        %dma_wait3A_112 = tpu.memref_slice %arg4[%add3A_18] : memref<323584xi32, #tpu.memory_space<hbm>> -> memref<128xi32, #tpu.memory_space<hbm>>
        tpu.wait_dma2 semaphore(%run_scoped3A : memref<!tpu.dma_semaphore, #tpu.memory_space<semaphore_mem>>) src(%dma_wait3A_112 : memref<128xi32, #tpu.memory_space<hbm>>) dst(%arg9 : memref<128xi32, #tpu.memory_space<vmem>>)
        tpu.yield
      }) : () -> ()
      "tpu.region"() ({
        %run_scoped3A = tpu.sem_alloc : memref<!tpu.dma_semaphore, #tpu.memory_space<semaphore_mem>>
        %dma_start3A_109 = tpu.memref_slice %arg3[%add3A_18] : memref<323584xi32, #tpu.memory_space<hbm>> -> memref<128xi32, #tpu.memory_space<hbm>>
        %dma_start3A_110 = tpu.memref_slice %arg3[%add3A_18] : memref<323584xi32, #tpu.memory_space<hbm>> -> memref<128xi32, #tpu.memory_space<hbm>>
        tpu.enqueue_dma source(%dma_start3A_110 : memref<128xi32, #tpu.memory_space<hbm>>) target(%arg8 : memref<128xi32, #tpu.memory_space<vmem>>) target_semaphore(%run_scoped3A : memref<!tpu.dma_semaphore, #tpu.memory_space<semaphore_mem>>)
        %dma_wait3A_111 = tpu.memref_slice %arg3[%add3A_18] : memref<323584xi32, #tpu.memory_space<hbm>> -> memref<128xi32, #tpu.memory_space<hbm>>
        %dma_wait3A_112 = tpu.memref_slice %arg3[%add3A_18] : memref<323584xi32, #tpu.memory_space<hbm>> -> memref<128xi32, #tpu.memory_space<hbm>>
        tpu.wait_dma2 semaphore(%run_scoped3A : memref<!tpu.dma_semaphore, #tpu.memory_space<semaphore_mem>>) src(%dma_wait3A_112 : memref<128xi32, #tpu.memory_space<hbm>>) dst(%arg8 : memref<128xi32, #tpu.memory_space<vmem>>)
        tpu.yield
      }) : () -> ()
      %get3A = arith.constant 0 : index
      %get3A_19 = tpu.vector_load %arg8[%get3A] {strides = array<i32>} : memref<128xi32, #tpu.memory_space<vmem>>, vector<16xi32>,
      %get3A_20 = vector.shape_cast %get3A_19 : vector<16xi32> to vector<16xi32>
      %mul3A_21 = arith.constant 10000 : i32
      %mul3A_22 = arith.muli %arg0, %mul3A_21 : i32
      %add3A_23 = vector.broadcast %mul3A_22 : i32 to vector<16xi32>
      %add3A_24 = arith.addi %get3A_20, %add3A_23 : vector<16xi32>
      %swap3A = arith.constant 0 : index
      %swap3A_25 = tpu.vector_load %arg8[%swap3A] {strides = array<i32>} : memref<128xi32, #tpu.memory_space<vmem>>, vector<16xi32>,
      %swap3A_26 = vector.shape_cast %swap3A_25 : vector<16xi32> to vector<16xi32>
      %swap3A_27 = vector.shape_cast %add3A_24 : vector<16xi32> to vector<16xi32>
      tpu.vector_store %arg8[%swap3A], %swap3A_27 {strides = array<i32>} : memref<128xi32, #tpu.memory_space<vmem>>, vector<16xi32>,
      %get3A_28 = arith.constant 16 : index
      %get3A_29 = tpu.vector_load %arg8[%get3A_28] {strides = array<i32>} : memref<128xi32, #tpu.memory_space<vmem>>, vector<16xi32>,
      %get3A_30 = vector.shape_cast %get3A_29 : vector<16xi32> to vector<16xi32>
      %mul3A_31 = arith.constant 10000 : i32
      %mul3A_32 = arith.muli %arg0, %mul3A_31 : i32
      %add3A_33 = vector.broadcast %mul3A_32 : i32 to vector<16xi32>
      %add3A_34 = arith.addi %get3A_30, %add3A_33 : vector<16xi32>
      %swap3A_35 = arith.constant 16 : index
      %swap3A_36 = tpu.vector_load %arg8[%swap3A_35] {strides = array<i32>} : memref<128xi32, #tpu.memory_space<vmem>>, vector<16xi32>,
      %swap3A_37 = vector.shape_cast %swap3A_36 : vector<16xi32> to vector<16xi32>
      %swap3A_38 = vector.shape_cast %add3A_34 : vector<16xi32> to vector<16xi32>
      tpu.vector_store %arg8[%swap3A_35], %swap3A_38 {strides = array<i32>} : memref<128xi32, #tpu.memory_space<vmem>>, vector<16xi32>,
      %get3A_39 = arith.constant 32 : index
      %get3A_40 = tpu.vector_load %arg8[%get3A_39] {strides = array<i32>} : memref<128xi32, #tpu.memory_space<vmem>>, vector<16xi32>,
      %get3A_41 = vector.shape_cast %get3A_40 : vector<16xi32> to vector<16xi32>
      %mul3A_42 = arith.constant 10000 : i32
      %mul3A_43 = arith.muli %arg0, %mul3A_42 : i32
      %add3A_44 = vector.broadcast %mul3A_43 : i32 to vector<16xi32>
      %add3A_45 = arith.addi %get3A_41, %add3A_44 : vector<16xi32>
      %swap3A_46 = arith.constant 32 : index
      %swap3A_47 = tpu.vector_load %arg8[%swap3A_46] {strides = array<i32>} : memref<128xi32, #tpu.memory_space<vmem>>, vector<16xi32>,
      %swap3A_48 = vector.shape_cast %swap3A_47 : vector<16xi32> to vector<16xi32>
      %swap3A_49 = vector.shape_cast %add3A_45 : vector<16xi32> to vector<16xi32>
      tpu.vector_store %arg8[%swap3A_46], %swap3A_49 {strides = array<i32>} : memref<128xi32, #tpu.memory_space<vmem>>, vector<16xi32>,
      %get3A_50 = arith.constant 48 : index
      %get3A_51 = tpu.vector_load %arg8[%get3A_50] {strides = array<i32>} : memref<128xi32, #tpu.memory_space<vmem>>, vector<16xi32>,
      %get3A_52 = vector.shape_cast %get3A_51 : vector<16xi32> to vector<16xi32>
      %mul3A_53 = arith.constant 10000 : i32
      %mul3A_54 = arith.muli %arg0, %mul3A_53 : i32
      %add3A_55 = vector.broadcast %mul3A_54 : i32 to vector<16xi32>
      %add3A_56 = arith.addi %get3A_52, %add3A_55 : vector<16xi32>
      %swap3A_57 = arith.constant 48 : index
      %swap3A_58 = tpu.vector_load %arg8[%swap3A_57] {strides = array<i32>} : memref<128xi32, #tpu.memory_space<vmem>>, vector<16xi32>,
      %swap3A_59 = vector.shape_cast %swap3A_58 : vector<16xi32> to vector<16xi32>
      %swap3A_60 = vector.shape_cast %add3A_56 : vector<16xi32> to vector<16xi32>
      tpu.vector_store %arg8[%swap3A_57], %swap3A_60 {strides = array<i32>} : memref<128xi32, #tpu.memory_space<vmem>>, vector<16xi32>,
      %get3A_61 = arith.constant 64 : index
      %get3A_62 = tpu.vector_load %arg8[%get3A_61] {strides = array<i32>} : memref<128xi32, #tpu.memory_space<vmem>>, vector<16xi32>,
      %get3A_63 = vector.shape_cast %get3A_62 : vector<16xi32> to vector<16xi32>
      %mul3A_64 = arith.constant 10000 : i32
      %mul3A_65 = arith.muli %arg0, %mul3A_64 : i32
      %add3A_66 = vector.broadcast %mul3A_65 : i32 to vector<16xi32>
      %add3A_67 = arith.addi %get3A_63, %add3A_66 : vector<16xi32>
      %swap3A_68 = arith.constant 64 : index
      %swap3A_69 = tpu.vector_load %arg8[%swap3A_68] {strides = array<i32>} : memref<128xi32, #tpu.memory_space<vmem>>, vector<16xi32>,
      %swap3A_70 = vector.shape_cast %swap3A_69 : vector<16xi32> to vector<16xi32>
      %swap3A_71 = vector.shape_cast %add3A_67 : vector<16xi32> to vector<16xi32>
      tpu.vector_store %arg8[%swap3A_68], %swap3A_71 {strides = array<i32>} : memref<128xi32, #tpu.memory_space<vmem>>, vector<16xi32>,
      %get3A_72 = arith.constant 80 : index
      %get3A_73 = tpu.vector_load %arg8[%get3A_72] {strides = array<i32>} : memref<128xi32, #tpu.memory_space<vmem>>, vector<16xi32>,
      %get3A_74 = vector.shape_cast %get3A_73 : vector<16xi32> to vector<16xi32>
      %mul3A_75 = arith.constant 10000 : i32
      %mul3A_76 = arith.muli %arg0, %mul3A_75 : i32
      %add3A_77 = vector.broadcast %mul3A_76 : i32 to vector<16xi32>
      %add3A_78 = arith.addi %get3A_74, %add3A_77 : vector<16xi32>
      %swap3A_79 = arith.constant 80 : index
      %swap3A_80 = tpu.vector_load %arg8[%swap3A_79] {strides = array<i32>} : memref<128xi32, #tpu.memory_space<vmem>>, vector<16xi32>,
      %swap3A_81 = vector.shape_cast %swap3A_80 : vector<16xi32> to vector<16xi32>
      %swap3A_82 = vector.shape_cast %add3A_78 : vector<16xi32> to vector<16xi32>
      tpu.vector_store %arg8[%swap3A_79], %swap3A_82 {strides = array<i32>} : memref<128xi32, #tpu.memory_space<vmem>>, vector<16xi32>,
      %get3A_83 = arith.constant 96 : index
      %get3A_84 = tpu.vector_load %arg8[%get3A_83] {strides = array<i32>} : memref<128xi32, #tpu.memory_space<vmem>>, vector<16xi32>,
      %get3A_85 = vector.shape_cast %get3A_84 : vector<16xi32> to vector<16xi32>
      %mul3A_86 = arith.constant 10000 : i32
      %mul3A_87 = arith.muli %arg0, %mul3A_86 : i32
      %add3A_88 = vector.broadcast %mul3A_87 : i32 to vector<16xi32>
      %add3A_89 = arith.addi %get3A_85, %add3A_88 : vector<16xi32>
      %swap3A_90 = arith.constant 96 : index
      %swap3A_91 = tpu.vector_load %arg8[%swap3A_90] {strides = array<i32>} : memref<128xi32, #tpu.memory_space<vmem>>, vector<16xi32>,
      %swap3A_92 = vector.shape_cast %swap3A_91 : vector<16xi32> to vector<16xi32>
      %swap3A_93 = vector.shape_cast %add3A_89 : vector<16xi32> to vector<16xi32>
      tpu.vector_store %arg8[%swap3A_90], %swap3A_93 {strides = array<i32>} : memref<128xi32, #tpu.memory_space<vmem>>, vector<16xi32>,
      %get3A_94 = arith.constant 112 : index
      %get3A_95 = tpu.vector_load %arg8[%get3A_94] {strides = array<i32>} : memref<128xi32, #tpu.memory_space<vmem>>, vector<16xi32>,
      %get3A_96 = vector.shape_cast %get3A_95 : vector<16xi32> to vector<16xi32>
      %mul3A_97 = arith.constant 10000 : i32
      %mul3A_98 = arith.muli %arg0, %mul3A_97 : i32
      %add3A_99 = vector.broadcast %mul3A_98 : i32 to vector<16xi32>
      %add3A_100 = arith.addi %get3A_96, %add3A_99 : vector<16xi32>
      %swap3A_101 = arith.constant 112 : index
      %swap3A_102 = tpu.vector_load %arg8[%swap3A_101] {strides = array<i32>} : memref<128xi32, #tpu.memory_space<vmem>>, vector<16xi32>,
      %swap3A_103 = vector.shape_cast %swap3A_102 : vector<16xi32> to vector<16xi32>
      %swap3A_104 = vector.shape_cast %add3A_100 : vector<16xi32> to vector<16xi32>
      tpu.vector_store %arg8[%swap3A_101], %swap3A_104 {strides = array<i32>} : memref<128xi32, #tpu.memory_space<vmem>>, vector<16xi32>,
      %dma_start3A = arith.constant 0 : i32
      %dma_start3A_105 = arith.constant 0 : i32
      %dma_start3A_106 = tpu.memref_slice %arg2[%dma_start3A, %dma_start3A_105] : memref<20000x32xf32, #tpu.memory_space<hbm>> -> memref<20000x32xf32, #tpu.memory_space<hbm>>
      tpu.enqueue_indirect_dma source(%dma_start3A_106 : memref<20000x32xf32, #tpu.memory_space<hbm>>) target(%arg10 : memref<128x32xf32, #tpu.memory_space<vmem>>) offsets(%arg8 : memref<128xi32, #tpu.memory_space<vmem>>) semaphore(%arg12 : memref<!tpu.dma_semaphore, #tpu.memory_space<semaphore_mem>>)
      %dma_wait3A = arith.constant 0 : i32
      %dma_wait3A_107 = arith.constant 0 : i32
      %dma_wait3A_108 = tpu.memref_slice %arg2[%dma_wait3A, %dma_wait3A_107] : memref<20000x32xf32, #tpu.memory_space<hbm>> -> memref<20000x32xf32, #tpu.memory_space<hbm>>
      tpu.wait_indirect_dma semaphore(%arg12 : memref<!tpu.dma_semaphore, #tpu.memory_space<semaphore_mem>>) src(%dma_wait3A_108 : memref<20000x32xf32, #tpu.memory_space<hbm>>) dst(%arg10 : memref<128x32xf32, #tpu.memory_space<vmem>>)
      "tpu.region"() ({
        %run_scoped3A = tpu.sem_alloc : memref<!tpu.dma_semaphore, #tpu.memory_space<semaphore_mem>>
        %dma_start3A_109 = arith.constant 0 : i32
        %dma_start3A_110 = arith.constant 0 : i32
        %dma_start3A_111 = tpu.memref_slice %arg11[%dma_start3A_109, %dma_start3A_110] : memref<51200x32xf32, #tpu.memory_space<vmem_shared>> -> memref<51200x32xf32, #tpu.memory_space<vmem_shared>>
        tpu.enqueue_indirect_dma source(%arg10 : memref<128x32xf32, #tpu.memory_space<vmem>>) target(%dma_start3A_111 : memref<51200x32xf32, #tpu.memory_space<vmem_shared>>) offsets(%arg9 : memref<128xi32, #tpu.memory_space<vmem>>) semaphore(%run_scoped3A : memref<!tpu.dma_semaphore, #tpu.memory_space<semaphore_mem>>) {add = true}
        %dma_wait3A_112 = arith.constant 0 : i32
        %dma_wait3A_113 = arith.constant 0 : i32
        %dma_wait3A_114 = tpu.memref_slice %arg11[%dma_wait3A_112, %dma_wait3A_113] : memref<51200x32xf32, #tpu.memory_space<vmem_shared>> -> memref<51200x32xf32, #tpu.memory_space<vmem_shared>>
        tpu.wait_indirect_dma semaphore(%run_scoped3A : memref<!tpu.dma_semaphore, #tpu.memory_space<semaphore_mem>>) src(%arg10 : memref<128x32xf32, #tpu.memory_space<vmem>>) dst(%dma_wait3A_114 : memref<51200x32xf32, #tpu.memory_space<vmem_shared>>)
        tpu.yield
      }) : () -> ()
    }
    %scan3A_7 = arith.constant 158 : i32
    %barrier3A_8 = arith.constant 0 : index
    tpu.barrier barrier_id(%barrier3A_8)
    %mul3A_9 = arith.constant 3128 : i32
    %mul3A_10 = arith.muli %arg1, %mul3A_9 : i32
    %mul3A_11 = arith.constant 50048 : i32
    %mul3A_12 = arith.muli %arg0, %mul3A_11 : i32
    %mul3A_13 = arith.constant 3128 : i32
    %mul3A_14 = arith.muli %arg1, %mul3A_13 : i32
    %add3A = arith.addi %mul3A_12, %mul3A_14 : i32
    "tpu.region"() ({
      %run_scoped3A = tpu.sem_alloc : memref<!tpu.dma_semaphore, #tpu.memory_space<semaphore_mem>>
      %dma_start3A = arith.constant 0 : i32
      %dma_start3A_15 = tpu.memref_slice %arg7[%add3A, %dma_start3A] : memref<100096x32xf32, #tpu.memory_space<hbm>> -> memref<3128x32xf32, #tpu.memory_space<hbm>>
      %dma_start3A_16 = arith.constant 0 : i32
      %dma_start3A_17 = tpu.memref_slice %arg11[%mul3A_10, %dma_start3A_16] : memref<51200x32xf32, #tpu.memory_space<vmem_shared>> -> memref<3128x32xf32, #tpu.memory_space<vmem_shared>>
      tpu.enqueue_dma source(%dma_start3A_17 : memref<3128x32xf32, #tpu.memory_space<vmem_shared>>) target(%dma_start3A_15 : memref<3128x32xf32, #tpu.memory_space<hbm>>) target_semaphore(%run_scoped3A : memref<!tpu.dma_semaphore, #tpu.memory_space<semaphore_mem>>)
      %dma_wait3A = arith.constant 0 : i32
      %dma_wait3A_18 = tpu.memref_slice %arg7[%add3A, %dma_wait3A] : memref<100096x32xf32, #tpu.memory_space<hbm>> -> memref<3128x32xf32, #tpu.memory_space<hbm>>
      %dma_wait3A_19 = arith.constant 0 : i32
      %dma_wait3A_20 = tpu.memref_slice %arg11[%mul3A_10, %dma_wait3A_19] : memref<51200x32xf32, #tpu.memory_space<vmem_shared>> -> memref<3128x32xf32, #tpu.memory_space<vmem_shared>>
      tpu.wait_dma2 semaphore(%run_scoped3A : memref<!tpu.dma_semaphore, #tpu.memory_space<semaphore_mem>>) src(%dma_wait3A_20 : memref<3128x32xf32, #tpu.memory_space<vmem_shared>>) dst(%dma_wait3A_18 : memref<3128x32xf32, #tpu.memory_space<hbm>>)
      tpu.yield
    }) : () -> ()
    return
  }
}

#map = affine_map<(d0, d1) -> (0, 0)>
#map1 = affine_map<(d0, d1) -> (0)>
module attributes {stable_mosaic.version = 14 : i64} {
  func.func @body(%arg0: i32, %arg1: i32, %arg2: memref<20000x32xf32, #tpu.memory_space<hbm>>, %arg3: memref<323584xi32, #tpu.memory_space<hbm>>, %arg4: memref<323584xi32, #tpu.memory_space<hbm>>, %arg5: memref<3200x32xf32, #tpu.memory_space<hbm>>, %arg6: memref<128x32xf32, #tpu.memory_space<hbm>>, %arg7: memref<100096x32xf32, #tpu.memory_space<hbm>>, %arg8: memref<128xi32, #tpu.memory_space<vmem>>, %arg9: memref<128xi32, #tpu.memory_space<vmem>>, %arg10: memref<128x32xf32, #tpu.memory_space<vmem>>, %arg11: memref<51200x32xf32, #tpu.memory_space<vmem_shared>>, %arg12: memref<!tpu.dma_semaphore, #tpu.memory_space<semaphore_mem>>) attributes {dimension_semantics = [#tpu.dimension_semantics<core_parallel>, #tpu.dimension_semantics<subcore_parallel>], iteration_bounds = array<i64: 2, 16>, scalar_prefetch = 0 : i64, scratch_operands = 5 : i64, tpu.core_type = #tpu.core_type<sc_vector_subcore>, window_params = [{transform_indices = #map}, {transform_indices = #map1}, {transform_indices = #map1}, {transform_indices = #map}, {transform_indices = #map}, {transform_indices = #map}]} {
    %mul3A = arith.constant 3200 : i32
    %mul3A_0 = arith.muli %arg1, %mul3A : i32
    "tpu.region"() ({
      %run_scoped3A = tpu.sem_alloc : memref<!tpu.dma_semaphore, #tpu.memory_space<semaphore_mem>>
      %dma_start3A = arith.constant 0 : i32
      %dma_start3A_15 = tpu.memref_slice %arg11[%mul3A_0, %dma_start3A] : memref<51200x32xf32, #tpu.memory_space<vmem_shared>> -> memref<3200x32xf32, #tpu.memory_space<vmem_shared>>
      tpu.enqueue_dma source(%arg5 : memref<3200x32xf32, #tpu.memory_space<hbm>>) target(%dma_start3A_15 : memref<3200x32xf32, #tpu.memory_space<vmem_shared>>) target_semaphore(%run_scoped3A : memref<!tpu.dma_semaphore, #tpu.memory_space<semaphore_mem>>)
      %dma_wait3A = arith.constant 0 : i32
      %dma_wait3A_16 = tpu.memref_slice %arg11[%mul3A_0, %dma_wait3A] : memref<51200x32xf32, #tpu.memory_space<vmem_shared>> -> memref<3200x32xf32, #tpu.memory_space<vmem_shared>>
      tpu.wait_dma2 semaphore(%run_scoped3A : memref<!tpu.dma_semaphore, #tpu.memory_space<semaphore_mem>>) src(%arg5 : memref<3200x32xf32, #tpu.memory_space<hbm>>) dst(%dma_wait3A_16 : memref<3200x32xf32, #tpu.memory_space<vmem_shared>>)
      tpu.yield
    }) : () -> ()
    %barrier3A = arith.constant 0 : index
    tpu.barrier barrier_id(%barrier3A)
    %mul3A_1 = arith.constant 20224 : i32
    %mul3A_2 = arith.muli %arg1, %mul3A_1 : i32
    %scan3A = arith.constant 0 : i32
    %scan3A_3 = arith.constant 0 : i32
    %scan3A_4 = arith.constant 158 : i32
    %scan3A_5 = arith.addi %scan3A_3, %scan3A_4 : i32
    %scan3A_6 = arith.constant 1 : i32
    scf.for %scan3A_15 = %scan3A_3 to %scan3A_5 step %scan3A_6  : i32 {
      %mul3A_16 = arith.constant 128 : i32
      %mul3A_17 = arith.muli %scan3A_15, %mul3A_16 : i32
      %add3A_18 = arith.addi %mul3A_2, %mul3A_17 : i32
      "tpu.region"() ({
        %run_scoped3A = tpu.sem_alloc : memref<!tpu.dma_semaphore, #tpu.memory_space<semaphore_mem>>
        %dma_start3A_109 = tpu.memref_slice %arg4[%add3A_18] : memref<323584xi32, #tpu.memory_space<hbm>> -> memref<128xi32, #tpu.memory_space<hbm>>
        %dma_start3A_110 = tpu.memref_slice %arg4[%add3A_18] : memref<323584xi32, #tpu.memory_space<hbm>> -> memref<128xi32, #tpu.memory_space<hbm>>
        tpu.enqueue_dma source(%dma_start3A_110 : memref<128xi32, #tpu.memory_space<hbm>>) target(%arg9 : memref<128xi32, #tpu.memory_space<vmem>>) target_semaphore(%run_scoped3A : memref<!tpu.dma_semaphore, #tpu.memory_space<semaphore_mem>>)
        %dma_wait3A_111 = tpu.memref_slice %arg4[%add3A_18] : memref<323584xi32, #tpu.memory_space<hbm>> -> memref<128xi32, #tpu.memory_space<hbm>>
        %dma_wait3A_112 = tpu.memref_slice %arg4[%add3A_18] : memref<323584xi32, #tpu.memory_space<hbm>> -> memref<128xi32, #tpu.memory_space<hbm>>
        tpu.wait_dma2 semaphore(%run_scoped3A : memref<!tpu.dma_semaphore, #tpu.memory_space<semaphore_mem>>) src(%dma_wait3A_112 : memref<128xi32, #tpu.memory_space<hbm>>) dst(%arg9 : memref<128xi32, #tpu.memory_space<vmem>>)
        tpu.yield
      }) : () -> ()
      "tpu.region"() ({
        %run_scoped3A = tpu.sem_alloc : memref<!tpu.dma_semaphore, #tpu.memory_space<semaphore_mem>>
        %dma_start3A_109 = tpu.memref_slice %arg3[%add3A_18] : memref<323584xi32, #tpu.memory_space<hbm>> -> memref<128xi32, #tpu.memory_space<hbm>>
        %dma_start3A_110 = tpu.memref_slice %arg3[%add3A_18] : memref<323584xi32, #tpu.memory_space<hbm>> -> memref<128xi32, #tpu.memory_space<hbm>>
        tpu.enqueue_dma source(%dma_start3A_110 : memref<128xi32, #tpu.memory_space<hbm>>) target(%arg8 : memref<128xi32, #tpu.memory_space<vmem>>) target_semaphore(%run_scoped3A : memref<!tpu.dma_semaphore, #tpu.memory_space<semaphore_mem>>)
        %dma_wait3A_111 = tpu.memref_slice %arg3[%add3A_18] : memref<323584xi32, #tpu.memory_space<hbm>> -> memref<128xi32, #tpu.memory_space<hbm>>
        %dma_wait3A_112 = tpu.memref_slice %arg3[%add3A_18] : memref<323584xi32, #tpu.memory_space<hbm>> -> memref<128xi32, #tpu.memory_space<hbm>>
        tpu.wait_dma2 semaphore(%run_scoped3A : memref<!tpu.dma_semaphore, #tpu.memory_space<semaphore_mem>>) src(%dma_wait3A_112 : memref<128xi32, #tpu.memory_space<hbm>>) dst(%arg8 : memref<128xi32, #tpu.memory_space<vmem>>)
        tpu.yield
      }) : () -> ()
      %get3A = arith.constant 0 : index
      %get3A_19 = tpu.vector_load %arg8[%get3A] {strides = array<i32>} : memref<128xi32, #tpu.memory_space<vmem>>, vector<16xi32>,
      %get3A_20 = vector.shape_cast %get3A_19 : vector<16xi32> to vector<16xi32>
      %mul3A_21 = arith.constant 10000 : i32
      %mul3A_22 = arith.muli %arg0, %mul3A_21 : i32
      %add3A_23 = vector.broadcast %mul3A_22 : i32 to vector<16xi32>
      %add3A_24 = arith.addi %get3A_20, %add3A_23 : vector<16xi32>
      %swap3A = arith.constant 0 : index
      %swap3A_25 = tpu.vector_load %arg8[%swap3A] {strides = array<i32>} : memref<128xi32, #tpu.memory_space<vmem>>, vector<16xi32>,
      %swap3A_26 = vector.shape_cast %swap3A_25 : vector<16xi32> to vector<16xi32>
      %swap3A_27 = vector.shape_cast %add3A_24 : vector<16xi32> to vector<16xi32>
      tpu.vector_store %arg8[%swap3A], %swap3A_27 {strides = array<i32>} : memref<128xi32, #tpu.memory_space<vmem>>, vector<16xi32>,
      %get3A_28 = arith.constant 16 : index
      %get3A_29 = tpu.vector_load %arg8[%get3A_28] {strides = array<i32>} : memref<128xi32, #tpu.memory_space<vmem>>, vector<16xi32>,
      %get3A_30 = vector.shape_cast %get3A_29 : vector<16xi32> to vector<16xi32>
      %mul3A_31 = arith.constant 10000 : i32
      %mul3A_32 = arith.muli %arg0, %mul3A_31 : i32
      %add3A_33 = vector.broadcast %mul3A_32 : i32 to vector<16xi32>
      %add3A_34 = arith.addi %get3A_30, %add3A_33 : vector<16xi32>
      %swap3A_35 = arith.constant 16 : index
      %swap3A_36 = tpu.vector_load %arg8[%swap3A_35] {strides = array<i32>} : memref<128xi32, #tpu.memory_space<vmem>>, vector<16xi32>,
      %swap3A_37 = vector.shape_cast %swap3A_36 : vector<16xi32> to vector<16xi32>
      %swap3A_38 = vector.shape_cast %add3A_34 : vector<16xi32> to vector<16xi32>
      tpu.vector_store %arg8[%swap3A_35], %swap3A_38 {strides = array<i32>} : memref<128xi32, #tpu.memory_space<vmem>>, vector<16xi32>,
      %get3A_39 = arith.constant 32 : index
      %get3A_40 = tpu.vector_load %arg8[%get3A_39] {strides = array<i32>} : memref<128xi32, #tpu.memory_space<vmem>>, vector<16xi32>,
      %get3A_41 = vector.shape_cast %get3A_40 : vector<16xi32> to vector<16xi32>
      %mul3A_42 = arith.constant 10000 : i32
      %mul3A_43 = arith.muli %arg0, %mul3A_42 : i32
      %add3A_44 = vector.broadcast %mul3A_43 : i32 to vector<16xi32>
      %add3A_45 = arith.addi %get3A_41, %add3A_44 : vector<16xi32>
      %swap3A_46 = arith.constant 32 : index
      %swap3A_47 = tpu.vector_load %arg8[%swap3A_46] {strides = array<i32>} : memref<128xi32, #tpu.memory_space<vmem>>, vector<16xi32>,
      %swap3A_48 = vector.shape_cast %swap3A_47 : vector<16xi32> to vector<16xi32>
      %swap3A_49 = vector.shape_cast %add3A_45 : vector<16xi32> to vector<16xi32>
      tpu.vector_store %arg8[%swap3A_46], %swap3A_49 {strides = array<i32>} : memref<128xi32, #tpu.memory_space<vmem>>, vector<16xi32>,
      %get3A_50 = arith.constant 48 : index
      %get3A_51 = tpu.vector_load %arg8[%get3A_50] {strides = array<i32>} : memref<128xi32, #tpu.memory_space<vmem>>, vector<16xi32>,
      %get3A_52 = vector.shape_cast %get3A_51 : vector<16xi32> to vector<16xi32>
      %mul3A_53 = arith.constant 10000 : i32
      %mul3A_54 = arith.muli %arg0, %mul3A_53 : i32
      %add3A_55 = vector.broadcast %mul3A_54 : i32 to vector<16xi32>
      %add3A_56 = arith.addi %get3A_52, %add3A_55 : vector<16xi32>
      %swap3A_57 = arith.constant 48 : index
      %swap3A_58 = tpu.vector_load %arg8[%swap3A_57] {strides = array<i32>} : memref<128xi32, #tpu.memory_space<vmem>>, vector<16xi32>,
      %swap3A_59 = vector.shape_cast %swap3A_58 : vector<16xi32> to vector<16xi32>
      %swap3A_60 = vector.shape_cast %add3A_56 : vector<16xi32> to vector<16xi32>
      tpu.vector_store %arg8[%swap3A_57], %swap3A_60 {strides = array<i32>} : memref<128xi32, #tpu.memory_space<vmem>>, vector<16xi32>,
      %get3A_61 = arith.constant 64 : index
      %get3A_62 = tpu.vector_load %arg8[%get3A_61] {strides = array<i32>} : memref<128xi32, #tpu.memory_space<vmem>>, vector<16xi32>,
      %get3A_63 = vector.shape_cast %get3A_62 : vector<16xi32> to vector<16xi32>
      %mul3A_64 = arith.constant 10000 : i32
      %mul3A_65 = arith.muli %arg0, %mul3A_64 : i32
      %add3A_66 = vector.broadcast %mul3A_65 : i32 to vector<16xi32>
      %add3A_67 = arith.addi %get3A_63, %add3A_66 : vector<16xi32>
      %swap3A_68 = arith.constant 64 : index
      %swap3A_69 = tpu.vector_load %arg8[%swap3A_68] {strides = array<i32>} : memref<128xi32, #tpu.memory_space<vmem>>, vector<16xi32>,
      %swap3A_70 = vector.shape_cast %swap3A_69 : vector<16xi32> to vector<16xi32>
      %swap3A_71 = vector.shape_cast %add3A_67 : vector<16xi32> to vector<16xi32>
      tpu.vector_store %arg8[%swap3A_68], %swap3A_71 {strides = array<i32>} : memref<128xi32, #tpu.memory_space<vmem>>, vector<16xi32>,
      %get3A_72 = arith.constant 80 : index
      %get3A_73 = tpu.vector_load %arg8[%get3A_72] {strides = array<i32>} : memref<128xi32, #tpu.memory_space<vmem>>, vector<16xi32>,
      %get3A_74 = vector.shape_cast %get3A_73 : vector<16xi32> to vector<16xi32>
      %mul3A_75 = arith.constant 10000 : i32
      %mul3A_76 = arith.muli %arg0, %mul3A_75 : i32
      %add3A_77 = vector.broadcast %mul3A_76 : i32 to vector<16xi32>
      %add3A_78 = arith.addi %get3A_74, %add3A_77 : vector<16xi32>
      %swap3A_79 = arith.constant 80 : index
      %swap3A_80 = tpu.vector_load %arg8[%swap3A_79] {strides = array<i32>} : memref<128xi32, #tpu.memory_space<vmem>>, vector<16xi32>,
      %swap3A_81 = vector.shape_cast %swap3A_80 : vector<16xi32> to vector<16xi32>
      %swap3A_82 = vector.shape_cast %add3A_78 : vector<16xi32> to vector<16xi32>
      tpu.vector_store %arg8[%swap3A_79], %swap3A_82 {strides = array<i32>} : memref<128xi32, #tpu.memory_space<vmem>>, vector<16xi32>,
      %get3A_83 = arith.constant 96 : index
      %get3A_84 = tpu.vector_load %arg8[%get3A_83] {strides = array<i32>} : memref<128xi32, #tpu.memory_space<vmem>>, vector<16xi32>,
      %get3A_85 = vector.shape_cast %get3A_84 : vector<16xi32> to vector<16xi32>
      %mul3A_86 = arith.constant 10000 : i32
      %mul3A_87 = arith.muli %arg0, %mul3A_86 : i32
      %add3A_88 = vector.broadcast %mul3A_87 : i32 to vector<16xi32>
      %add3A_89 = arith.addi %get3A_85, %add3A_88 : vector<16xi32>
      %swap3A_90 = arith.constant 96 : index
      %swap3A_91 = tpu.vector_load %arg8[%swap3A_90] {strides = array<i32>} : memref<128xi32, #tpu.memory_space<vmem>>, vector<16xi32>,
      %swap3A_92 = vector.shape_cast %swap3A_91 : vector<16xi32> to vector<16xi32>
      %swap3A_93 = vector.shape_cast %add3A_89 : vector<16xi32> to vector<16xi32>
      tpu.vector_store %arg8[%swap3A_90], %swap3A_93 {strides = array<i32>} : memref<128xi32, #tpu.memory_space<vmem>>, vector<16xi32>,
      %get3A_94 = arith.constant 112 : index
      %get3A_95 = tpu.vector_load %arg8[%get3A_94] {strides = array<i32>} : memref<128xi32, #tpu.memory_space<vmem>>, vector<16xi32>,
      %get3A_96 = vector.shape_cast %get3A_95 : vector<16xi32> to vector<16xi32>
      %mul3A_97 = arith.constant 10000 : i32
      %mul3A_98 = arith.muli %arg0, %mul3A_97 : i32
      %add3A_99 = vector.broadcast %mul3A_98 : i32 to vector<16xi32>
      %add3A_100 = arith.addi %get3A_96, %add3A_99 : vector<16xi32>
      %swap3A_101 = arith.constant 112 : index
      %swap3A_102 = tpu.vector_load %arg8[%swap3A_101] {strides = array<i32>} : memref<128xi32, #tpu.memory_space<vmem>>, vector<16xi32>,
      %swap3A_103 = vector.shape_cast %swap3A_102 : vector<16xi32> to vector<16xi32>
      %swap3A_104 = vector.shape_cast %add3A_100 : vector<16xi32> to vector<16xi32>
      tpu.vector_store %arg8[%swap3A_101], %swap3A_104 {strides = array<i32>} : memref<128xi32, #tpu.memory_space<vmem>>, vector<16xi32>,
      %dma_start3A = arith.constant 0 : i32
      %dma_start3A_105 = arith.constant 0 : i32
      %dma_start3A_106 = tpu.memref_slice %arg2[%dma_start3A, %dma_start3A_105] : memref<20000x32xf32, #tpu.memory_space<hbm>> -> memref<20000x32xf32, #tpu.memory_space<hbm>>
      tpu.enqueue_indirect_dma source(%dma_start3A_106 : memref<20000x32xf32, #tpu.memory_space<hbm>>) target(%arg10 : memref<128x32xf32, #tpu.memory_space<vmem>>) offsets(%arg8 : memref<128xi32, #tpu.memory_space<vmem>>) semaphore(%arg12 : memref<!tpu.dma_semaphore, #tpu.memory_space<semaphore_mem>>)
      %dma_wait3A = arith.constant 0 : i32
      %dma_wait3A_107 = arith.constant 0 : i32
      %dma_wait3A_108 = tpu.memref_slice %arg2[%dma_wait3A, %dma_wait3A_107] : memref<20000x32xf32, #tpu.memory_space<hbm>> -> memref<20000x32xf32, #tpu.memory_space<hbm>>
      tpu.wait_indirect_dma semaphore(%arg12 : memref<!tpu.dma_semaphore, #tpu.memory_space<semaphore_mem>>) src(%dma_wait3A_108 : memref<20000x32xf32, #tpu.memory_space<hbm>>) dst(%arg10 : memref<128x32xf32, #tpu.memory_space<vmem>>)
      "tpu.region"() ({
        %run_scoped3A = tpu.sem_alloc : memref<!tpu.dma_semaphore, #tpu.memory_space<semaphore_mem>>
        %dma_start3A_109 = arith.constant 0 : i32
        %dma_start3A_110 = arith.constant 0 : i32
        %dma_start3A_111 = tpu.memref_slice %arg11[%dma_start3A_109, %dma_start3A_110] : memref<51200x32xf32, #tpu.memory_space<vmem_shared>> -> memref<51200x32xf32, #tpu.memory_space<vmem_shared>>
        tpu.enqueue_indirect_dma source(%arg10 : memref<128x32xf32, #tpu.memory_space<vmem>>) target(%dma_start3A_111 : memref<51200x32xf32, #tpu.memory_space<vmem_shared>>) offsets(%arg9 : memref<128xi32, #tpu.memory_space<vmem>>) semaphore(%run_scoped3A : memref<!tpu.dma_semaphore, #tpu.memory_space<semaphore_mem>>) {add = true}
        %dma_wait3A_112 = arith.constant 0 : i32
        %dma_wait3A_113 = arith.constant 0 : i32
        %dma_wait3A_114 = tpu.memref_slice %arg11[%dma_wait3A_112, %dma_wait3A_113] : memref<51200x32xf32, #tpu.memory_space<vmem_shared>> -> memref<51200x32xf32, #tpu.memory_space<vmem_shared>>
        tpu.wait_indirect_dma semaphore(%run_scoped3A : memref<!tpu.dma_semaphore, #tpu.memory_space<semaphore_mem>>) src(%arg10 : memref<128x32xf32, #tpu.memory_space<vmem>>) dst(%dma_wait3A_114 : memref<51200x32xf32, #tpu.memory_space<vmem_shared>>)
        tpu.yield
      }) : () -> ()
    }
    %scan3A_7 = arith.constant 158 : i32
    %barrier3A_8 = arith.constant 0 : index
    tpu.barrier barrier_id(%barrier3A_8)
    %mul3A_9 = arith.constant 3128 : i32
    %mul3A_10 = arith.muli %arg1, %mul3A_9 : i32
    %mul3A_11 = arith.constant 50048 : i32
    %mul3A_12 = arith.muli %arg0, %mul3A_11 : i32
    %mul3A_13 = arith.constant 3128 : i32
    %mul3A_14 = arith.muli %arg1, %mul3A_13 : i32
    %add3A = arith.addi %mul3A_12, %mul3A_14 : i32
    "tpu.region"() ({
      %run_scoped3A = tpu.sem_alloc : memref<!tpu.dma_semaphore, #tpu.memory_space<semaphore_mem>>
      %dma_start3A = arith.constant 0 : i32
      %dma_start3A_15 = tpu.memref_slice %arg7[%add3A, %dma_start3A] : memref<100096x32xf32, #tpu.memory_space<hbm>> -> memref<3128x32xf32, #tpu.memory_space<hbm>>
      %dma_start3A_16 = arith.constant 0 : i32
      %dma_start3A_17 = tpu.memref_slice %arg11[%mul3A_10, %dma_start3A_16] : memref<51200x32xf32, #tpu.memory_space<vmem_shared>> -> memref<3128x32xf32, #tpu.memory_space<vmem_shared>>
      tpu.enqueue_dma source(%dma_start3A_17 : memref<3128x32xf32, #tpu.memory_space<vmem_shared>>) target(%dma_start3A_15 : memref<3128x32xf32, #tpu.memory_space<hbm>>) target_semaphore(%run_scoped3A : memref<!tpu.dma_semaphore, #tpu.memory_space<semaphore_mem>>)
      %dma_wait3A = arith.constant 0 : i32
      %dma_wait3A_18 = tpu.memref_slice %arg7[%add3A, %dma_wait3A] : memref<100096x32xf32, #tpu.memory_space<hbm>> -> memref<3128x32xf32, #tpu.memory_space<hbm>>
      %dma_wait3A_19 = arith.constant 0 : i32
      %dma_wait3A_20 = tpu.memref_slice %arg11[%mul3A_10, %dma_wait3A_19] : memref<51200x32xf32, #tpu.memory_space<vmem_shared>> -> memref<3128x32xf32, #tpu.memory_space<vmem_shared>>
      tpu.wait_dma2 semaphore(%run_scoped3A : memref<!tpu.dma_semaphore, #tpu.memory_space<semaphore_mem>>) src(%dma_wait3A_20 : memref<3128x32xf32, #tpu.memory_space<vmem_shared>>) dst(%dma_wait3A_18 : memref<3128x32xf32, #tpu.memory_space<hbm>>)
      tpu.yield
    }) : () -> ()
    return
  }
}

#map = affine_map<(d0, d1) -> (0, 0)>
#map1 = affine_map<(d0, d1) -> (0)>
module attributes {stable_mosaic.version = 14 : i64} {
  func.func @body(%arg0: i32, %arg1: i32, %arg2: memref<20000x32xf32, #tpu.memory_space<hbm>>, %arg3: memref<323584xi32, #tpu.memory_space<hbm>>, %arg4: memref<323584xi32, #tpu.memory_space<hbm>>, %arg5: memref<3200x32xf32, #tpu.memory_space<hbm>>, %arg6: memref<128x32xf32, #tpu.memory_space<hbm>>, %arg7: memref<100096x32xf32, #tpu.memory_space<hbm>>, %arg8: memref<128xi32, #tpu.memory_space<vmem>>, %arg9: memref<128xi32, #tpu.memory_space<vmem>>, %arg10: memref<128x32xf32, #tpu.memory_space<vmem>>, %arg11: memref<51200x32xf32, #tpu.memory_space<vmem_shared>>, %arg12: memref<!tpu.dma_semaphore, #tpu.memory_space<semaphore_mem>>) attributes {dimension_semantics = [#tpu.dimension_semantics<core_parallel>, #tpu.dimension_semantics<subcore_parallel>], iteration_bounds = array<i64: 2, 16>, scalar_prefetch = 0 : i64, scratch_operands = 5 : i64, tpu.core_type = #tpu.core_type<sc_vector_subcore>, window_params = [{transform_indices = #map}, {transform_indices = #map1}, {transform_indices = #map1}, {transform_indices = #map}, {transform_indices = #map}, {transform_indices = #map}]} {
    %mul3A = arith.constant 3200 : i32
    %mul3A_0 = arith.muli %arg1, %mul3A : i32
    "tpu.region"() ({
      %run_scoped3A = tpu.sem_alloc : memref<!tpu.dma_semaphore, #tpu.memory_space<semaphore_mem>>
      %dma_start3A = arith.constant 0 : i32
      %dma_start3A_15 = tpu.memref_slice %arg11[%mul3A_0, %dma_start3A] : memref<51200x32xf32, #tpu.memory_space<vmem_shared>> -> memref<3200x32xf32, #tpu.memory_space<vmem_shared>>
      tpu.enqueue_dma source(%arg5 : memref<3200x32xf32, #tpu.memory_space<hbm>>) target(%dma_start3A_15 : memref<3200x32xf32, #tpu.memory_space<vmem_shared>>) target_semaphore(%run_scoped3A : memref<!tpu.dma_semaphore, #tpu.memory_space<semaphore_mem>>)
      %dma_wait3A = arith.constant 0 : i32
      %dma_wait3A_16 = tpu.memref_slice %arg11[%mul3A_0, %dma_wait3A] : memref<51200x32xf32, #tpu.memory_space<vmem_shared>> -> memref<3200x32xf32, #tpu.memory_space<vmem_shared>>
      tpu.wait_dma2 semaphore(%run_scoped3A : memref<!tpu.dma_semaphore, #tpu.memory_space<semaphore_mem>>) src(%arg5 : memref<3200x32xf32, #tpu.memory_space<hbm>>) dst(%dma_wait3A_16 : memref<3200x32xf32, #tpu.memory_space<vmem_shared>>)
      tpu.yield
    }) : () -> ()
    %barrier3A = arith.constant 0 : index
    tpu.barrier barrier_id(%barrier3A)
    %mul3A_1 = arith.constant 20224 : i32
    %mul3A_2 = arith.muli %arg1, %mul3A_1 : i32
    %scan3A = arith.constant 0 : i32
    %scan3A_3 = arith.constant 0 : i32
    %scan3A_4 = arith.constant 158 : i32
    %scan3A_5 = arith.addi %scan3A_3, %scan3A_4 : i32
    %scan3A_6 = arith.constant 1 : i32
    scf.for %scan3A_15 = %scan3A_3 to %scan3A_5 step %scan3A_6  : i32 {
      %mul3A_16 = arith.constant 128 : i32
      %mul3A_17 = arith.muli %scan3A_15, %mul3A_16 : i32
      %add3A_18 = arith.addi %mul3A_2, %mul3A_17 : i32
      "tpu.region"() ({
        %run_scoped3A = tpu.sem_alloc : memref<!tpu.dma_semaphore, #tpu.memory_space<semaphore_mem>>
        %dma_start3A_109 = tpu.memref_slice %arg4[%add3A_18] : memref<323584xi32, #tpu.memory_space<hbm>> -> memref<128xi32, #tpu.memory_space<hbm>>
        %dma_start3A_110 = tpu.memref_slice %arg4[%add3A_18] : memref<323584xi32, #tpu.memory_space<hbm>> -> memref<128xi32, #tpu.memory_space<hbm>>
        tpu.enqueue_dma source(%dma_start3A_110 : memref<128xi32, #tpu.memory_space<hbm>>) target(%arg9 : memref<128xi32, #tpu.memory_space<vmem>>) target_semaphore(%run_scoped3A : memref<!tpu.dma_semaphore, #tpu.memory_space<semaphore_mem>>)
        %dma_wait3A_111 = tpu.memref_slice %arg4[%add3A_18] : memref<323584xi32, #tpu.memory_space<hbm>> -> memref<128xi32, #tpu.memory_space<hbm>>
        %dma_wait3A_112 = tpu.memref_slice %arg4[%add3A_18] : memref<323584xi32, #tpu.memory_space<hbm>> -> memref<128xi32, #tpu.memory_space<hbm>>
        tpu.wait_dma2 semaphore(%run_scoped3A : memref<!tpu.dma_semaphore, #tpu.memory_space<semaphore_mem>>) src(%dma_wait3A_112 : memref<128xi32, #tpu.memory_space<hbm>>) dst(%arg9 : memref<128xi32, #tpu.memory_space<vmem>>)
        tpu.yield
      }) : () -> ()
      "tpu.region"() ({
        %run_scoped3A = tpu.sem_alloc : memref<!tpu.dma_semaphore, #tpu.memory_space<semaphore_mem>>
        %dma_start3A_109 = tpu.memref_slice %arg3[%add3A_18] : memref<323584xi32, #tpu.memory_space<hbm>> -> memref<128xi32, #tpu.memory_space<hbm>>
        %dma_start3A_110 = tpu.memref_slice %arg3[%add3A_18] : memref<323584xi32, #tpu.memory_space<hbm>> -> memref<128xi32, #tpu.memory_space<hbm>>
        tpu.enqueue_dma source(%dma_start3A_110 : memref<128xi32, #tpu.memory_space<hbm>>) target(%arg8 : memref<128xi32, #tpu.memory_space<vmem>>) target_semaphore(%run_scoped3A : memref<!tpu.dma_semaphore, #tpu.memory_space<semaphore_mem>>)
        %dma_wait3A_111 = tpu.memref_slice %arg3[%add3A_18] : memref<323584xi32, #tpu.memory_space<hbm>> -> memref<128xi32, #tpu.memory_space<hbm>>
        %dma_wait3A_112 = tpu.memref_slice %arg3[%add3A_18] : memref<323584xi32, #tpu.memory_space<hbm>> -> memref<128xi32, #tpu.memory_space<hbm>>
        tpu.wait_dma2 semaphore(%run_scoped3A : memref<!tpu.dma_semaphore, #tpu.memory_space<semaphore_mem>>) src(%dma_wait3A_112 : memref<128xi32, #tpu.memory_space<hbm>>) dst(%arg8 : memref<128xi32, #tpu.memory_space<vmem>>)
        tpu.yield
      }) : () -> ()
      %get3A = arith.constant 0 : index
      %get3A_19 = tpu.vector_load %arg8[%get3A] {strides = array<i32>} : memref<128xi32, #tpu.memory_space<vmem>>, vector<16xi32>,
      %get3A_20 = vector.shape_cast %get3A_19 : vector<16xi32> to vector<16xi32>
      %mul3A_21 = arith.constant 10000 : i32
      %mul3A_22 = arith.muli %arg0, %mul3A_21 : i32
      %add3A_23 = vector.broadcast %mul3A_22 : i32 to vector<16xi32>
      %add3A_24 = arith.addi %get3A_20, %add3A_23 : vector<16xi32>
      %swap3A = arith.constant 0 : index
      %swap3A_25 = tpu.vector_load %arg8[%swap3A] {strides = array<i32>} : memref<128xi32, #tpu.memory_space<vmem>>, vector<16xi32>,
      %swap3A_26 = vector.shape_cast %swap3A_25 : vector<16xi32> to vector<16xi32>
      %swap3A_27 = vector.shape_cast %add3A_24 : vector<16xi32> to vector<16xi32>
      tpu.vector_store %arg8[%swap3A], %swap3A_27 {strides = array<i32>} : memref<128xi32, #tpu.memory_space<vmem>>, vector<16xi32>,
      %get3A_28 = arith.constant 16 : index
      %get3A_29 = tpu.vector_load %arg8[%get3A_28] {strides = array<i32>} : memref<128xi32, #tpu.memory_space<vmem>>, vector<16xi32>,
      %get3A_30 = vector.shape_cast %get3A_29 : vector<16xi32> to vector<16xi32>
      %mul3A_31 = arith.constant 10000 : i32
      %mul3A_32 = arith.muli %arg0, %mul3A_31 : i32
      %add3A_33 = vector.broadcast %mul3A_32 : i32 to vector<16xi32>
      %add3A_34 = arith.addi %get3A_30, %add3A_33 : vector<16xi32>
      %swap3A_35 = arith.constant 16 : index
      %swap3A_36 = tpu.vector_load %arg8[%swap3A_35] {strides = array<i32>} : memref<128xi32, #tpu.memory_space<vmem>>, vector<16xi32>,
      %swap3A_37 = vector.shape_cast %swap3A_36 : vector<16xi32> to vector<16xi32>
      %swap3A_38 = vector.shape_cast %add3A_34 : vector<16xi32> to vector<16xi32>
      tpu.vector_store %arg8[%swap3A_35], %swap3A_38 {strides = array<i32>} : memref<128xi32, #tpu.memory_space<vmem>>, vector<16xi32>,
      %get3A_39 = arith.constant 32 : index
      %get3A_40 = tpu.vector_load %arg8[%get3A_39] {strides = array<i32>} : memref<128xi32, #tpu.memory_space<vmem>>, vector<16xi32>,
      %get3A_41 = vector.shape_cast %get3A_40 : vector<16xi32> to vector<16xi32>
      %mul3A_42 = arith.constant 10000 : i32
      %mul3A_43 = arith.muli %arg0, %mul3A_42 : i32
      %add3A_44 = vector.broadcast %mul3A_43 : i32 to vector<16xi32>
      %add3A_45 = arith.addi %get3A_41, %add3A_44 : vector<16xi32>
      %swap3A_46 = arith.constant 32 : index
      %swap3A_47 = tpu.vector_load %arg8[%swap3A_46] {strides = array<i32>} : memref<128xi32, #tpu.memory_space<vmem>>, vector<16xi32>,
      %swap3A_48 = vector.shape_cast %swap3A_47 : vector<16xi32> to vector<16xi32>
      %swap3A_49 = vector.shape_cast %add3A_45 : vector<16xi32> to vector<16xi32>
      tpu.vector_store %arg8[%swap3A_46], %swap3A_49 {strides = array<i32>} : memref<128xi32, #tpu.memory_space<vmem>>, vector<16xi32>,
      %get3A_50 = arith.constant 48 : index
      %get3A_51 = tpu.vector_load %arg8[%get3A_50] {strides = array<i32>} : memref<128xi32, #tpu.memory_space<vmem>>, vector<16xi32>,
      %get3A_52 = vector.shape_cast %get3A_51 : vector<16xi32> to vector<16xi32>
      %mul3A_53 = arith.constant 10000 : i32
      %mul3A_54 = arith.muli %arg0, %mul3A_53 : i32
      %add3A_55 = vector.broadcast %mul3A_54 : i32 to vector<16xi32>
      %add3A_56 = arith.addi %get3A_52, %add3A_55 : vector<16xi32>
      %swap3A_57 = arith.constant 48 : index
      %swap3A_58 = tpu.vector_load %arg8[%swap3A_57] {strides = array<i32>} : memref<128xi32, #tpu.memory_space<vmem>>, vector<16xi32>,
      %swap3A_59 = vector.shape_cast %swap3A_58 : vector<16xi32> to vector<16xi32>
      %swap3A_60 = vector.shape_cast %add3A_56 : vector<16xi32> to vector<16xi32>
      tpu.vector_store %arg8[%swap3A_57], %swap3A_60 {strides = array<i32>} : memref<128xi32, #tpu.memory_space<vmem>>, vector<16xi32>,
      %get3A_61 = arith.constant 64 : index
      %get3A_62 = tpu.vector_load %arg8[%get3A_61] {strides = array<i32>} : memref<128xi32, #tpu.memory_space<vmem>>, vector<16xi32>,
      %get3A_63 = vector.shape_cast %get3A_62 : vector<16xi32> to vector<16xi32>
      %mul3A_64 = arith.constant 10000 : i32
      %mul3A_65 = arith.muli %arg0, %mul3A_64 : i32
      %add3A_66 = vector.broadcast %mul3A_65 : i32 to vector<16xi32>
      %add3A_67 = arith.addi %get3A_63, %add3A_66 : vector<16xi32>
      %swap3A_68 = arith.constant 64 : index
      %swap3A_69 = tpu.vector_load %arg8[%swap3A_68] {strides = array<i32>} : memref<128xi32, #tpu.memory_space<vmem>>, vector<16xi32>,
      %swap3A_70 = vector.shape_cast %swap3A_69 : vector<16xi32> to vector<16xi32>
      %swap3A_71 = vector.shape_cast %add3A_67 : vector<16xi32> to vector<16xi32>
      tpu.vector_store %arg8[%swap3A_68], %swap3A_71 {strides = array<i32>} : memref<128xi32, #tpu.memory_space<vmem>>, vector<16xi32>,
      %get3A_72 = arith.constant 80 : index
      %get3A_73 = tpu.vector_load %arg8[%get3A_72] {strides = array<i32>} : memref<128xi32, #tpu.memory_space<vmem>>, vector<16xi32>,
      %get3A_74 = vector.shape_cast %get3A_73 : vector<16xi32> to vector<16xi32>
      %mul3A_75 = arith.constant 10000 : i32
      %mul3A_76 = arith.muli %arg0, %mul3A_75 : i32
      %add3A_77 = vector.broadcast %mul3A_76 : i32 to vector<16xi32>
      %add3A_78 = arith.addi %get3A_74, %add3A_77 : vector<16xi32>
      %swap3A_79 = arith.constant 80 : index
      %swap3A_80 = tpu.vector_load %arg8[%swap3A_79] {strides = array<i32>} : memref<128xi32, #tpu.memory_space<vmem>>, vector<16xi32>,
      %swap3A_81 = vector.shape_cast %swap3A_80 : vector<16xi32> to vector<16xi32>
      %swap3A_82 = vector.shape_cast %add3A_78 : vector<16xi32> to vector<16xi32>
      tpu.vector_store %arg8[%swap3A_79], %swap3A_82 {strides = array<i32>} : memref<128xi32, #tpu.memory_space<vmem>>, vector<16xi32>,
      %get3A_83 = arith.constant 96 : index
      %get3A_84 = tpu.vector_load %arg8[%get3A_83] {strides = array<i32>} : memref<128xi32, #tpu.memory_space<vmem>>, vector<16xi32>,
      %get3A_85 = vector.shape_cast %get3A_84 : vector<16xi32> to vector<16xi32>
      %mul3A_86 = arith.constant 10000 : i32
      %mul3A_87 = arith.muli %arg0, %mul3A_86 : i32
      %add3A_88 = vector.broadcast %mul3A_87 : i32 to vector<16xi32>
      %add3A_89 = arith.addi %get3A_85, %add3A_88 : vector<16xi32>
      %swap3A_90 = arith.constant 96 : index
      %swap3A_91 = tpu.vector_load %arg8[%swap3A_90] {strides = array<i32>} : memref<128xi32, #tpu.memory_space<vmem>>, vector<16xi32>,
      %swap3A_92 = vector.shape_cast %swap3A_91 : vector<16xi32> to vector<16xi32>
      %swap3A_93 = vector.shape_cast %add3A_89 : vector<16xi32> to vector<16xi32>
      tpu.vector_store %arg8[%swap3A_90], %swap3A_93 {strides = array<i32>} : memref<128xi32, #tpu.memory_space<vmem>>, vector<16xi32>,
      %get3A_94 = arith.constant 112 : index
      %get3A_95 = tpu.vector_load %arg8[%get3A_94] {strides = array<i32>} : memref<128xi32, #tpu.memory_space<vmem>>, vector<16xi32>,
      %get3A_96 = vector.shape_cast %get3A_95 : vector<16xi32> to vector<16xi32>
      %mul3A_97 = arith.constant 10000 : i32
      %mul3A_98 = arith.muli %arg0, %mul3A_97 : i32
      %add3A_99 = vector.broadcast %mul3A_98 : i32 to vector<16xi32>
      %add3A_100 = arith.addi %get3A_96, %add3A_99 : vector<16xi32>
      %swap3A_101 = arith.constant 112 : index
      %swap3A_102 = tpu.vector_load %arg8[%swap3A_101] {strides = array<i32>} : memref<128xi32, #tpu.memory_space<vmem>>, vector<16xi32>,
      %swap3A_103 = vector.shape_cast %swap3A_102 : vector<16xi32> to vector<16xi32>
      %swap3A_104 = vector.shape_cast %add3A_100 : vector<16xi32> to vector<16xi32>
      tpu.vector_store %arg8[%swap3A_101], %swap3A_104 {strides = array<i32>} : memref<128xi32, #tpu.memory_space<vmem>>, vector<16xi32>,
      %dma_start3A = arith.constant 0 : i32
      %dma_start3A_105 = arith.constant 0 : i32
      %dma_start3A_106 = tpu.memref_slice %arg2[%dma_start3A, %dma_start3A_105] : memref<20000x32xf32, #tpu.memory_space<hbm>> -> memref<20000x32xf32, #tpu.memory_space<hbm>>
      tpu.enqueue_indirect_dma source(%dma_start3A_106 : memref<20000x32xf32, #tpu.memory_space<hbm>>) target(%arg10 : memref<128x32xf32, #tpu.memory_space<vmem>>) offsets(%arg8 : memref<128xi32, #tpu.memory_space<vmem>>) semaphore(%arg12 : memref<!tpu.dma_semaphore, #tpu.memory_space<semaphore_mem>>)
      %dma_wait3A = arith.constant 0 : i32
      %dma_wait3A_107 = arith.constant 0 : i32
      %dma_wait3A_108 = tpu.memref_slice %arg2[%dma_wait3A, %dma_wait3A_107] : memref<20000x32xf32, #tpu.memory_space<hbm>> -> memref<20000x32xf32, #tpu.memory_space<hbm>>
      tpu.wait_indirect_dma semaphore(%arg12 : memref<!tpu.dma_semaphore, #tpu.memory_space<semaphore_mem>>) src(%dma_wait3A_108 : memref<20000x32xf32, #tpu.memory_space<hbm>>) dst(%arg10 : memref<128x32xf32, #tpu.memory_space<vmem>>)
      "tpu.region"() ({
        %run_scoped3A = tpu.sem_alloc : memref<!tpu.dma_semaphore, #tpu.memory_space<semaphore_mem>>
        %dma_start3A_109 = arith.constant 0 : i32
        %dma_start3A_110 = arith.constant 0 : i32
        %dma_start3A_111 = tpu.memref_slice %arg11[%dma_start3A_109, %dma_start3A_110] : memref<51200x32xf32, #tpu.memory_space<vmem_shared>> -> memref<51200x32xf32, #tpu.memory_space<vmem_shared>>
        tpu.enqueue_indirect_dma source(%arg10 : memref<128x32xf32, #tpu.memory_space<vmem>>) target(%dma_start3A_111 : memref<51200x32xf32, #tpu.memory_space<vmem_shared>>) offsets(%arg9 : memref<128xi32, #tpu.memory_space<vmem>>) semaphore(%run_scoped3A : memref<!tpu.dma_semaphore, #tpu.memory_space<semaphore_mem>>) {add = true}
        %dma_wait3A_112 = arith.constant 0 : i32
        %dma_wait3A_113 = arith.constant 0 : i32
        %dma_wait3A_114 = tpu.memref_slice %arg11[%dma_wait3A_112, %dma_wait3A_113] : memref<51200x32xf32, #tpu.memory_space<vmem_shared>> -> memref<51200x32xf32, #tpu.memory_space<vmem_shared>>
        tpu.wait_indirect_dma semaphore(%run_scoped3A : memref<!tpu.dma_semaphore, #tpu.memory_space<semaphore_mem>>) src(%arg10 : memref<128x32xf32, #tpu.memory_space<vmem>>) dst(%dma_wait3A_114 : memref<51200x32xf32, #tpu.memory_space<vmem_shared>>)
        tpu.yield
      }) : () -> ()
    }
    %scan3A_7 = arith.constant 158 : i32
    %barrier3A_8 = arith.constant 0 : index
    tpu.barrier barrier_id(%barrier3A_8)
    %mul3A_9 = arith.constant 3128 : i32
    %mul3A_10 = arith.muli %arg1, %mul3A_9 : i32
    %mul3A_11 = arith.constant 50048 : i32
    %mul3A_12 = arith.muli %arg0, %mul3A_11 : i32
    %mul3A_13 = arith.constant 3128 : i32
    %mul3A_14 = arith.muli %arg1, %mul3A_13 : i32
    %add3A = arith.addi %mul3A_12, %mul3A_14 : i32
    "tpu.region"() ({
      %run_scoped3A = tpu.sem_alloc : memref<!tpu.dma_semaphore, #tpu.memory_space<semaphore_mem>>
      %dma_start3A = arith.constant 0 : i32
      %dma_start3A_15 = tpu.memref_slice %arg7[%add3A, %dma_start3A] : memref<100096x32xf32, #tpu.memory_space<hbm>> -> memref<3128x32xf32, #tpu.memory_space<hbm>>
      %dma_start3A_16 = arith.constant 0 : i32
      %dma_start3A_17 = tpu.memref_slice %arg11[%mul3A_10, %dma_start3A_16] : memref<51200x32xf32, #tpu.memory_space<vmem_shared>> -> memref<3128x32xf32, #tpu.memory_space<vmem_shared>>
      tpu.enqueue_dma source(%dma_start3A_17 : memref<3128x32xf32, #tpu.memory_space<vmem_shared>>) target(%dma_start3A_15 : memref<3128x32xf32, #tpu.memory_space<hbm>>) target_semaphore(%run_scoped3A : memref<!tpu.dma_semaphore, #tpu.memory_space<semaphore_mem>>)
      %dma_wait3A = arith.constant 0 : i32
      %dma_wait3A_18 = tpu.memref_slice %arg7[%add3A, %dma_wait3A] : memref<100096x32xf32, #tpu.memory_space<hbm>> -> memref<3128x32xf32, #tpu.memory_space<hbm>>
      %dma_wait3A_19 = arith.constant 0 : i32
      %dma_wait3A_20 = tpu.memref_slice %arg11[%mul3A_10, %dma_wait3A_19] : memref<51200x32xf32, #tpu.memory_space<vmem_shared>> -> memref<3128x32xf32, #tpu.memory_space<vmem_shared>>
      tpu.wait_dma2 semaphore(%run_scoped3A : memref<!tpu.dma_semaphore, #tpu.memory_space<semaphore_mem>>) src(%dma_wait3A_20 : memref<3128x32xf32, #tpu.memory_space<vmem_shared>>) dst(%dma_wait3A_18 : memref<3128x32xf32, #tpu.memory_space<hbm>>)
      tpu.yield
    }) : () -> ()
    return
  }
}

module attributes {stable_mosaic.version = 14 : i64} {
  func.func @_lin0_body(%arg0: memref<10000x128xf32, #tpu.memory_space<vmem>>, %arg1: memref<64x128xf32, #tpu.memory_space<vmem>>, %arg2: memref<1x64xf32, #tpu.memory_space<vmem>>, %arg3: memref<10000x64xf32, #tpu.memory_space<vmem>>) attributes {dimension_semantics = [], scalar_prefetch = 0 : i64, scratch_operands = 0 : i64, tpu.core_type = #tpu.core_type<tc>} {
    %get3A = arith.constant 0 : index
    %get3A_0 = arith.constant 0 : index
    %get3A_1 = vector.load %arg0[%get3A, %get3A_0] : memref<10000x128xf32, #tpu.memory_space<vmem>>, vector<10000x128xf32>
    %get3A_2 = arith.constant 0 : index
    %get3A_3 = arith.constant 0 : index
    %get3A_4 = vector.load %arg1[%get3A_2, %get3A_3] : memref<64x128xf32, #tpu.memory_space<vmem>>, vector<64x128xf32>
    %dot_general3A = arith.constant dense<0.000000e+00> : vector<10000x64xf32>
    %dot_general3A_5 = tpu.matmul %get3A_1, %get3A_4, %dot_general3A {dimension_numbers = #tpu.dot_dimension_numbers<[1], [1], [0], [0], [0, 0, 1, 0], [], []>, transpose_lhs_hint = false} : vector<10000x128xf32>, vector<64x128xf32>, vector<10000x64xf32> -> vector<10000x64xf32>
    %get3A_6 = arith.constant 0 : index
    %get3A_7 = arith.constant 0 : index
    %get3A_8 = vector.load %arg2[%get3A_6, %get3A_7] : memref<1x64xf32, #tpu.memory_space<vmem>>, vector<1x64xf32>
    %add3A = vector.broadcast %get3A_8 : vector<1x64xf32> to vector<10000x64xf32>
    %add3A_9 = arith.addf %dot_general3A_5, %add3A : vector<10000x64xf32>
    %max3A = arith.constant 0.000000e+00 : f32
    %max3A_10 = vector.broadcast %max3A : f32 to vector<10000x64xf32>
    %max3A_11 = arith.maximumf %add3A_9, %max3A_10 : vector<10000x64xf32>
    %swap3A = arith.constant 0 : index
    %swap3A_12 = arith.constant 0 : index
    %swap3A_13 = vector.load %arg3[%swap3A, %swap3A_12] : memref<10000x64xf32, #tpu.memory_space<vmem>>, vector<10000x64xf32>
    tpu.vector_store %arg3[%swap3A, %swap3A_12], %max3A_11 {strides = array<i32>} : memref<10000x64xf32, #tpu.memory_space<vmem>>, vector<10000x64xf32>,
    return
  }
}

module attributes {stable_mosaic.version = 14 : i64} {
  func.func @_step_body(%arg0: memref<10000x64xf32, #tpu.memory_space<vmem>>, %arg1: memref<50000x64xf32, #tpu.memory_space<vmem>>, %arg2: memref<10000x5xf32, #tpu.memory_space<vmem>>, %arg3: memref<5x64x64xf32, #tpu.memory_space<vmem>>, %arg4: memref<64x64xf32, #tpu.memory_space<vmem>>, %arg5: memref<1x64xf32, #tpu.memory_space<vmem>>, %arg6: memref<10000x64xf32, #tpu.memory_space<vmem>>) attributes {dimension_semantics = [], scalar_prefetch = 0 : i64, scratch_operands = 0 : i64, tpu.core_type = #tpu.core_type<tc>} {
    %get3A = arith.constant 0 : index
    %get3A_0 = arith.constant 0 : index
    %get3A_1 = vector.load %arg0[%get3A, %get3A_0] : memref<10000x64xf32, #tpu.memory_space<vmem>>, vector<10000x64xf32>
    %get3A_2 = arith.constant 0 : index
    %get3A_3 = arith.constant 0 : index
    %get3A_4 = vector.load %arg4[%get3A_2, %get3A_3] : memref<64x64xf32, #tpu.memory_space<vmem>>, vector<64x64xf32>
    %dot_general3A = arith.constant dense<0.000000e+00> : vector<10000x64xf32>
    %dot_general3A_5 = tpu.matmul %get3A_1, %get3A_4, %dot_general3A {dimension_numbers = #tpu.dot_dimension_numbers<[1], [0], [0], [1], [0, 0, 1, 1], [], []>, transpose_lhs_hint = false} : vector<10000x64xf32>, vector<64x64xf32>, vector<10000x64xf32> -> vector<10000x64xf32>
    %get3A_6 = arith.constant 0 : index
    %get3A_7 = arith.constant 0 : index
    %get3A_8 = vector.load %arg5[%get3A_6, %get3A_7] : memref<1x64xf32, #tpu.memory_space<vmem>>, vector<1x64xf32>
    %add3A = vector.broadcast %get3A_8 : vector<1x64xf32> to vector<10000x64xf32>
    %add3A_9 = arith.addf %dot_general3A_5, %add3A : vector<10000x64xf32>
    %get3A_10 = arith.constant 0 : index
    %get3A_11 = arith.constant 0 : index
    %get3A_12 = vector.load %arg2[%get3A_10, %get3A_11] : memref<10000x5xf32, #tpu.memory_space<vmem>>, vector<10000x5xf32>
    %max3A = arith.constant 1.000000e+00 : f32
    %max3A_13 = vector.broadcast %max3A : f32 to vector<10000x5xf32>
    %max3A_14 = arith.maximumf %get3A_12, %max3A_13 : vector<10000x5xf32>
    %div3A = arith.constant 1.000000e+00 : f32
    %div3A_15 = vector.broadcast %div3A : f32 to vector<10000x5xf32>
    %div3A_16 = arith.divf %div3A_15, %max3A_14 : vector<10000x5xf32>
    %get3A_17 = arith.constant 0 : index
    %get3A_18 = arith.constant 0 : index
    %get3A_19 = vector.load %arg1[%get3A_17, %get3A_18] : memref<50000x64xf32, #tpu.memory_space<vmem>>, vector<10000x64xf32>
    %slice3A = vector.extract_strided_slice %div3A_16 {offsets = [0, 0], sizes = [10000, 1], strides = [1, 1]} : vector<10000x5xf32> to vector<10000x1xf32>
    %mul3A = vector.broadcast %slice3A : vector<10000x1xf32> to vector<10000x64xf32>
    %mul3A_20 = arith.mulf %get3A_19, %mul3A : vector<10000x64xf32>
    %get3A_21 = arith.constant 0 : index
    %get3A_22 = arith.constant 0 : index
    %get3A_23 = arith.constant 0 : index
    %get3A_24 = vector.load %arg3[%get3A_21, %get3A_22, %get3A_23] : memref<5x64x64xf32, #tpu.memory_space<vmem>>, vector<1x64x64xf32>
    %get3A_25 = vector.shape_cast %get3A_24 : vector<1x64x64xf32> to vector<64x64xf32>
    %dot_general3A_26 = arith.constant dense<0.000000e+00> : vector<10000x64xf32>
    %dot_general3A_27 = tpu.matmul %mul3A_20, %get3A_25, %dot_general3A_26 {dimension_numbers = #tpu.dot_dimension_numbers<[1], [0], [0], [1], [0, 0, 1, 1], [], []>, transpose_lhs_hint = false} : vector<10000x64xf32>, vector<64x64xf32>, vector<10000x64xf32> -> vector<10000x64xf32>
    %add3A_28 = arith.addf %add3A_9, %dot_general3A_27 : vector<10000x64xf32>
    %get3A_29 = arith.constant 10000 : index
    %get3A_30 = arith.constant 0 : index
    %get3A_31 = vector.load %arg1[%get3A_29, %get3A_30] : memref<50000x64xf32, #tpu.memory_space<vmem>>, vector<10000x64xf32>
    %slice3A_32 = vector.extract_strided_slice %div3A_16 {offsets = [0, 1], sizes = [10000, 1], strides = [1, 1]} : vector<10000x5xf32> to vector<10000x1xf32>
    %mul3A_33 = vector.broadcast %slice3A_32 : vector<10000x1xf32> to vector<10000x64xf32>
    %mul3A_34 = arith.mulf %get3A_31, %mul3A_33 : vector<10000x64xf32>
    %get3A_35 = arith.constant 1 : index
    %get3A_36 = arith.constant 0 : index
    %get3A_37 = arith.constant 0 : index
    %get3A_38 = vector.load %arg3[%get3A_35, %get3A_36, %get3A_37] : memref<5x64x64xf32, #tpu.memory_space<vmem>>, vector<1x64x64xf32>
    %get3A_39 = vector.shape_cast %get3A_38 : vector<1x64x64xf32> to vector<64x64xf32>
    %dot_general3A_40 = arith.constant dense<0.000000e+00> : vector<10000x64xf32>
    %dot_general3A_41 = tpu.matmul %mul3A_34, %get3A_39, %dot_general3A_40 {dimension_numbers = #tpu.dot_dimension_numbers<[1], [0], [0], [1], [0, 0, 1, 1], [], []>, transpose_lhs_hint = false} : vector<10000x64xf32>, vector<64x64xf32>, vector<10000x64xf32> -> vector<10000x64xf32>
    %add3A_42 = arith.addf %add3A_28, %dot_general3A_41 : vector<10000x64xf32>
    %get3A_43 = arith.constant 20000 : index
    %get3A_44 = arith.constant 0 : index
    %get3A_45 = vector.load %arg1[%get3A_43, %get3A_44] : memref<50000x64xf32, #tpu.memory_space<vmem>>, vector<10000x64xf32>
    %slice3A_46 = vector.extract_strided_slice %div3A_16 {offsets = [0, 2], sizes = [10000, 1], strides = [1, 1]} : vector<10000x5xf32> to vector<10000x1xf32>
    %mul3A_47 = vector.broadcast %slice3A_46 : vector<10000x1xf32> to vector<10000x64xf32>
    %mul3A_48 = arith.mulf %get3A_45, %mul3A_47 : vector<10000x64xf32>
    %get3A_49 = arith.constant 2 : index
    %get3A_50 = arith.constant 0 : index
    %get3A_51 = arith.constant 0 : index
    %get3A_52 = vector.load %arg3[%get3A_49, %get3A_50, %get3A_51] : memref<5x64x64xf32, #tpu.memory_space<vmem>>, vector<1x64x64xf32>
    %get3A_53 = vector.shape_cast %get3A_52 : vector<1x64x64xf32> to vector<64x64xf32>
    %dot_general3A_54 = arith.constant dense<0.000000e+00> : vector<10000x64xf32>
    %dot_general3A_55 = tpu.matmul %mul3A_48, %get3A_53, %dot_general3A_54 {dimension_numbers = #tpu.dot_dimension_numbers<[1], [0], [0], [1], [0, 0, 1, 1], [], []>, transpose_lhs_hint = false} : vector<10000x64xf32>, vector<64x64xf32>, vector<10000x64xf32> -> vector<10000x64xf32>
    %add3A_56 = arith.addf %add3A_42, %dot_general3A_55 : vector<10000x64xf32>
    %get3A_57 = arith.constant 30000 : index
    %get3A_58 = arith.constant 0 : index
    %get3A_59 = vector.load %arg1[%get3A_57, %get3A_58] : memref<50000x64xf32, #tpu.memory_space<vmem>>, vector<10000x64xf32>
    %slice3A_60 = vector.extract_strided_slice %div3A_16 {offsets = [0, 3], sizes = [10000, 1], strides = [1, 1]} : vector<10000x5xf32> to vector<10000x1xf32>
    %mul3A_61 = vector.broadcast %slice3A_60 : vector<10000x1xf32> to vector<10000x64xf32>
    %mul3A_62 = arith.mulf %get3A_59, %mul3A_61 : vector<10000x64xf32>
    %get3A_63 = arith.constant 3 : index
    %get3A_64 = arith.constant 0 : index
    %get3A_65 = arith.constant 0 : index
    %get3A_66 = vector.load %arg3[%get3A_63, %get3A_64, %get3A_65] : memref<5x64x64xf32, #tpu.memory_space<vmem>>, vector<1x64x64xf32>
    %get3A_67 = vector.shape_cast %get3A_66 : vector<1x64x64xf32> to vector<64x64xf32>
    %dot_general3A_68 = arith.constant dense<0.000000e+00> : vector<10000x64xf32>
    %dot_general3A_69 = tpu.matmul %mul3A_62, %get3A_67, %dot_general3A_68 {dimension_numbers = #tpu.dot_dimension_numbers<[1], [0], [0], [1], [0, 0, 1, 1], [], []>, transpose_lhs_hint = false} : vector<10000x64xf32>, vector<64x64xf32>, vector<10000x64xf32> -> vector<10000x64xf32>
    %add3A_70 = arith.addf %add3A_56, %dot_general3A_69 : vector<10000x64xf32>
    %get3A_71 = arith.constant 40000 : index
    %get3A_72 = arith.constant 0 : index
    %get3A_73 = vector.load %arg1[%get3A_71, %get3A_72] : memref<50000x64xf32, #tpu.memory_space<vmem>>, vector<10000x64xf32>
    %slice3A_74 = vector.extract_strided_slice %div3A_16 {offsets = [0, 4], sizes = [10000, 1], strides = [1, 1]} : vector<10000x5xf32> to vector<10000x1xf32>
    %mul3A_75 = vector.broadcast %slice3A_74 : vector<10000x1xf32> to vector<10000x64xf32>
    %mul3A_76 = arith.mulf %get3A_73, %mul3A_75 : vector<10000x64xf32>
    %get3A_77 = arith.constant 4 : index
    %get3A_78 = arith.constant 0 : index
    %get3A_79 = arith.constant 0 : index
    %get3A_80 = vector.load %arg3[%get3A_77, %get3A_78, %get3A_79] : memref<5x64x64xf32, #tpu.memory_space<vmem>>, vector<1x64x64xf32>
    %get3A_81 = vector.shape_cast %get3A_80 : vector<1x64x64xf32> to vector<64x64xf32>
    %dot_general3A_82 = arith.constant dense<0.000000e+00> : vector<10000x64xf32>
    %dot_general3A_83 = tpu.matmul %mul3A_76, %get3A_81, %dot_general3A_82 {dimension_numbers = #tpu.dot_dimension_numbers<[1], [0], [0], [1], [0, 0, 1, 1], [], []>, transpose_lhs_hint = false} : vector<10000x64xf32>, vector<64x64xf32>, vector<10000x64xf32> -> vector<10000x64xf32>
    %add3A_84 = arith.addf %add3A_70, %dot_general3A_83 : vector<10000x64xf32>
    %max3A_85 = arith.constant 0.000000e+00 : f32
    %max3A_86 = vector.broadcast %max3A_85 : f32 to vector<10000x64xf32>
    %max3A_87 = arith.maximumf %add3A_84, %max3A_86 : vector<10000x64xf32>
    %swap3A = arith.constant 0 : index
    %swap3A_88 = arith.constant 0 : index
    %swap3A_89 = vector.load %arg6[%swap3A, %swap3A_88] : memref<10000x64xf32, #tpu.memory_space<vmem>>, vector<10000x64xf32>
    tpu.vector_store %arg6[%swap3A, %swap3A_88], %max3A_87 {strides = array<i32>} : memref<10000x64xf32, #tpu.memory_space<vmem>>, vector<10000x64xf32>,
    return
  }
}

module attributes {stable_mosaic.version = 14 : i64} {
  func.func @_s2s_body(%arg0: memref<10000x64xf32, #tpu.memory_space<vmem>>, %arg1: memref<10000x1xi32, #tpu.memory_space<vmem>>, %arg2: memref<256x128xf32, #tpu.memory_space<vmem>>, %arg3: memref<256x64xf32, #tpu.memory_space<vmem>>, %arg4: memref<1x256xf32, #tpu.memory_space<vmem>>, %arg5: memref<1x256xf32, #tpu.memory_space<vmem>>, %arg6: memref<64x128xf32, #tpu.memory_space<vmem>>, %arg7: memref<1x64xf32, #tpu.memory_space<vmem>>, %arg8: memref<12x64xf32, #tpu.memory_space<vmem>>, %arg9: memref<1x12xf32, #tpu.memory_space<vmem>>, %arg10: memref<64x12xf32, #tpu.memory_space<vmem>>) attributes {dimension_semantics = [], scalar_prefetch = 0 : i64, scratch_operands = 0 : i64, tpu.core_type = #tpu.core_type<tc>} {
    %get3A = arith.constant 0 : index
    %get3A_0 = arith.constant 0 : index
    %get3A_1 = vector.load %arg0[%get3A, %get3A_0] : memref<10000x64xf32, #tpu.memory_space<vmem>>, vector<10000x64xf32>
    %get3A_2 = arith.constant 0 : index
    %get3A_3 = arith.constant 0 : index
    %get3A_4 = vector.load %arg1[%get3A_2, %get3A_3] : memref<10000x1xi32, #tpu.memory_space<vmem>>, vector<10000x1xi32>
    %iota3A = tpu.iota {dimensions = array<i32: 1>} : vector<10000x64xi32>
    %eq3A = vector.broadcast %get3A_4 : vector<10000x1xi32> to vector<10000x64xi32>
    %eq3A_5 = arith.cmpi eq, %eq3A, %iota3A : vector<10000x64xi32>
    %convert_element_type3A = arith.extui %eq3A_5 : vector<10000x64xi1> to vector<10000x64xi32>
    %convert_element_type3A_6 = arith.sitofp %convert_element_type3A : vector<10000x64xi32> to vector<10000x64xf32>
    %broadcast_in_dim3A = arith.constant 0.000000e+00 : f32
    %broadcast_in_dim3A_7 = vector.broadcast %broadcast_in_dim3A : f32 to vector<64x128xf32>
    %broadcast_in_dim3A_8 = arith.constant 0.000000e+00 : f32
    %broadcast_in_dim3A_9 = vector.broadcast %broadcast_in_dim3A_8 : f32 to vector<64x64xf32>
    %broadcast_in_dim3A_10 = arith.constant 0.000000e+00 : f32
    %broadcast_in_dim3A_11 = vector.broadcast %broadcast_in_dim3A_10 : f32 to vector<64x64xf32>
    %get3A_12 = arith.constant 0 : index
    %get3A_13 = arith.constant 0 : index
    %get3A_14 = vector.load %arg2[%get3A_12, %get3A_13] : memref<256x128xf32, #tpu.memory_space<vmem>>, vector<256x128xf32>
    %dot_general3A = arith.constant dense<0.000000e+00> : vector<64x256xf32>
    %dot_general3A_15 = tpu.matmul %broadcast_in_dim3A_7, %get3A_14, %dot_general3A {dimension_numbers = #tpu.dot_dimension_numbers<[1], [1], [0], [0], [0, 0, 1, 0], [], []>, transpose_lhs_hint = false} : vector<64x128xf32>, vector<256x128xf32>, vector<64x256xf32> -> vector<64x256xf32>
    %get3A_16 = arith.constant 0 : index
    %get3A_17 = arith.constant 0 : index
    %get3A_18 = vector.load %arg4[%get3A_16, %get3A_17] : memref<1x256xf32, #tpu.memory_space<vmem>>, vector<1x256xf32>
    %add3A = vector.broadcast %get3A_18 : vector<1x256xf32> to vector<64x256xf32>
    %add3A_19 = arith.addf %dot_general3A_15, %add3A : vector<64x256xf32>
    %get3A_20 = arith.constant 0 : index
    %get3A_21 = arith.constant 0 : index
    %get3A_22 = vector.load %arg3[%get3A_20, %get3A_21] : memref<256x64xf32, #tpu.memory_space<vmem>>, vector<256x64xf32>
    %dot_general3A_23 = arith.constant dense<0.000000e+00> : vector<64x256xf32>
    %dot_general3A_24 = tpu.matmul %broadcast_in_dim3A_9, %get3A_22, %dot_general3A_23 {dimension_numbers = #tpu.dot_dimension_numbers<[1], [1], [0], [0], [0, 0, 1, 0], [], []>, transpose_lhs_hint = false} : vector<64x64xf32>, vector<256x64xf32>, vector<64x256xf32> -> vector<64x256xf32>
    %add3A_25 = arith.addf %add3A_19, %dot_general3A_24 : vector<64x256xf32>
    %get3A_26 = arith.constant 0 : index
    %get3A_27 = arith.constant 0 : index
    %get3A_28 = vector.load %arg5[%get3A_26, %get3A_27] : memref<1x256xf32, #tpu.memory_space<vmem>>, vector<1x256xf32>
    %add3A_29 = vector.broadcast %get3A_28 : vector<1x256xf32> to vector<64x256xf32>
    %add3A_30 = arith.addf %add3A_25, %add3A_29 : vector<64x256xf32>
    %slice3A = vector.extract_strided_slice %add3A_30 {offsets = [0, 0], sizes = [64, 64], strides = [1, 1]} : vector<64x256xf32> to vector<64x64xf32>
    %logistic3A = arith.negf %slice3A : vector<64x64xf32>
    %logistic3A_31 = math.exp %logistic3A : vector<64x64xf32>
    %logistic3A_32 = arith.constant 1.000000e+00 : f32
    %logistic3A_33 = vector.broadcast %logistic3A_32 : f32 to vector<64x64xf32>
    %logistic3A_34 = arith.addf %logistic3A_33, %logistic3A_31 : vector<64x64xf32>
    %logistic3A_35 = arith.divf %logistic3A_33, %logistic3A_34 : vector<64x64xf32>
    %slice3A_36 = vector.extract_strided_slice %add3A_30 {offsets = [0, 64], sizes = [64, 64], strides = [1, 1]} : vector<64x256xf32> to vector<64x64xf32>
    %logistic3A_37 = arith.negf %slice3A_36 : vector<64x64xf32>
    %logistic3A_38 = math.exp %logistic3A_37 : vector<64x64xf32>
    %logistic3A_39 = arith.constant 1.000000e+00 : f32
    %logistic3A_40 = vector.broadcast %logistic3A_39 : f32 to vector<64x64xf32>
    %logistic3A_41 = arith.addf %logistic3A_40, %logistic3A_38 : vector<64x64xf32>
    %logistic3A_42 = arith.divf %logistic3A_40, %logistic3A_41 : vector<64x64xf32>
    %slice3A_43 = vector.extract_strided_slice %add3A_30 {offsets = [0, 128], sizes = [64, 64], strides = [1, 1]} : vector<64x256xf32> to vector<64x64xf32>
    %tanh3A = math.tanh %slice3A_43 : vector<64x64xf32>
    %slice3A_44 = vector.extract_strided_slice %add3A_30 {offsets = [0, 192], sizes = [64, 64], strides = [1, 1]} : vector<64x256xf32> to vector<64x64xf32>
    %logistic3A_45 = arith.negf %slice3A_44 : vector<64x64xf32>
    %logistic3A_46 = math.exp %logistic3A_45 : vector<64x64xf32>
    %logistic3A_47 = arith.constant 1.000000e+00 : f32
    %logistic3A_48 = vector.broadcast %logistic3A_47 : f32 to vector<64x64xf32>
    %logistic3A_49 = arith.addf %logistic3A_48, %logistic3A_46 : vector<64x64xf32>
    %logistic3A_50 = arith.divf %logistic3A_48, %logistic3A_49 : vector<64x64xf32>
    %mul3A = arith.mulf %logistic3A_42, %broadcast_in_dim3A_11 : vector<64x64xf32>
    %mul3A_51 = arith.mulf %logistic3A_35, %tanh3A : vector<64x64xf32>
    %add3A_52 = arith.addf %mul3A, %mul3A_51 : vector<64x64xf32>
    %tanh3A_53 = math.tanh %add3A_52 : vector<64x64xf32>
    %mul3A_54 = arith.mulf %logistic3A_50, %tanh3A_53 : vector<64x64xf32>
    %dot_general3A_55 = arith.constant dense<0.000000e+00> : vector<10000x64xf32>
    %dot_general3A_56 = tpu.matmul %convert_element_type3A_6, %mul3A_54, %dot_general3A_55 {dimension_numbers = #tpu.dot_dimension_numbers<[1], [0], [0], [1], [0, 0, 1, 1], [], []>, transpose_lhs_hint = false} : vector<10000x64xf32>, vector<64x64xf32>, vector<10000x64xf32> -> vector<10000x64xf32>
    %mul3A_57 = arith.mulf %get3A_1, %dot_general3A_56 : vector<10000x64xf32>
    %reduce_sum3A = arith.constant dense<0.000000e+00> : vector<10000xf32>
    %reduce_sum3A_58 = vector.multi_reduction <add>, %mul3A_57, %reduce_sum3A [1] : vector<10000x64xf32> to vector<10000xf32>
    %broadcast_in_dim3A_59 = vector.shape_cast %reduce_sum3A_58 : vector<10000xf32> to vector<10000x1xf32>
    %mul3A_60 = vector.broadcast %broadcast_in_dim3A_59 : vector<10000x1xf32> to vector<10000x64xf32>
    %mul3A_61 = arith.mulf %convert_element_type3A_6, %mul3A_60 : vector<10000x64xf32>
    %sub3A = arith.constant 1.000000e+00 : f32
    %sub3A_62 = vector.broadcast %sub3A : f32 to vector<10000x64xf32>
    %sub3A_63 = arith.subf %convert_element_type3A_6, %sub3A_62 : vector<10000x64xf32>
    %mul3A_64 = arith.constant 1.000000e+30 : f32
    %mul3A_65 = vector.broadcast %mul3A_64 : f32 to vector<10000x64xf32>
    %mul3A_66 = arith.mulf %sub3A_63, %mul3A_65 : vector<10000x64xf32>
    %add3A_67 = arith.addf %mul3A_61, %mul3A_66 : vector<10000x64xf32>
    %reduce_max3A = arith.constant dense<0xFF800000> : vector<64xf32>
    %reduce_max3A_68 = vector.multi_reduction <maximumf>, %add3A_67, %reduce_max3A [0] : vector<10000x64xf32> to vector<64xf32>
    %broadcast_in_dim3A_69 = vector.shape_cast %reduce_max3A_68 : vector<64xf32> to vector<1x64xf32>
    %dot_general3A_70 = arith.constant dense<0.000000e+00> : vector<10000x1xf32>
    %dot_general3A_71 = tpu.matmul %convert_element_type3A_6, %broadcast_in_dim3A_69, %dot_general3A_70 {dimension_numbers = #tpu.dot_dimension_numbers<[1], [1], [0], [0], [0, 0, 1, 0], [], []>, transpose_lhs_hint = false} : vector<10000x64xf32>, vector<1x64xf32>, vector<10000x1xf32> -> vector<10000x1xf32>
    %sub3A_72 = arith.subf %broadcast_in_dim3A_59, %dot_general3A_71 : vector<10000x1xf32>
    %exp3A = math.exp %sub3A_72 : vector<10000x1xf32>
    %dot_general3A_73 = arith.constant dense<0.000000e+00> : vector<64x1xf32>
    %dot_general3A_74 = tpu.matmul %convert_element_type3A_6, %exp3A, %dot_general3A_73 {dimension_numbers = #tpu.dot_dimension_numbers<[0], [0], [1], [1], [0, 1, 1, 1], [], []>, transpose_lhs_hint = false} : vector<10000x64xf32>, vector<10000x1xf32>, vector<64x1xf32> -> vector<64x1xf32>
    %dot_general3A_75 = arith.constant dense<0.000000e+00> : vector<10000x1xf32>
    %dot_general3A_76 = tpu.matmul %convert_element_type3A_6, %dot_general3A_74, %dot_general3A_75 {dimension_numbers = #tpu.dot_dimension_numbers<[1], [0], [0], [1], [0, 0, 1, 1], [], []>, transpose_lhs_hint = false} : vector<10000x64xf32>, vector<64x1xf32>, vector<10000x1xf32> -> vector<10000x1xf32>
    %div3A = arith.divf %exp3A, %dot_general3A_76 : vector<10000x1xf32>
    %mul3A_77 = vector.broadcast %div3A : vector<10000x1xf32> to vector<10000x64xf32>
    %mul3A_78 = arith.mulf %mul3A_77, %get3A_1 : vector<10000x64xf32>
    %dot_general3A_79 = arith.constant dense<0.000000e+00> : vector<64x64xf32>
    %dot_general3A_80 = tpu.matmul %convert_element_type3A_6, %mul3A_78, %dot_general3A_79 {dimension_numbers = #tpu.dot_dimension_numbers<[0], [0], [1], [1], [0, 1, 1, 1], [], []>, transpose_lhs_hint = false} : vector<10000x64xf32>, vector<10000x64xf32>, vector<64x64xf32> -> vector<64x64xf32>
    %concatenate3A = tpu.concatenate %mul3A_54, %dot_general3A_80 in 1 : vector<64x64xf32>, vector<64x64xf32> -> vector<64x128xf32>
    %get3A_81 = arith.constant 0 : index
    %get3A_82 = arith.constant 0 : index
    %get3A_83 = vector.load %arg2[%get3A_81, %get3A_82] : memref<256x128xf32, #tpu.memory_space<vmem>>, vector<256x128xf32>
    %dot_general3A_84 = arith.constant dense<0.000000e+00> : vector<64x256xf32>
    %dot_general3A_85 = tpu.matmul %concatenate3A, %get3A_83, %dot_general3A_84 {dimension_numbers = #tpu.dot_dimension_numbers<[1], [1], [0], [0], [0, 0, 1, 0], [], []>, transpose_lhs_hint = false} : vector<64x128xf32>, vector<256x128xf32>, vector<64x256xf32> -> vector<64x256xf32>
    %get3A_86 = arith.constant 0 : index
    %get3A_87 = arith.constant 0 : index
    %get3A_88 = vector.load %arg4[%get3A_86, %get3A_87] : memref<1x256xf32, #tpu.memory_space<vmem>>, vector<1x256xf32>
    %add3A_89 = vector.broadcast %get3A_88 : vector<1x256xf32> to vector<64x256xf32>
    %add3A_90 = arith.addf %dot_general3A_85, %add3A_89 : vector<64x256xf32>
    %get3A_91 = arith.constant 0 : index
    %get3A_92 = arith.constant 0 : index
    %get3A_93 = vector.load %arg3[%get3A_91, %get3A_92] : memref<256x64xf32, #tpu.memory_space<vmem>>, vector<256x64xf32>
    %dot_general3A_94 = arith.constant dense<0.000000e+00> : vector<64x256xf32>
    %dot_general3A_95 = tpu.matmul %mul3A_54, %get3A_93, %dot_general3A_94 {dimension_numbers = #tpu.dot_dimension_numbers<[1], [1], [0], [0], [0, 0, 1, 0], [], []>, transpose_lhs_hint = false} : vector<64x64xf32>, vector<256x64xf32>, vector<64x256xf32> -> vector<64x256xf32>
    %add3A_96 = arith.addf %add3A_90, %dot_general3A_95 : vector<64x256xf32>
    %get3A_97 = arith.constant 0 : index
    %get3A_98 = arith.constant 0 : index
    %get3A_99 = vector.load %arg5[%get3A_97, %get3A_98] : memref<1x256xf32, #tpu.memory_space<vmem>>, vector<1x256xf32>
    %add3A_100 = vector.broadcast %get3A_99 : vector<1x256xf32> to vector<64x256xf32>
    %add3A_101 = arith.addf %add3A_96, %add3A_100 : vector<64x256xf32>
    %slice3A_102 = vector.extract_strided_slice %add3A_101 {offsets = [0, 0], sizes = [64, 64], strides = [1, 1]} : vector<64x256xf32> to vector<64x64xf32>
    %logistic3A_103 = arith.negf %slice3A_102 : vector<64x64xf32>
    %logistic3A_104 = math.exp %logistic3A_103 : vector<64x64xf32>
    %logistic3A_105 = arith.constant 1.000000e+00 : f32
    %logistic3A_106 = vector.broadcast %logistic3A_105 : f32 to vector<64x64xf32>
    %logistic3A_107 = arith.addf %logistic3A_106, %logistic3A_104 : vector<64x64xf32>
    %logistic3A_108 = arith.divf %logistic3A_106, %logistic3A_107 : vector<64x64xf32>
    %slice3A_109 = vector.extract_strided_slice %add3A_101 {offsets = [0, 64], sizes = [64, 64], strides = [1, 1]} : vector<64x256xf32> to vector<64x64xf32>
    %logistic3A_110 = arith.negf %slice3A_109 : vector<64x64xf32>
    %logistic3A_111 = math.exp %logistic3A_110 : vector<64x64xf32>
    %logistic3A_112 = arith.constant 1.000000e+00 : f32
    %logistic3A_113 = vector.broadcast %logistic3A_112 : f32 to vector<64x64xf32>
    %logistic3A_114 = arith.addf %logistic3A_113, %logistic3A_111 : vector<64x64xf32>
    %logistic3A_115 = arith.divf %logistic3A_113, %logistic3A_114 : vector<64x64xf32>
    %slice3A_116 = vector.extract_strided_slice %add3A_101 {offsets = [0, 128], sizes = [64, 64], strides = [1, 1]} : vector<64x256xf32> to vector<64x64xf32>
    %tanh3A_117 = math.tanh %slice3A_116 : vector<64x64xf32>
    %slice3A_118 = vector.extract_strided_slice %add3A_101 {offsets = [0, 192], sizes = [64, 64], strides = [1, 1]} : vector<64x256xf32> to vector<64x64xf32>
    %logistic3A_119 = arith.negf %slice3A_118 : vector<64x64xf32>
    %logistic3A_120 = math.exp %logistic3A_119 : vector<64x64xf32>
    %logistic3A_121 = arith.constant 1.000000e+00 : f32
    %logistic3A_122 = vector.broadcast %logistic3A_121 : f32 to vector<64x64xf32>
    %logistic3A_123 = arith.addf %logistic3A_122, %logistic3A_120 : vector<64x64xf32>
    %logistic3A_124 = arith.divf %logistic3A_122, %logistic3A_123 : vector<64x64xf32>
    %mul3A_125 = arith.mulf %logistic3A_115, %add3A_52 : vector<64x64xf32>
    %mul3A_126 = arith.mulf %logistic3A_108, %tanh3A_117 : vector<64x64xf32>
    %add3A_127 = arith.addf %mul3A_125, %mul3A_126 : vector<64x64xf32>
    %tanh3A_128 = math.tanh %add3A_127 : vector<64x64xf32>
    %mul3A_129 = arith.mulf %logistic3A_124, %tanh3A_128 : vector<64x64xf32>
    %dot_general3A_130 = arith.constant dense<0.000000e+00> : vector<10000x64xf32>
    %dot_general3A_131 = tpu.matmul %convert_element_type3A_6, %mul3A_129, %dot_general3A_130 {dimension_numbers = #tpu.dot_dimension_numbers<[1], [0], [0], [1], [0, 0, 1, 1], [], []>, transpose_lhs_hint = false} : vector<10000x64xf32>, vector<64x64xf32>, vector<10000x64xf32> -> vector<10000x64xf32>
    %mul3A_132 = arith.mulf %get3A_1, %dot_general3A_131 : vector<10000x64xf32>
    %reduce_sum3A_133 = arith.constant dense<0.000000e+00> : vector<10000xf32>
    %reduce_sum3A_134 = vector.multi_reduction <add>, %mul3A_132, %reduce_sum3A_133 [1] : vector<10000x64xf32> to vector<10000xf32>
    %broadcast_in_dim3A_135 = vector.shape_cast %reduce_sum3A_134 : vector<10000xf32> to vector<10000x1xf32>
    %mul3A_136 = vector.broadcast %broadcast_in_dim3A_135 : vector<10000x1xf32> to vector<10000x64xf32>
    %mul3A_137 = arith.mulf %convert_element_type3A_6, %mul3A_136 : vector<10000x64xf32>
    %sub3A_138 = arith.constant 1.000000e+00 : f32
    %sub3A_139 = vector.broadcast %sub3A_138 : f32 to vector<10000x64xf32>
    %sub3A_140 = arith.subf %convert_element_type3A_6, %sub3A_139 : vector<10000x64xf32>
    %mul3A_141 = arith.constant 1.000000e+30 : f32
    %mul3A_142 = vector.broadcast %mul3A_141 : f32 to vector<10000x64xf32>
    %mul3A_143 = arith.mulf %sub3A_140, %mul3A_142 : vector<10000x64xf32>
    %add3A_144 = arith.addf %mul3A_137, %mul3A_143 : vector<10000x64xf32>
    %reduce_max3A_145 = arith.constant dense<0xFF800000> : vector<64xf32>
    %reduce_max3A_146 = vector.multi_reduction <maximumf>, %add3A_144, %reduce_max3A_145 [0] : vector<10000x64xf32> to vector<64xf32>
    %broadcast_in_dim3A_147 = vector.shape_cast %reduce_max3A_146 : vector<64xf32> to vector<1x64xf32>
    %dot_general3A_148 = arith.constant dense<0.000000e+00> : vector<10000x1xf32>
    %dot_general3A_149 = tpu.matmul %convert_element_type3A_6, %broadcast_in_dim3A_147, %dot_general3A_148 {dimension_numbers = #tpu.dot_dimension_numbers<[1], [1], [0], [0], [0, 0, 1, 0], [], []>, transpose_lhs_hint = false} : vector<10000x64xf32>, vector<1x64xf32>, vector<10000x1xf32> -> vector<10000x1xf32>
    %sub3A_150 = arith.subf %broadcast_in_dim3A_135, %dot_general3A_149 : vector<10000x1xf32>
    %exp3A_151 = math.exp %sub3A_150 : vector<10000x1xf32>
    %dot_general3A_152 = arith.constant dense<0.000000e+00> : vector<64x1xf32>
    %dot_general3A_153 = tpu.matmul %convert_element_type3A_6, %exp3A_151, %dot_general3A_152 {dimension_numbers = #tpu.dot_dimension_numbers<[0], [0], [1], [1], [0, 1, 1, 1], [], []>, transpose_lhs_hint = false} : vector<10000x64xf32>, vector<10000x1xf32>, vector<64x1xf32> -> vector<64x1xf32>
    %dot_general3A_154 = arith.constant dense<0.000000e+00> : vector<10000x1xf32>
    %dot_general3A_155 = tpu.matmul %convert_element_type3A_6, %dot_general3A_153, %dot_general3A_154 {dimension_numbers = #tpu.dot_dimension_numbers<[1], [0], [0], [1], [0, 0, 1, 1], [], []>, transpose_lhs_hint = false} : vector<10000x64xf32>, vector<64x1xf32>, vector<10000x1xf32> -> vector<10000x1xf32>
    %div3A_156 = arith.divf %exp3A_151, %dot_general3A_155 : vector<10000x1xf32>
    %mul3A_157 = vector.broadcast %div3A_156 : vector<10000x1xf32> to vector<10000x64xf32>
    %mul3A_158 = arith.mulf %mul3A_157, %get3A_1 : vector<10000x64xf32>
    %dot_general3A_159 = arith.constant dense<0.000000e+00> : vector<64x64xf32>
    %dot_general3A_160 = tpu.matmul %convert_element_type3A_6, %mul3A_158, %dot_general3A_159 {dimension_numbers = #tpu.dot_dimension_numbers<[0], [0], [1], [1], [0, 1, 1, 1], [], []>, transpose_lhs_hint = false} : vector<10000x64xf32>, vector<10000x64xf32>, vector<64x64xf32> -> vector<64x64xf32>
    %concatenate3A_161 = tpu.concatenate %mul3A_129, %dot_general3A_160 in 1 : vector<64x64xf32>, vector<64x64xf32> -> vector<64x128xf32>
    %get3A_162 = arith.constant 0 : index
    %get3A_163 = arith.constant 0 : index
    %get3A_164 = vector.load %arg2[%get3A_162, %get3A_163] : memref<256x128xf32, #tpu.memory_space<vmem>>, vector<256x128xf32>
    %dot_general3A_165 = arith.constant dense<0.000000e+00> : vector<64x256xf32>
    %dot_general3A_166 = tpu.matmul %concatenate3A_161, %get3A_164, %dot_general3A_165 {dimension_numbers = #tpu.dot_dimension_numbers<[1], [1], [0], [0], [0, 0, 1, 0], [], []>, transpose_lhs_hint = false} : vector<64x128xf32>, vector<256x128xf32>, vector<64x256xf32> -> vector<64x256xf32>
    %get3A_167 = arith.constant 0 : index
    %get3A_168 = arith.constant 0 : index
    %get3A_169 = vector.load %arg4[%get3A_167, %get3A_168] : memref<1x256xf32, #tpu.memory_space<vmem>>, vector<1x256xf32>
    %add3A_170 = vector.broadcast %get3A_169 : vector<1x256xf32> to vector<64x256xf32>
    %add3A_171 = arith.addf %dot_general3A_166, %add3A_170 : vector<64x256xf32>
    %get3A_172 = arith.constant 0 : index
    %get3A_173 = arith.constant 0 : index
    %get3A_174 = vector.load %arg3[%get3A_172, %get3A_173] : memref<256x64xf32, #tpu.memory_space<vmem>>, vector<256x64xf32>
    %dot_general3A_175 = arith.constant dense<0.000000e+00> : vector<64x256xf32>
    %dot_general3A_176 = tpu.matmul %mul3A_129, %get3A_174, %dot_general3A_175 {dimension_numbers = #tpu.dot_dimension_numbers<[1], [1], [0], [0], [0, 0, 1, 0], [], []>, transpose_lhs_hint = false} : vector<64x64xf32>, vector<256x64xf32>, vector<64x256xf32> -> vector<64x256xf32>
    %add3A_177 = arith.addf %add3A_171, %dot_general3A_176 : vector<64x256xf32>
    %get3A_178 = arith.constant 0 : index
    %get3A_179 = arith.constant 0 : index
    %get3A_180 = vector.load %arg5[%get3A_178, %get3A_179] : memref<1x256xf32, #tpu.memory_space<vmem>>, vector<1x256xf32>
    %add3A_181 = vector.broadcast %get3A_180 : vector<1x256xf32> to vector<64x256xf32>
    %add3A_182 = arith.addf %add3A_177, %add3A_181 : vector<64x256xf32>
    %slice3A_183 = vector.extract_strided_slice %add3A_182 {offsets = [0, 0], sizes = [64, 64], strides = [1, 1]} : vector<64x256xf32> to vector<64x64xf32>
    %logistic3A_184 = arith.negf %slice3A_183 : vector<64x64xf32>
    %logistic3A_185 = math.exp %logistic3A_184 : vector<64x64xf32>
    %logistic3A_186 = arith.constant 1.000000e+00 : f32
    %logistic3A_187 = vector.broadcast %logistic3A_186 : f32 to vector<64x64xf32>
    %logistic3A_188 = arith.addf %logistic3A_187, %logistic3A_185 : vector<64x64xf32>
    %logistic3A_189 = arith.divf %logistic3A_187, %logistic3A_188 : vector<64x64xf32>
    %slice3A_190 = vector.extract_strided_slice %add3A_182 {offsets = [0, 64], sizes = [64, 64], strides = [1, 1]} : vector<64x256xf32> to vector<64x64xf32>
    %logistic3A_191 = arith.negf %slice3A_190 : vector<64x64xf32>
    %logistic3A_192 = math.exp %logistic3A_191 : vector<64x64xf32>
    %logistic3A_193 = arith.constant 1.000000e+00 : f32
    %logistic3A_194 = vector.broadcast %logistic3A_193 : f32 to vector<64x64xf32>
    %logistic3A_195 = arith.addf %logistic3A_194, %logistic3A_192 : vector<64x64xf32>
    %logistic3A_196 = arith.divf %logistic3A_194, %logistic3A_195 : vector<64x64xf32>
    %slice3A_197 = vector.extract_strided_slice %add3A_182 {offsets = [0, 128], sizes = [64, 64], strides = [1, 1]} : vector<64x256xf32> to vector<64x64xf32>
    %tanh3A_198 = math.tanh %slice3A_197 : vector<64x64xf32>
    %slice3A_199 = vector.extract_strided_slice %add3A_182 {offsets = [0, 192], sizes = [64, 64], strides = [1, 1]} : vector<64x256xf32> to vector<64x64xf32>
    %logistic3A_200 = arith.negf %slice3A_199 : vector<64x64xf32>
    %logistic3A_201 = math.exp %logistic3A_200 : vector<64x64xf32>
    %logistic3A_202 = arith.constant 1.000000e+00 : f32
    %logistic3A_203 = vector.broadcast %logistic3A_202 : f32 to vector<64x64xf32>
    %logistic3A_204 = arith.addf %logistic3A_203, %logistic3A_201 : vector<64x64xf32>
    %logistic3A_205 = arith.divf %logistic3A_203, %logistic3A_204 : vector<64x64xf32>
    %mul3A_206 = arith.mulf %logistic3A_196, %add3A_127 : vector<64x64xf32>
    %mul3A_207 = arith.mulf %logistic3A_189, %tanh3A_198 : vector<64x64xf32>
    %add3A_208 = arith.addf %mul3A_206, %mul3A_207 : vector<64x64xf32>
    %tanh3A_209 = math.tanh %add3A_208 : vector<64x64xf32>
    %mul3A_210 = arith.mulf %logistic3A_205, %tanh3A_209 : vector<64x64xf32>
    %dot_general3A_211 = arith.constant dense<0.000000e+00> : vector<10000x64xf32>
    %dot_general3A_212 = tpu.matmul %convert_element_type3A_6, %mul3A_210, %dot_general3A_211 {dimension_numbers = #tpu.dot_dimension_numbers<[1], [0], [0], [1], [0, 0, 1, 1], [], []>, transpose_lhs_hint = false} : vector<10000x64xf32>, vector<64x64xf32>, vector<10000x64xf32> -> vector<10000x64xf32>
    %mul3A_213 = arith.mulf %get3A_1, %dot_general3A_212 : vector<10000x64xf32>
    %reduce_sum3A_214 = arith.constant dense<0.000000e+00> : vector<10000xf32>
    %reduce_sum3A_215 = vector.multi_reduction <add>, %mul3A_213, %reduce_sum3A_214 [1] : vector<10000x64xf32> to vector<10000xf32>
    %broadcast_in_dim3A_216 = vector.shape_cast %reduce_sum3A_215 : vector<10000xf32> to vector<10000x1xf32>
    %mul3A_217 = vector.broadcast %broadcast_in_dim3A_216 : vector<10000x1xf32> to vector<10000x64xf32>
    %mul3A_218 = arith.mulf %convert_element_type3A_6, %mul3A_217 : vector<10000x64xf32>
    %sub3A_219 = arith.constant 1.000000e+00 : f32
    %sub3A_220 = vector.broadcast %sub3A_219 : f32 to vector<10000x64xf32>
    %sub3A_221 = arith.subf %convert_element_type3A_6, %sub3A_220 : vector<10000x64xf32>
    %mul3A_222 = arith.constant 1.000000e+30 : f32
    %mul3A_223 = vector.broadcast %mul3A_222 : f32 to vector<10000x64xf32>
    %mul3A_224 = arith.mulf %sub3A_221, %mul3A_223 : vector<10000x64xf32>
    %add3A_225 = arith.addf %mul3A_218, %mul3A_224 : vector<10000x64xf32>
    %reduce_max3A_226 = arith.constant dense<0xFF800000> : vector<64xf32>
    %reduce_max3A_227 = vector.multi_reduction <maximumf>, %add3A_225, %reduce_max3A_226 [0] : vector<10000x64xf32> to vector<64xf32>
    %broadcast_in_dim3A_228 = vector.shape_cast %reduce_max3A_227 : vector<64xf32> to vector<1x64xf32>
    %dot_general3A_229 = arith.constant dense<0.000000e+00> : vector<10000x1xf32>
    %dot_general3A_230 = tpu.matmul %convert_element_type3A_6, %broadcast_in_dim3A_228, %dot_general3A_229 {dimension_numbers = #tpu.dot_dimension_numbers<[1], [1], [0], [0], [0, 0, 1, 0], [], []>, transpose_lhs_hint = false} : vector<10000x64xf32>, vector<1x64xf32>, vector<10000x1xf32> -> vector<10000x1xf32>
    %sub3A_231 = arith.subf %broadcast_in_dim3A_216, %dot_general3A_230 : vector<10000x1xf32>
    %exp3A_232 = math.exp %sub3A_231 : vector<10000x1xf32>
    %dot_general3A_233 = arith.constant dense<0.000000e+00> : vector<64x1xf32>
    %dot_general3A_234 = tpu.matmul %convert_element_type3A_6, %exp3A_232, %dot_general3A_233 {dimension_numbers = #tpu.dot_dimension_numbers<[0], [0], [1], [1], [0, 1, 1, 1], [], []>, transpose_lhs_hint = false} : vector<10000x64xf32>, vector<10000x1xf32>, vector<64x1xf32> -> vector<64x1xf32>
    %dot_general3A_235 = arith.constant dense<0.000000e+00> : vector<10000x1xf32>
    %dot_general3A_236 = tpu.matmul %convert_element_type3A_6, %dot_general3A_234, %dot_general3A_235 {dimension_numbers = #tpu.dot_dimension_numbers<[1], [0], [0], [1], [0, 0, 1, 1], [], []>, transpose_lhs_hint = false} : vector<10000x64xf32>, vector<64x1xf32>, vector<10000x1xf32> -> vector<10000x1xf32>
    %div3A_237 = arith.divf %exp3A_232, %dot_general3A_236 : vector<10000x1xf32>
    %mul3A_238 = vector.broadcast %div3A_237 : vector<10000x1xf32> to vector<10000x64xf32>
    %mul3A_239 = arith.mulf %mul3A_238, %get3A_1 : vector<10000x64xf32>
    %dot_general3A_240 = arith.constant dense<0.000000e+00> : vector<64x64xf32>
    %dot_general3A_241 = tpu.matmul %convert_element_type3A_6, %mul3A_239, %dot_general3A_240 {dimension_numbers = #tpu.dot_dimension_numbers<[0], [0], [1], [1], [0, 1, 1, 1], [], []>, transpose_lhs_hint = false} : vector<10000x64xf32>, vector<10000x64xf32>, vector<64x64xf32> -> vector<64x64xf32>
    %concatenate3A_242 = tpu.concatenate %mul3A_210, %dot_general3A_241 in 1 : vector<64x64xf32>, vector<64x64xf32> -> vector<64x128xf32>
    %get3A_243 = arith.constant 0 : index
    %get3A_244 = arith.constant 0 : index
    %get3A_245 = vector.load %arg2[%get3A_243, %get3A_244] : memref<256x128xf32, #tpu.memory_space<vmem>>, vector<256x128xf32>
    %dot_general3A_246 = arith.constant dense<0.000000e+00> : vector<64x256xf32>
    %dot_general3A_247 = tpu.matmul %concatenate3A_242, %get3A_245, %dot_general3A_246 {dimension_numbers = #tpu.dot_dimension_numbers<[1], [1], [0], [0], [0, 0, 1, 0], [], []>, transpose_lhs_hint = false} : vector<64x128xf32>, vector<256x128xf32>, vector<64x256xf32> -> vector<64x256xf32>
    %get3A_248 = arith.constant 0 : index
    %get3A_249 = arith.constant 0 : index
    %get3A_250 = vector.load %arg4[%get3A_248, %get3A_249] : memref<1x256xf32, #tpu.memory_space<vmem>>, vector<1x256xf32>
    %add3A_251 = vector.broadcast %get3A_250 : vector<1x256xf32> to vector<64x256xf32>
    %add3A_252 = arith.addf %dot_general3A_247, %add3A_251 : vector<64x256xf32>
    %get3A_253 = arith.constant 0 : index
    %get3A_254 = arith.constant 0 : index
    %get3A_255 = vector.load %arg3[%get3A_253, %get3A_254] : memref<256x64xf32, #tpu.memory_space<vmem>>, vector<256x64xf32>
    %dot_general3A_256 = arith.constant dense<0.000000e+00> : vector<64x256xf32>
    %dot_general3A_257 = tpu.matmul %mul3A_210, %get3A_255, %dot_general3A_256 {dimension_numbers = #tpu.dot_dimension_numbers<[1], [1], [0], [0], [0, 0, 1, 0], [], []>, transpose_lhs_hint = false} : vector<64x64xf32>, vector<256x64xf32>, vector<64x256xf32> -> vector<64x256xf32>
    %add3A_258 = arith.addf %add3A_252, %dot_general3A_257 : vector<64x256xf32>
    %get3A_259 = arith.constant 0 : index
    %get3A_260 = arith.constant 0 : index
    %get3A_261 = vector.load %arg5[%get3A_259, %get3A_260] : memref<1x256xf32, #tpu.memory_space<vmem>>, vector<1x256xf32>
    %add3A_262 = vector.broadcast %get3A_261 : vector<1x256xf32> to vector<64x256xf32>
    %add3A_263 = arith.addf %add3A_258, %add3A_262 : vector<64x256xf32>
    %slice3A_264 = vector.extract_strided_slice %add3A_263 {offsets = [0, 0], sizes = [64, 64], strides = [1, 1]} : vector<64x256xf32> to vector<64x64xf32>
    %logistic3A_265 = arith.negf %slice3A_264 : vector<64x64xf32>
    %logistic3A_266 = math.exp %logistic3A_265 : vector<64x64xf32>
    %logistic3A_267 = arith.constant 1.000000e+00 : f32
    %logistic3A_268 = vector.broadcast %logistic3A_267 : f32 to vector<64x64xf32>
    %logistic3A_269 = arith.addf %logistic3A_268, %logistic3A_266 : vector<64x64xf32>
    %logistic3A_270 = arith.divf %logistic3A_268, %logistic3A_269 : vector<64x64xf32>
    %slice3A_271 = vector.extract_strided_slice %add3A_263 {offsets = [0, 64], sizes = [64, 64], strides = [1, 1]} : vector<64x256xf32> to vector<64x64xf32>
    %logistic3A_272 = arith.negf %slice3A_271 : vector<64x64xf32>
    %logistic3A_273 = math.exp %logistic3A_272 : vector<64x64xf32>
    %logistic3A_274 = arith.constant 1.000000e+00 : f32
    %logistic3A_275 = vector.broadcast %logistic3A_274 : f32 to vector<64x64xf32>
    %logistic3A_276 = arith.addf %logistic3A_275, %logistic3A_273 : vector<64x64xf32>
    %logistic3A_277 = arith.divf %logistic3A_275, %logistic3A_276 : vector<64x64xf32>
    %slice3A_278 = vector.extract_strided_slice %add3A_263 {offsets = [0, 128], sizes = [64, 64], strides = [1, 1]} : vector<64x256xf32> to vector<64x64xf32>
    %tanh3A_279 = math.tanh %slice3A_278 : vector<64x64xf32>
    %slice3A_280 = vector.extract_strided_slice %add3A_263 {offsets = [0, 192], sizes = [64, 64], strides = [1, 1]} : vector<64x256xf32> to vector<64x64xf32>
    %logistic3A_281 = arith.negf %slice3A_280 : vector<64x64xf32>
    %logistic3A_282 = math.exp %logistic3A_281 : vector<64x64xf32>
    %logistic3A_283 = arith.constant 1.000000e+00 : f32
    %logistic3A_284 = vector.broadcast %logistic3A_283 : f32 to vector<64x64xf32>
    %logistic3A_285 = arith.addf %logistic3A_284, %logistic3A_282 : vector<64x64xf32>
    %logistic3A_286 = arith.divf %logistic3A_284, %logistic3A_285 : vector<64x64xf32>
    %mul3A_287 = arith.mulf %logistic3A_277, %add3A_208 : vector<64x64xf32>
    %mul3A_288 = arith.mulf %logistic3A_270, %tanh3A_279 : vector<64x64xf32>
    %add3A_289 = arith.addf %mul3A_287, %mul3A_288 : vector<64x64xf32>
    %tanh3A_290 = math.tanh %add3A_289 : vector<64x64xf32>
    %mul3A_291 = arith.mulf %logistic3A_286, %tanh3A_290 : vector<64x64xf32>
    %dot_general3A_292 = arith.constant dense<0.000000e+00> : vector<10000x64xf32>
    %dot_general3A_293 = tpu.matmul %convert_element_type3A_6, %mul3A_291, %dot_general3A_292 {dimension_numbers = #tpu.dot_dimension_numbers<[1], [0], [0], [1], [0, 0, 1, 1], [], []>, transpose_lhs_hint = false} : vector<10000x64xf32>, vector<64x64xf32>, vector<10000x64xf32> -> vector<10000x64xf32>
    %mul3A_294 = arith.mulf %get3A_1, %dot_general3A_293 : vector<10000x64xf32>
    %reduce_sum3A_295 = arith.constant dense<0.000000e+00> : vector<10000xf32>
    %reduce_sum3A_296 = vector.multi_reduction <add>, %mul3A_294, %reduce_sum3A_295 [1] : vector<10000x64xf32> to vector<10000xf32>
    %broadcast_in_dim3A_297 = vector.shape_cast %reduce_sum3A_296 : vector<10000xf32> to vector<10000x1xf32>
    %mul3A_298 = vector.broadcast %broadcast_in_dim3A_297 : vector<10000x1xf32> to vector<10000x64xf32>
    %mul3A_299 = arith.mulf %convert_element_type3A_6, %mul3A_298 : vector<10000x64xf32>
    %sub3A_300 = arith.constant 1.000000e+00 : f32
    %sub3A_301 = vector.broadcast %sub3A_300 : f32 to vector<10000x64xf32>
    %sub3A_302 = arith.subf %convert_element_type3A_6, %sub3A_301 : vector<10000x64xf32>
    %mul3A_303 = arith.constant 1.000000e+30 : f32
    %mul3A_304 = vector.broadcast %mul3A_303 : f32 to vector<10000x64xf32>
    %mul3A_305 = arith.mulf %sub3A_302, %mul3A_304 : vector<10000x64xf32>
    %add3A_306 = arith.addf %mul3A_299, %mul3A_305 : vector<10000x64xf32>
    %reduce_max3A_307 = arith.constant dense<0xFF800000> : vector<64xf32>
    %reduce_max3A_308 = vector.multi_reduction <maximumf>, %add3A_306, %reduce_max3A_307 [0] : vector<10000x64xf32> to vector<64xf32>
    %broadcast_in_dim3A_309 = vector.shape_cast %reduce_max3A_308 : vector<64xf32> to vector<1x64xf32>
    %dot_general3A_310 = arith.constant dense<0.000000e+00> : vector<10000x1xf32>
    %dot_general3A_311 = tpu.matmul %convert_element_type3A_6, %broadcast_in_dim3A_309, %dot_general3A_310 {dimension_numbers = #tpu.dot_dimension_numbers<[1], [1], [0], [0], [0, 0, 1, 0], [], []>, transpose_lhs_hint = false} : vector<10000x64xf32>, vector<1x64xf32>, vector<10000x1xf32> -> vector<10000x1xf32>
    %sub3A_312 = arith.subf %broadcast_in_dim3A_297, %dot_general3A_311 : vector<10000x1xf32>
    %exp3A_313 = math.exp %sub3A_312 : vector<10000x1xf32>
    %dot_general3A_314 = arith.constant dense<0.000000e+00> : vector<64x1xf32>
    %dot_general3A_315 = tpu.matmul %convert_element_type3A_6, %exp3A_313, %dot_general3A_314 {dimension_numbers = #tpu.dot_dimension_numbers<[0], [0], [1], [1], [0, 1, 1, 1], [], []>, transpose_lhs_hint = false} : vector<10000x64xf32>, vector<10000x1xf32>, vector<64x1xf32> -> vector<64x1xf32>
    %dot_general3A_316 = arith.constant dense<0.000000e+00> : vector<10000x1xf32>
    %dot_general3A_317 = tpu.matmul %convert_element_type3A_6, %dot_general3A_315, %dot_general3A_316 {dimension_numbers = #tpu.dot_dimension_numbers<[1], [0], [0], [1], [0, 0, 1, 1], [], []>, transpose_lhs_hint = false} : vector<10000x64xf32>, vector<64x1xf32>, vector<10000x1xf32> -> vector<10000x1xf32>
    %div3A_318 = arith.divf %exp3A_313, %dot_general3A_317 : vector<10000x1xf32>
    %mul3A_319 = vector.broadcast %div3A_318 : vector<10000x1xf32> to vector<10000x64xf32>
    %mul3A_320 = arith.mulf %mul3A_319, %get3A_1 : vector<10000x64xf32>
    %dot_general3A_321 = arith.constant dense<0.000000e+00> : vector<64x64xf32>
    %dot_general3A_322 = tpu.matmul %convert_element_type3A_6, %mul3A_320, %dot_general3A_321 {dimension_numbers = #tpu.dot_dimension_numbers<[0], [0], [1], [1], [0, 1, 1, 1], [], []>, transpose_lhs_hint = false} : vector<10000x64xf32>, vector<10000x64xf32>, vector<64x64xf32> -> vector<64x64xf32>
    %concatenate3A_323 = tpu.concatenate %mul3A_291, %dot_general3A_322 in 1 : vector<64x64xf32>, vector<64x64xf32> -> vector<64x128xf32>
    %get3A_324 = arith.constant 0 : index
    %get3A_325 = arith.constant 0 : index
    %get3A_326 = vector.load %arg2[%get3A_324, %get3A_325] : memref<256x128xf32, #tpu.memory_space<vmem>>, vector<256x128xf32>
    %dot_general3A_327 = arith.constant dense<0.000000e+00> : vector<64x256xf32>
    %dot_general3A_328 = tpu.matmul %concatenate3A_323, %get3A_326, %dot_general3A_327 {dimension_numbers = #tpu.dot_dimension_numbers<[1], [1], [0], [0], [0, 0, 1, 0], [], []>, transpose_lhs_hint = false} : vector<64x128xf32>, vector<256x128xf32>, vector<64x256xf32> -> vector<64x256xf32>
    %get3A_329 = arith.constant 0 : index
    %get3A_330 = arith.constant 0 : index
    %get3A_331 = vector.load %arg4[%get3A_329, %get3A_330] : memref<1x256xf32, #tpu.memory_space<vmem>>, vector<1x256xf32>
    %add3A_332 = vector.broadcast %get3A_331 : vector<1x256xf32> to vector<64x256xf32>
    %add3A_333 = arith.addf %dot_general3A_328, %add3A_332 : vector<64x256xf32>
    %get3A_334 = arith.constant 0 : index
    %get3A_335 = arith.constant 0 : index
    %get3A_336 = vector.load %arg3[%get3A_334, %get3A_335] : memref<256x64xf32, #tpu.memory_space<vmem>>, vector<256x64xf32>
    %dot_general3A_337 = arith.constant dense<0.000000e+00> : vector<64x256xf32>
    %dot_general3A_338 = tpu.matmul %mul3A_291, %get3A_336, %dot_general3A_337 {dimension_numbers = #tpu.dot_dimension_numbers<[1], [1], [0], [0], [0, 0, 1, 0], [], []>, transpose_lhs_hint = false} : vector<64x64xf32>, vector<256x64xf32>, vector<64x256xf32> -> vector<64x256xf32>
    %add3A_339 = arith.addf %add3A_333, %dot_general3A_338 : vector<64x256xf32>
    %get3A_340 = arith.constant 0 : index
    %get3A_341 = arith.constant 0 : index
    %get3A_342 = vector.load %arg5[%get3A_340, %get3A_341] : memref<1x256xf32, #tpu.memory_space<vmem>>, vector<1x256xf32>
    %add3A_343 = vector.broadcast %get3A_342 : vector<1x256xf32> to vector<64x256xf32>
    %add3A_344 = arith.addf %add3A_339, %add3A_343 : vector<64x256xf32>
    %slice3A_345 = vector.extract_strided_slice %add3A_344 {offsets = [0, 0], sizes = [64, 64], strides = [1, 1]} : vector<64x256xf32> to vector<64x64xf32>
    %logistic3A_346 = arith.negf %slice3A_345 : vector<64x64xf32>
    %logistic3A_347 = math.exp %logistic3A_346 : vector<64x64xf32>
    %logistic3A_348 = arith.constant 1.000000e+00 : f32
    %logistic3A_349 = vector.broadcast %logistic3A_348 : f32 to vector<64x64xf32>
    %logistic3A_350 = arith.addf %logistic3A_349, %logistic3A_347 : vector<64x64xf32>
    %logistic3A_351 = arith.divf %logistic3A_349, %logistic3A_350 : vector<64x64xf32>
    %slice3A_352 = vector.extract_strided_slice %add3A_344 {offsets = [0, 64], sizes = [64, 64], strides = [1, 1]} : vector<64x256xf32> to vector<64x64xf32>
    %logistic3A_353 = arith.negf %slice3A_352 : vector<64x64xf32>
    %logistic3A_354 = math.exp %logistic3A_353 : vector<64x64xf32>
    %logistic3A_355 = arith.constant 1.000000e+00 : f32
    %logistic3A_356 = vector.broadcast %logistic3A_355 : f32 to vector<64x64xf32>
    %logistic3A_357 = arith.addf %logistic3A_356, %logistic3A_354 : vector<64x64xf32>
    %logistic3A_358 = arith.divf %logistic3A_356, %logistic3A_357 : vector<64x64xf32>
    %slice3A_359 = vector.extract_strided_slice %add3A_344 {offsets = [0, 128], sizes = [64, 64], strides = [1, 1]} : vector<64x256xf32> to vector<64x64xf32>
    %tanh3A_360 = math.tanh %slice3A_359 : vector<64x64xf32>
    %slice3A_361 = vector.extract_strided_slice %add3A_344 {offsets = [0, 192], sizes = [64, 64], strides = [1, 1]} : vector<64x256xf32> to vector<64x64xf32>
    %logistic3A_362 = arith.negf %slice3A_361 : vector<64x64xf32>
    %logistic3A_363 = math.exp %logistic3A_362 : vector<64x64xf32>
    %logistic3A_364 = arith.constant 1.000000e+00 : f32
    %logistic3A_365 = vector.broadcast %logistic3A_364 : f32 to vector<64x64xf32>
    %logistic3A_366 = arith.addf %logistic3A_365, %logistic3A_363 : vector<64x64xf32>
    %logistic3A_367 = arith.divf %logistic3A_365, %logistic3A_366 : vector<64x64xf32>
    %mul3A_368 = arith.mulf %logistic3A_358, %add3A_289 : vector<64x64xf32>
    %mul3A_369 = arith.mulf %logistic3A_351, %tanh3A_360 : vector<64x64xf32>
    %add3A_370 = arith.addf %mul3A_368, %mul3A_369 : vector<64x64xf32>
    %tanh3A_371 = math.tanh %add3A_370 : vector<64x64xf32>
    %mul3A_372 = arith.mulf %logistic3A_367, %tanh3A_371 : vector<64x64xf32>
    %dot_general3A_373 = arith.constant dense<0.000000e+00> : vector<10000x64xf32>
    %dot_general3A_374 = tpu.matmul %convert_element_type3A_6, %mul3A_372, %dot_general3A_373 {dimension_numbers = #tpu.dot_dimension_numbers<[1], [0], [0], [1], [0, 0, 1, 1], [], []>, transpose_lhs_hint = false} : vector<10000x64xf32>, vector<64x64xf32>, vector<10000x64xf32> -> vector<10000x64xf32>
    %mul3A_375 = arith.mulf %get3A_1, %dot_general3A_374 : vector<10000x64xf32>
    %reduce_sum3A_376 = arith.constant dense<0.000000e+00> : vector<10000xf32>
    %reduce_sum3A_377 = vector.multi_reduction <add>, %mul3A_375, %reduce_sum3A_376 [1] : vector<10000x64xf32> to vector<10000xf32>
    %broadcast_in_dim3A_378 = vector.shape_cast %reduce_sum3A_377 : vector<10000xf32> to vector<10000x1xf32>
    %mul3A_379 = vector.broadcast %broadcast_in_dim3A_378 : vector<10000x1xf32> to vector<10000x64xf32>
    %mul3A_380 = arith.mulf %convert_element_type3A_6, %mul3A_379 : vector<10000x64xf32>
    %sub3A_381 = arith.constant 1.000000e+00 : f32
    %sub3A_382 = vector.broadcast %sub3A_381 : f32 to vector<10000x64xf32>
    %sub3A_383 = arith.subf %convert_element_type3A_6, %sub3A_382 : vector<10000x64xf32>
    %mul3A_384 = arith.constant 1.000000e+30 : f32
    %mul3A_385 = vector.broadcast %mul3A_384 : f32 to vector<10000x64xf32>
    %mul3A_386 = arith.mulf %sub3A_383, %mul3A_385 : vector<10000x64xf32>
    %add3A_387 = arith.addf %mul3A_380, %mul3A_386 : vector<10000x64xf32>
    %reduce_max3A_388 = arith.constant dense<0xFF800000> : vector<64xf32>
    %reduce_max3A_389 = vector.multi_reduction <maximumf>, %add3A_387, %reduce_max3A_388 [0] : vector<10000x64xf32> to vector<64xf32>
    %broadcast_in_dim3A_390 = vector.shape_cast %reduce_max3A_389 : vector<64xf32> to vector<1x64xf32>
    %dot_general3A_391 = arith.constant dense<0.000000e+00> : vector<10000x1xf32>
    %dot_general3A_392 = tpu.matmul %convert_element_type3A_6, %broadcast_in_dim3A_390, %dot_general3A_391 {dimension_numbers = #tpu.dot_dimension_numbers<[1], [1], [0], [0], [0, 0, 1, 0], [], []>, transpose_lhs_hint = false} : vector<10000x64xf32>, vector<1x64xf32>, vector<10000x1xf32> -> vector<10000x1xf32>
    %sub3A_393 = arith.subf %broadcast_in_dim3A_378, %dot_general3A_392 : vector<10000x1xf32>
    %exp3A_394 = math.exp %sub3A_393 : vector<10000x1xf32>
    %dot_general3A_395 = arith.constant dense<0.000000e+00> : vector<64x1xf32>
    %dot_general3A_396 = tpu.matmul %convert_element_type3A_6, %exp3A_394, %dot_general3A_395 {dimension_numbers = #tpu.dot_dimension_numbers<[0], [0], [1], [1], [0, 1, 1, 1], [], []>, transpose_lhs_hint = false} : vector<10000x64xf32>, vector<10000x1xf32>, vector<64x1xf32> -> vector<64x1xf32>
    %dot_general3A_397 = arith.constant dense<0.000000e+00> : vector<10000x1xf32>
    %dot_general3A_398 = tpu.matmul %convert_element_type3A_6, %dot_general3A_396, %dot_general3A_397 {dimension_numbers = #tpu.dot_dimension_numbers<[1], [0], [0], [1], [0, 0, 1, 1], [], []>, transpose_lhs_hint = false} : vector<10000x64xf32>, vector<64x1xf32>, vector<10000x1xf32> -> vector<10000x1xf32>
    %div3A_399 = arith.divf %exp3A_394, %dot_general3A_398 : vector<10000x1xf32>
    %mul3A_400 = vector.broadcast %div3A_399 : vector<10000x1xf32> to vector<10000x64xf32>
    %mul3A_401 = arith.mulf %mul3A_400, %get3A_1 : vector<10000x64xf32>
    %dot_general3A_402 = arith.constant dense<0.000000e+00> : vector<64x64xf32>
    %dot_general3A_403 = tpu.matmul %convert_element_type3A_6, %mul3A_401, %dot_general3A_402 {dimension_numbers = #tpu.dot_dimension_numbers<[0], [0], [1], [1], [0, 1, 1, 1], [], []>, transpose_lhs_hint = false} : vector<10000x64xf32>, vector<10000x64xf32>, vector<64x64xf32> -> vector<64x64xf32>
    %concatenate3A_404 = tpu.concatenate %mul3A_372, %dot_general3A_403 in 1 : vector<64x64xf32>, vector<64x64xf32> -> vector<64x128xf32>
    %get3A_405 = arith.constant 0 : index
    %get3A_406 = arith.constant 0 : index
    %get3A_407 = vector.load %arg2[%get3A_405, %get3A_406] : memref<256x128xf32, #tpu.memory_space<vmem>>, vector<256x128xf32>
    %dot_general3A_408 = arith.constant dense<0.000000e+00> : vector<64x256xf32>
    %dot_general3A_409 = tpu.matmul %concatenate3A_404, %get3A_407, %dot_general3A_408 {dimension_numbers = #tpu.dot_dimension_numbers<[1], [1], [0], [0], [0, 0, 1, 0], [], []>, transpose_lhs_hint = false} : vector<64x128xf32>, vector<256x128xf32>, vector<64x256xf32> -> vector<64x256xf32>
    %get3A_410 = arith.constant 0 : index
    %get3A_411 = arith.constant 0 : index
    %get3A_412 = vector.load %arg4[%get3A_410, %get3A_411] : memref<1x256xf32, #tpu.memory_space<vmem>>, vector<1x256xf32>
    %add3A_413 = vector.broadcast %get3A_412 : vector<1x256xf32> to vector<64x256xf32>
    %add3A_414 = arith.addf %dot_general3A_409, %add3A_413 : vector<64x256xf32>
    %get3A_415 = arith.constant 0 : index
    %get3A_416 = arith.constant 0 : index
    %get3A_417 = vector.load %arg3[%get3A_415, %get3A_416] : memref<256x64xf32, #tpu.memory_space<vmem>>, vector<256x64xf32>
    %dot_general3A_418 = arith.constant dense<0.000000e+00> : vector<64x256xf32>
    %dot_general3A_419 = tpu.matmul %mul3A_372, %get3A_417, %dot_general3A_418 {dimension_numbers = #tpu.dot_dimension_numbers<[1], [1], [0], [0], [0, 0, 1, 0], [], []>, transpose_lhs_hint = false} : vector<64x64xf32>, vector<256x64xf32>, vector<64x256xf32> -> vector<64x256xf32>
    %add3A_420 = arith.addf %add3A_414, %dot_general3A_419 : vector<64x256xf32>
    %get3A_421 = arith.constant 0 : index
    %get3A_422 = arith.constant 0 : index
    %get3A_423 = vector.load %arg5[%get3A_421, %get3A_422] : memref<1x256xf32, #tpu.memory_space<vmem>>, vector<1x256xf32>
    %add3A_424 = vector.broadcast %get3A_423 : vector<1x256xf32> to vector<64x256xf32>
    %add3A_425 = arith.addf %add3A_420, %add3A_424 : vector<64x256xf32>
    %slice3A_426 = vector.extract_strided_slice %add3A_425 {offsets = [0, 0], sizes = [64, 64], strides = [1, 1]} : vector<64x256xf32> to vector<64x64xf32>
    %logistic3A_427 = arith.negf %slice3A_426 : vector<64x64xf32>
    %logistic3A_428 = math.exp %logistic3A_427 : vector<64x64xf32>
    %logistic3A_429 = arith.constant 1.000000e+00 : f32
    %logistic3A_430 = vector.broadcast %logistic3A_429 : f32 to vector<64x64xf32>
    %logistic3A_431 = arith.addf %logistic3A_430, %logistic3A_428 : vector<64x64xf32>
    %logistic3A_432 = arith.divf %logistic3A_430, %logistic3A_431 : vector<64x64xf32>
    %slice3A_433 = vector.extract_strided_slice %add3A_425 {offsets = [0, 64], sizes = [64, 64], strides = [1, 1]} : vector<64x256xf32> to vector<64x64xf32>
    %logistic3A_434 = arith.negf %slice3A_433 : vector<64x64xf32>
    %logistic3A_435 = math.exp %logistic3A_434 : vector<64x64xf32>
    %logistic3A_436 = arith.constant 1.000000e+00 : f32
    %logistic3A_437 = vector.broadcast %logistic3A_436 : f32 to vector<64x64xf32>
    %logistic3A_438 = arith.addf %logistic3A_437, %logistic3A_435 : vector<64x64xf32>
    %logistic3A_439 = arith.divf %logistic3A_437, %logistic3A_438 : vector<64x64xf32>
    %slice3A_440 = vector.extract_strided_slice %add3A_425 {offsets = [0, 128], sizes = [64, 64], strides = [1, 1]} : vector<64x256xf32> to vector<64x64xf32>
    %tanh3A_441 = math.tanh %slice3A_440 : vector<64x64xf32>
    %slice3A_442 = vector.extract_strided_slice %add3A_425 {offsets = [0, 192], sizes = [64, 64], strides = [1, 1]} : vector<64x256xf32> to vector<64x64xf32>
    %logistic3A_443 = arith.negf %slice3A_442 : vector<64x64xf32>
    %logistic3A_444 = math.exp %logistic3A_443 : vector<64x64xf32>
    %logistic3A_445 = arith.constant 1.000000e+00 : f32
    %logistic3A_446 = vector.broadcast %logistic3A_445 : f32 to vector<64x64xf32>
    %logistic3A_447 = arith.addf %logistic3A_446, %logistic3A_444 : vector<64x64xf32>
    %logistic3A_448 = arith.divf %logistic3A_446, %logistic3A_447 : vector<64x64xf32>
    %mul3A_449 = arith.mulf %logistic3A_439, %add3A_370 : vector<64x64xf32>
    %mul3A_450 = arith.mulf %logistic3A_432, %tanh3A_441 : vector<64x64xf32>
    %add3A_451 = arith.addf %mul3A_449, %mul3A_450 : vector<64x64xf32>
    %tanh3A_452 = math.tanh %add3A_451 : vector<64x64xf32>
    %mul3A_453 = arith.mulf %logistic3A_448, %tanh3A_452 : vector<64x64xf32>
    %dot_general3A_454 = arith.constant dense<0.000000e+00> : vector<10000x64xf32>
    %dot_general3A_455 = tpu.matmul %convert_element_type3A_6, %mul3A_453, %dot_general3A_454 {dimension_numbers = #tpu.dot_dimension_numbers<[1], [0], [0], [1], [0, 0, 1, 1], [], []>, transpose_lhs_hint = false} : vector<10000x64xf32>, vector<64x64xf32>, vector<10000x64xf32> -> vector<10000x64xf32>
    %mul3A_456 = arith.mulf %get3A_1, %dot_general3A_455 : vector<10000x64xf32>
    %reduce_sum3A_457 = arith.constant dense<0.000000e+00> : vector<10000xf32>
    %reduce_sum3A_458 = vector.multi_reduction <add>, %mul3A_456, %reduce_sum3A_457 [1] : vector<10000x64xf32> to vector<10000xf32>
    %broadcast_in_dim3A_459 = vector.shape_cast %reduce_sum3A_458 : vector<10000xf32> to vector<10000x1xf32>
    %mul3A_460 = vector.broadcast %broadcast_in_dim3A_459 : vector<10000x1xf32> to vector<10000x64xf32>
    %mul3A_461 = arith.mulf %convert_element_type3A_6, %mul3A_460 : vector<10000x64xf32>
    %sub3A_462 = arith.constant 1.000000e+00 : f32
    %sub3A_463 = vector.broadcast %sub3A_462 : f32 to vector<10000x64xf32>
    %sub3A_464 = arith.subf %convert_element_type3A_6, %sub3A_463 : vector<10000x64xf32>
    %mul3A_465 = arith.constant 1.000000e+30 : f32
    %mul3A_466 = vector.broadcast %mul3A_465 : f32 to vector<10000x64xf32>
    %mul3A_467 = arith.mulf %sub3A_464, %mul3A_466 : vector<10000x64xf32>
    %add3A_468 = arith.addf %mul3A_461, %mul3A_467 : vector<10000x64xf32>
    %reduce_max3A_469 = arith.constant dense<0xFF800000> : vector<64xf32>
    %reduce_max3A_470 = vector.multi_reduction <maximumf>, %add3A_468, %reduce_max3A_469 [0] : vector<10000x64xf32> to vector<64xf32>
    %broadcast_in_dim3A_471 = vector.shape_cast %reduce_max3A_470 : vector<64xf32> to vector<1x64xf32>
    %dot_general3A_472 = arith.constant dense<0.000000e+00> : vector<10000x1xf32>
    %dot_general3A_473 = tpu.matmul %convert_element_type3A_6, %broadcast_in_dim3A_471, %dot_general3A_472 {dimension_numbers = #tpu.dot_dimension_numbers<[1], [1], [0], [0], [0, 0, 1, 0], [], []>, transpose_lhs_hint = false} : vector<10000x64xf32>, vector<1x64xf32>, vector<10000x1xf32> -> vector<10000x1xf32>
    %sub3A_474 = arith.subf %broadcast_in_dim3A_459, %dot_general3A_473 : vector<10000x1xf32>
    %exp3A_475 = math.exp %sub3A_474 : vector<10000x1xf32>
    %dot_general3A_476 = arith.constant dense<0.000000e+00> : vector<64x1xf32>
    %dot_general3A_477 = tpu.matmul %convert_element_type3A_6, %exp3A_475, %dot_general3A_476 {dimension_numbers = #tpu.dot_dimension_numbers<[0], [0], [1], [1], [0, 1, 1, 1], [], []>, transpose_lhs_hint = false} : vector<10000x64xf32>, vector<10000x1xf32>, vector<64x1xf32> -> vector<64x1xf32>
    %dot_general3A_478 = arith.constant dense<0.000000e+00> : vector<10000x1xf32>
    %dot_general3A_479 = tpu.matmul %convert_element_type3A_6, %dot_general3A_477, %dot_general3A_478 {dimension_numbers = #tpu.dot_dimension_numbers<[1], [0], [0], [1], [0, 0, 1, 1], [], []>, transpose_lhs_hint = false} : vector<10000x64xf32>, vector<64x1xf32>, vector<10000x1xf32> -> vector<10000x1xf32>
    %div3A_480 = arith.divf %exp3A_475, %dot_general3A_479 : vector<10000x1xf32>
    %mul3A_481 = vector.broadcast %div3A_480 : vector<10000x1xf32> to vector<10000x64xf32>
    %mul3A_482 = arith.mulf %mul3A_481, %get3A_1 : vector<10000x64xf32>
    %dot_general3A_483 = arith.constant dense<0.000000e+00> : vector<64x64xf32>
    %dot_general3A_484 = tpu.matmul %convert_element_type3A_6, %mul3A_482, %dot_general3A_483 {dimension_numbers = #tpu.dot_dimension_numbers<[0], [0], [1], [1], [0, 1, 1, 1], [], []>, transpose_lhs_hint = false} : vector<10000x64xf32>, vector<10000x64xf32>, vector<64x64xf32> -> vector<64x64xf32>
    %concatenate3A_485 = tpu.concatenate %mul3A_453, %dot_general3A_484 in 1 : vector<64x64xf32>, vector<64x64xf32> -> vector<64x128xf32>
    %get3A_486 = arith.constant 0 : index
    %get3A_487 = arith.constant 0 : index
    %get3A_488 = vector.load %arg6[%get3A_486, %get3A_487] : memref<64x128xf32, #tpu.memory_space<vmem>>, vector<64x128xf32>
    %dot_general3A_489 = arith.constant dense<0.000000e+00> : vector<64x64xf32>
    %dot_general3A_490 = tpu.matmul %concatenate3A_485, %get3A_488, %dot_general3A_489 {dimension_numbers = #tpu.dot_dimension_numbers<[1], [1], [0], [0], [0, 0, 1, 0], [], []>, transpose_lhs_hint = false} : vector<64x128xf32>, vector<64x128xf32>, vector<64x64xf32> -> vector<64x64xf32>
    %get3A_491 = arith.constant 0 : index
    %get3A_492 = arith.constant 0 : index
    %get3A_493 = vector.load %arg7[%get3A_491, %get3A_492] : memref<1x64xf32, #tpu.memory_space<vmem>>, vector<1x64xf32>
    %add3A_494 = vector.broadcast %get3A_493 : vector<1x64xf32> to vector<64x64xf32>
    %add3A_495 = arith.addf %dot_general3A_490, %add3A_494 : vector<64x64xf32>
    %max3A = arith.constant 0.000000e+00 : f32
    %max3A_496 = vector.broadcast %max3A : f32 to vector<64x64xf32>
    %max3A_497 = arith.maximumf %add3A_495, %max3A_496 : vector<64x64xf32>
    %get3A_498 = arith.constant 0 : index
    %get3A_499 = arith.constant 0 : index
    %get3A_500 = vector.load %arg8[%get3A_498, %get3A_499] : memref<12x64xf32, #tpu.memory_space<vmem>>, vector<12x64xf32>
    %dot_general3A_501 = arith.constant dense<0.000000e+00> : vector<64x12xf32>
    %dot_general3A_502 = tpu.matmul %max3A_497, %get3A_500, %dot_general3A_501 {dimension_numbers = #tpu.dot_dimension_numbers<[1], [1], [0], [0], [0, 0, 1, 0], [], []>, transpose_lhs_hint = false} : vector<64x64xf32>, vector<12x64xf32>, vector<64x12xf32> -> vector<64x12xf32>
    %get3A_503 = arith.constant 0 : index
    %get3A_504 = arith.constant 0 : index
    %get3A_505 = vector.load %arg9[%get3A_503, %get3A_504] : memref<1x12xf32, #tpu.memory_space<vmem>>, vector<1x12xf32>
    %add3A_506 = vector.broadcast %get3A_505 : vector<1x12xf32> to vector<64x12xf32>
    %add3A_507 = arith.addf %dot_general3A_502, %add3A_506 : vector<64x12xf32>
    %swap3A = arith.constant 0 : index
    %swap3A_508 = arith.constant 0 : index
    %swap3A_509 = vector.load %arg10[%swap3A, %swap3A_508] : memref<64x12xf32, #tpu.memory_space<vmem>>, vector<64x12xf32>
    tpu.vector_store %arg10[%swap3A, %swap3A_508], %add3A_507 {strides = array<i32>} : memref<64x12xf32, #tpu.memory_space<vmem>>, vector<64x12xf32>,
    return
  }
}

</mosaic_0001>

<sc_bundles>
// kernel: kernel.17.cloned.1.call-start
scs
__scs_entry_jumppad:
0x0: {  	(pc) =	sbr.rel $0x88, $3  }
0x1: {  	(tag) =	ssettag $0x0;
	lr =	simm.s32 $0x1  }
0x2: {  	[smem:$0x3F90] =	sst lr;
	_ =	strace $0xD0000000  }
0x3: {  	_ = 	snop  }
0x4: {  	_ = 	snop  }
0x5: {  	_ = 	snop  }
0x6: {  	_ = 	snop  }
0x7: {  	_ = 	snop  }
__scs_overlays_trampoline_lowered:
0x8: {  	[smem:$0x3F9F] =	sst s0  }
0x9: {  	[smem:$0x3FA0] =	sst s1  }
0xa: {  	[smem:$0x3FA1] =	sst s2  }
0xb: {  	[smem:$0x3FA2] =	sst s3  }
0xc: {  	[smem:$0x3FA3] =	sst s4  }
0xd: {  	[smem:$0x3FA4] =	sst s5  }
0xe: {  	[smem:$0x3FA5] =	sst s6  }
0xf: {  	[smem:$0x3FA6] =	sst s7  }
0x10: {  	[smem:$0x3FA7] =	sst s8  }
0x11: {  	[smem:$0x3FA8] =	sst s9;
	s0 =	simm.s32 @!p0 $0x0  }
0x12: {  	s1 =	sld [smem:$0x3F8E];
	s0 =	simm.s32 @p0 $0x1  }
0x13: {  	[smem:$0x3FA9] =	sst s0;
	s0 =	simm.s32 @!p1 $0x0  }
0x14: {  	s2 =	sld [smem:$0x3F8D];
	s0 =	simm.s32 @p1 $0x1  }
0x15: {  	[smem:$0x3FAA] =	sst s0;
	s0 =	simm.s32 @!p2 $0x0  }
0x16: {  	s3 =	sld [smem:$0x3FDB];
	s0 =	simm.s32 @p2 $0x1  }
0x17: {  	s4 =	simm.s32 $0x1BF5;
	[smem:$0x3FAC] =	sst s0  }
0x18: {  	s0 =	sld [smem:$0x3F8F];
	_ =	swait.ge [sflag:s4], $0x0  }
0x19: {  	s7 =	sld [smem:$0x3F90]  }
0x1a: {  	s8 =	sadd.s32 $0xFFFFE003, lr  }
0x1b: {  	s9 =	sadd.s32 $0xFFFFFEF7, lr;
	s5 =	simm.s32 $0xFFFFFFFF;
	p2 =	slt.u32 s8, $0xFFFFF086  }
0x1c: {  	p1 =	slt.u32 s9, $0xF7A;
	s5 =	simm.s32 @!p2 $0x0  }
0x1d: {  	s5 =	simm.s32 @p1 $0x1;
	p0 =	seq.s32 s7, s2  }
0x1e: {  	s7 =	smul.u32 @!p0 $0xF7A, s2;
	p2 =	seq.s32 @!p0 s5, $0x0  }
0x1f: {  	s9 =	smul.u32 $0xF7A, s1;
	s8 =	simm.s32 @!p0 $0x1BF5;
	p2 =	por !p2, p0  }
0x20: {  	[sflag:s8] =	ssyncset.s32 @!p0 $0xFFFFF086;
	s6 =	sadd.s32 @!p0 s3, s7;
	s7 =	simm.s32 @!p0 $0x108  }
0x21: {  	s3 =	sadd.s32 s3, s9;
	s6 =	sadd.s32 @!p0 $0x88, s6;
	s7 =	simm.s32 @p2 $0x1082  }
0x22: {  	[simem:s7], [sflag:s8] =	dma.local @!p0 [hbm:s6], $0xF7A  }
0x23: {  	s9 =	sor.u32 $0xD0000000, s2;
	s6 =	simm.s32 $0x108;
	_ =	swait.ge @!p0 [sflag:s8], $0x0  }
0x24: {  	s3 =	sadd.s32 $0x88, s3;
	s6 =	simm.s32 @!p1 $0x1082;
	[sflag:s4] =	ssyncset.s32 $0xFFFFF086  }
0x25: {  	[simem:s6], [sflag:s4] =	dma.local [hbm:s3], $0xF7A  }
0x26: {  	[smem:$0x3F90] =	sst s1;
	(tag) =	ssettag s2;
	_ =	strace s9  }
0x27: {  	s1 =	sld [smem:$0x3FA0]  }
0x28: {  	s2 =	sld [smem:$0x3FA1]  }
0x29: {  	s4 =	sld [smem:$0x3FA3]  }
0x2a: {  	p0 =	seq.s32 s5, $0x0;
	s5 =	sld [smem:$0x3FA4]  }
0x2b: {  	s6 =	sld [smem:$0x3FA5]  }
0x2c: {  	s7 =	sld [smem:$0x3FA6]  }
0x2d: {  	s3 =	simm.s32 $0x108;
	s8 =	sld [smem:$0x3FA7]  }
0x2e: {  	s3 =	simm.s32 @!p0 $0x1082;
	s9 =	sld [smem:$0x3FA8]  }
0x2f: {  	lr =	sadd.s32 s0, s3;
	s0 =	sld [smem:$0x3F9F]  }
0x30: {  	s3 =	sld [smem:$0x3FA2]  }
0x31: {  	[smem:$0x3FAB] =	sst s10  }
0x32: {  	s10 =	sld [smem:$0x3FA9];
	_ =	sdelay $0x3  }
0x33: {  	p0 =	seq.s32 s10, $0x1;
	s10 =	sld [smem:$0x3FAB];
	_ =	sdelay $0x3  }
0x34: {  	[smem:$0x3FAB] =	sst s10  }
0x35: {  	s10 =	sld [smem:$0x3FAA];
	_ =	sdelay $0x3  }
0x36: {  	p1 =	seq.s32 s10, $0x1;
	s10 =	sld [smem:$0x3FAB];
	_ =	sdelay $0x3  }
0x37: {  	[smem:$0x3FAB] =	sst s10  }
0x38: {  	s10 =	sld [smem:$0x3FAC]  }
0x39: {  	_ = 	snop;
	(pc) =	sbr.ind lr, $3  }
0x3a: {  	_ = 	snop  }
0x3b: {  	_ = 	snop  }
0x3c: {  	p2 =	seq.s32 s10, $0x1;
	s10 =	sld [smem:$0x3FAB]  }
0x3d: {  	_ =	shalt  }
0x3e: {  	_ =	shalt  }
0x3f: {  	_ =	shalt  }
0x40: {  	_ =	shalt  }
0x41: {  	_ =	shalt  }
0x42: {  	_ =	shalt  }
0x43: {  	_ =	shalt  }
0x44: {  	_ =	shalt  }
0x45: {  	_ =	shalt  }
0x46: {  	_ =	shalt  }
0x47: {  	_ =	shalt  }
0x48: {  	_ =	shalt  }
0x49: {  	_ =	shalt  }
0x4a: {  	_ =	shalt  }
0x4b: {  	_ =	shalt  }
0x4c: {  	_ =	shalt  }
0x4d: {  	_ =	shalt  }
0x4e: {  	_ =	shalt  }
0x4f: {  	_ =	shalt  }
0x50: {  	_ =	shalt  }
0x51: {  	_ =	shalt  }
0x52: {  	_ =	shalt  }
0x53: {  	_ =	shalt  }
0x54: {  	_ =	shalt  }
0x55: {  	_ =	shalt  }
0x56: {  	_ =	shalt  }
0x57: {  	_ =	shalt  }
0x58: {  	_ =	shalt  }
0x59: {  	_ =	shalt  }
0x5a: {  	_ =	shalt  }
0x5b: {  	_ =	shalt  }
0x5c: {  	_ =	shalt  }
0x5d: {  	_ =	shalt  }
0x5e: {  	_ =	shalt  }
0x5f: {  	_ =	shalt  }
0x60: {  	_ =	shalt  }
0x61: {  	_ =	shalt  }
0x62: {  	_ =	shalt  }
0x63: {  	_ =	shalt  }
0x64: {  	_ =	shalt  }
0x65: {  	_ =	shalt  }
0x66: {  	_ =	shalt  }
0x67: {  	_ =	shalt  }
0x68: {  	_ =	shalt  }
0x69: {  	_ =	shalt  }
0x6a: {  	_ =	shalt  }
0x6b: {  	_ =	shalt  }
0x6c: {  	_ =	shalt  }
0x6d: {  	_ =	shalt  }
0x6e: {  	_ =	shalt  }
0x6f: {  	_ =	shalt  }
0x70: {  	_ =	shalt  }
0x71: {  	_ =	shalt  }
0x72: {  	_ =	shalt  }
0x73: {  	_ =	shalt  }
0x74: {  	_ =	shalt  }
0x75: {  	_ =	shalt  }
0x76: {  	_ =	shalt  }
0x77: {  	_ =	shalt  }
0x78: {  	_ =	shalt  }
0x79: {  	_ =	shalt  }
0x7a: {  	_ =	shalt  }
0x7b: {  	_ =	shalt  }
0x7c: {  	_ =	shalt  }
0x7d: {  	_ =	shalt  }
0x7e: {  	_ =	shalt  }
0x7f: {  	_ =	shalt  }
0x80: {  	_ =	shalt  }
0x81: {  	_ =	shalt  }
0x82: {  	_ =	shalt  }
0x83: {  	_ =	shalt  }
0x84: {  	_ =	shalt  }
0x85: {  	_ =	shalt  }
0x86: {  	_ =	shalt  }
0x87: {  	_ =	shalt  }
.Lfunc_end0:
.L_simem_size_0:
called_computation_lowered:
.L_overlay_start_0:
0x88: {  	s2 =	sld [smem:$0x3FD9]  }
0x89: {  	s3 =	sld [smem:$0x3FFE];
	_ =	sdelay $0x1  }
0x8a: {  	s1 =	srdreg.scid  }
0x8b: {  	s0 =	sand.u32 $0x1, s1  }
0x8c: {  	s17 =	sshll.u32 s0, $0xA;
	s2 =	sadd.s32 s3, s2  }
0x8d: {  	s2 =	sadd.s32 s2, s17  }
0x8e: {  	[smem:$0x3FB7] =	sst s2  }
0x8f: {  	_ = 	snop  }
0x90: {  	(tm) =	ssettm $0x1  }
0x91: {  	s18 =	sld [smem:$0x3FFB];
	_ =	sdelay $0x3  }
0x92: {  	_ =	strace s18  }
0x93: {  	s2 =	sld [smem:$0x3FFC];
	_ =	sdelay $0x3  }
0x94: {  	_ =	strace s2  }
0x95: {  	s2 =	sld [smem:$0x3FFD];
	_ =	sdelay $0x3  }
0x96: {  	_ =	strace s2  }
0x97: {  	_ =	strace $0x8FFFFFFF  }
0x98: {  	s19 =	sld [smem:$0x3FDB];
	_ =	sdelay $0x1  }
0x99: {  	s20 =	simm.s32 $_scs_section_size  }
0x9a: {  	s4 =	simm.s32 $_size__tile_overlayer_lowered;
	s5 =	simm.s32 $_tile_overlayer_lowered  }
0x9b: {  	s6 =	simm.s32 $0x1BFF;
	s21 =	sshll.u32 s5, $0x1;
	s3 =	sadd.s32 s20, s19  }
0x9c: {  	s22 =	simm.s32 $0x0;
	s4 =	sshll.u32 s4, $0x1;
	s5 =	sadd.s32 s21, s3  }
0x9d: {  	[timem:s22], [sflag:s6] =	dma.local [hbm:s5], s4  }
0x9e: {  	_ =	swait.ge [sflag:s6], s4  }
0x9f: {  	s4 =	ssub.s32 $0x0, s4;
	[sflag:s6] =	ssyncset.done $0x0  }
0xa0: {  	[sflag:s6] =	ssyncadd.s32 s4;
	_ =	sdelay $0x1  }
0xa1: {  	s23 =	simm.s32 $0x1B8B  }
0xa2: {  	_ =	swait.ge [sflag:s23], $0x1  }
0xa3: {  	[sflag:s23] =	ssyncset.done $0x0  }
0xa4: {  	[sflag:s23] =	ssyncadd.s32 $0xFFFFFFFF  }
0xa5: {  	s4 =	sld [smem:$0x0]  }
0xa6: {  	s5 =	sand.u32 $0xFFFFFFFE, s1  }
0xa7: {  	p0 =	sne.s32 s1, s5  }
0xa8: {  	s5 =	sshll.u32 @p0 s5, $0xE  }
0xa9: {  	s5 =	sadd.s32 @p0 $0x11B8D, s5;
	s6 =	sshll.u32 @p0 s4, $0x11  }
0xaa: {  	s5 =	sor.u32 @p0 s6, s5  }
0xab: {  	[sflag:s5] =	ssyncadd.remote.s32 @p0 $0x1;
	_ =	sdelay $0x1  }
0xac: {  	s5 =	simm.s32 @p0 $0x1B8D  }
0xad: {  	_ =	swait.eq @p0 [sflag:s5], $0x1  }
0xae: {  	[sflag:s5] =	ssyncadd.s32 @p0 $0xFFFFFFFF  }
0xaf: {  	s6 =	sshll.u32 @!p0 s1, $0xE  }
0xb0: {  	s6 =	sor.u32 @!p0 $0x4000, s6;
	s5 =	simm.s32 @!p0 $0x1B8D  }
0xb1: {  	s4 =	sshll.u32 @!p0 s4, $0x11;
	s6 =	sadd.s32 @!p0 $0x11B8D, s6;
	_ =	swait.eq @!p0 [sflag:s5], $0x1  }
0xb2: {  	s4 =	sor.u32 @!p0 s4, s6;
	[sflag:s5] =	ssyncadd.s32 @!p0 $0xFFFFFFFF  }
0xb3: {  	s25 =	simm.s32 $0x1B8E;
	s24 =	sld [smem:$0x3FFE];
	[sflag:s4] =	ssyncadd.remote.s32 @!p0 $0x1  }
0xb4: {  	s26 =	simm.s32 $execute0_lowered;
	[smem:$0x3FD2] =	sst s25  }
0xb5: {  	s5 =	sshll.u32 s26, $0x1;
	_ =	strace $0x80000049;
	[dreg:$0x1] =	wrdreg $0xFFFFFFFF  }
0xb6: {  	s28 =	simm.s32 $_size_execute0_lowered;
	s3 =	sadd.s32 s3, s5;
	[dreg:$0x0] =	wrdreg $0x0  }
0xb7: {  	s5 =	sshll.u32 s28, $0x1;
	[dreg:$0x2] =	wrdreg s3  }
0xb8: {  	[dreg:$0x3] =	wrdreg s5  }
0xb9: {  	[dreg:$0x4] =	wrdreg $0xC0  }
0xba: {  	_ =	task [dreg:s22], $0x5FFFF  }
0xbb: {  	[dreg:$0x1] =	wrdreg $0xFFFFFFFF  }
0xbc: {  	[dreg:$0x0] =	wrdreg $0x60  }
0xbd: {  	[dreg:$0x2] =	wrdreg s24  }
0xbe: {  	[dreg:$0x3] =	wrdreg $0x10800  }
0xbf: {  	[dreg:$0x4] =	wrdreg $0x9  }
0xc0: {  	_ =	task.clear_ibuf [dreg:s22], $0x5FFFF;
	_ =	strace $0x90000049  }
0xc1: {  	s29 =	simm.s32 $0x9;
	_ =	strace $0x8000004B  }
0xc2: {  	_ =	swait.ge [sflag:s29], $0x1  }
0xc3: {  	[sflag:s29] =	ssyncadd.s32 $0xFFFFFFFF  }
0xc4: {  	_ =	strace $0x9000004B  }
0xc5: {  	_ =	sfence  }
0xc6: {  	s30 =	sld [smem:$0x0];
	_ =	sdelay $0x2  }
0xc7: {  	s31 =	sshll.u32 s1, $0xD;
	s1 =	sshrl.u32 s1, $0x2  }
0xc8: {  	s4 =	sand.u32 $0x4000, s31;
	s1 =	sadd.s32 s1, s30  }
0xc9: {  	s0 =	sor.u32 s4, s0;
	s1 =	sshll.u32 s1, $0x11  }
0xca: {  	s0 =	sor.u32 s1, s0  }
0xcb: {  	s0 =	sadd.s32 $0x8F2B, s0  }
0xcc: {  	[sflag:s0] =	ssyncadd.remote.s32 $0x1  }
0xcd: {  	_ =	sfence.sel $0xFFFF  }
0xce: {  	[dreg:$0x0] =	wrdreg $0xFFFFFFFF;
	(pc) =	sbr.abs _section_cstart, $3  }
0xcf: {  	[dreg:$0x1] =	wrdreg $0xFFFFFFFF  }
0xd0: {  	_ =	task.clear_ibuf [dreg:s22], $0x2FFFF;
	_ =	strace $0x9FFFFFFF  }
0xd1: {  	(tm) =	ssettm $0x7FFFFFFF  }
tec
execute0_lowered:
.L_overlay_start_1:
0x0: {  	(tag) =	ssettag $0x1  }
0x1: {  	s6 =	rddreg [dreg:$0x0];
	s1 =	stileid.u32  }
0x2: {  	s2 =	rddreg [dreg:$0x1];
	s5 =	smul.u32 $0x9E0, s1  }
0x3: {  	s0 =	rddreg [dreg:$0x2];
	s9 =	smul.u32 $0x30E0, s1  }
0x4: {  	s4 =	srdreg.scid;
	s3 =	simm.s32 $0x0;
	s26 =	smul.u32 $0x64000, s1  }
0x5: {  	s7 =	sand.u32 $0x1, s4;
	[smem:$0x7FF] =	sst s3;
	s11 =	smul.u32 $0x61C00, s1  }
0x6: {  	s4 =	sadd.s32 $0x52400, s6;
	s30 =	sshll.u32 s1, $0x6;
	s8 =	smul.u32 $0x30E00, s7  }
0x7: {  	_ =	strace $0x8000004A;
	s7 =	ssub.s32 $0x2, s7;
	s10 =	sadd.s32 s5, s6  }
0x8: {  	s5 =	sadd.s32 $0x55600, s6;
	s28 =	sshrl.u32 s7, $0x1;
	s29 =	sshrl.u32 s26, $0x2  }
0x9: {  	s31 =	sshrl.u32 s11, $0x2;
	s11 =	simm.s32 $0x1;
	s8 =	sadd.s32 s9, s8  }
0xa: {  	s12 =	ssub.s32 s7, s28;
	s13 =	sadd.s32 s29, s2;
	s14 =	sadd.s32 s31, s2  }
0xb: {  	s9 =	sadd.s32 $0x3E800, s10;
	s8 =	sadd.s32 s8, s6;
	s6 =	sor.u32 $0x1C01, s30  }
0xc: {  	s10 =	sshrl.u32 s13, $0x3;
	s13 =	sshrl.u32 s14, $0x3;
	s14 =	simm.s32 $0x0  }
0xd: {  	s7 =	sadd.s32 $0xCAE00, s8;
	s8 =	smax.u32 s12, $0x1;
	s12 =	simm.s32 $0x80  }
.LBB2_1:
0xe: {  	[spmem:s10], [sflag:s6] =	dma.local [hbm:s4], $0x3200  }
0xf: {  	_ =	swait.ge [sflag:s11], $0x3200  }
0x10: {  	[sflag:s11] =	ssyncset.done $0x0  }
0x11: {  	[sflag:s11] =	ssyncadd.s32 $0xFFFFCE00  }
0x12: {  	[tilespmem:s12], [sflag:$0x1] =	stream.linear.gather [hbm4b:s5+s3], $0x1000, $0x38;
	[tilespmem:$0x1A080] =	vst v63  }
0x13: {  	_ =	swait.ge [sflag:s11], $0x1000  }
0x14: {  	[sflag:s11] =	ssyncset.done $0x0  }
0x15: {  	[sflag:s11] =	ssyncadd.s32 $0xFFFFF000  }
0x16: {  	s15 =	sadd.s32 $0x0, s9;
	[bflag:$0x0] =	sbarrier.arrive $0xFFFF  }
0x17: {  	[tilespmem:s3], [sflag:$0x1] =	stream.linear.gather [hbm4b:s15+s3], $0x80, $0x38;
	[tilespmem:$0x1A080] =	vst v63  }
0x18: {  	_ =	swait.ge [sflag:s11], $0x80  }
0x19: {  	[sflag:s11] =	ssyncset.done $0x0  }
0x1a: {  	[sflag:s11] =	ssyncadd.s32 $0xFFFFFF80  }
0x1b: {  	[spmem:s2] =	stream.indirect.scatter.add.f32 [tilespmem:s12], [sflag:$0x1], $0x20, s3, s12, $0xb8;
	[tilespmem:$0x1A080] =	vst v63  }
0x1c: {  	_ =	swait.ge [sflag:s11], $0x1000  }
0x1d: {  	s16 =	simm.s32 $0x20;
	s15 =	simm.s32 $0x10;
	[sflag:s11] =	ssyncset.done $0x0  }
.LBB2_2:
0x1e: {  	s17 =	sadd.s32 s15, s9  }
0x1f: {  	[sflag:s11] =	ssyncadd.s32 $0xFFFFF000;
	s15 =	smov.u32 s16;
	s18 =	sadd.s32 $0x10, s16  }
0x20: {  	[tilespmem:s3], [sflag:$0x1] =	stream.linear.gather [hbm4b:s17+s3], $0x80, $0x38;
	[tilespmem:$0x1A080] =	vst v63  }
0x21: {  	p0 =	sne.s32 s16, $0x9D0;
	_ =	swait.ge [sflag:s11], $0x80  }
.Ltmp0:
0x22: {  	[sflag:s11] =	ssyncset.done $0x0;
	(pc) =	sbr.rel @p0 .LBB2_2-.Ltmp0, $4  }
0x23: {  	[sflag:s11] =	ssyncadd.s32 $0xFFFFFF80  }
0x24: {  	[spmem:s2] =	stream.indirect.scatter.add.f32 [tilespmem:s12], [sflag:$0x1], $0x20, s3, s12, $0xb8;
	[tilespmem:$0x1A080] =	vst v63  }
0x25: {  	_ =	swait.ge [sflag:s11], $0x1000  }
0x26: {  	s16 =	smov.u32 s18;
	[sflag:s11] =	ssyncset.done $0x0  }
0x27: {  	s15 =	sadd.s32 s15, s9;
	[sflag:s11] =	ssyncadd.s32 $0xFFFFF000  }
0x28: {  	[tilespmem:s3], [sflag:$0x1] =	stream.linear.gather [hbm4b:s15+s3], $0x80, $0x38;
	[tilespmem:$0x1A080] =	vst v63  }
0x29: {  	_ =	swait.ge [sflag:s11], $0x80  }
0x2a: {  	[sflag:s11] =	ssyncset.done $0x0  }
0x2b: {  	[sflag:s11] =	ssyncadd.s32 $0xFFFFFF80  }
0x2c: {  	[spmem:s2] =	stream.indirect.scatter.add.f32 [tilespmem:s12], [sflag:$0x1], $0x20, s3, s12, $0xb8;
	[tilespmem:$0x1A080] =	vst v63  }
0x2d: {  	_ =	swait.ge [sflag:s11], $0x1000  }
0x2e: {  	s14 =	sadd.s32 $0x1, s14;
	[sflag:s11] =	ssyncset.done $0x0  }
0x2f: {  	p0 =	sne.s32 s14, s8;
	[sflag:s11] =	ssyncadd.s32 $0xFFFFF000  }
.Ltmp1:
0x30: {  	[bflag:$0x0] =	sbarrier.arrive $0xFFFF;
	(pc) =	sbr.rel @p0 .LBB2_1-.Ltmp1, $4  }
0x31: {  	[hbm:s7], [sflag:s6] =	dma.local [spmem:s13], $0x30E0  }
0x32: {  	_ =	swait.ge [sflag:s11], $0x30E0  }
0x33: {  	[sflag:s11] =	ssyncset.done $0x0  }
0x34: {  	[sflag:s11] =	ssyncadd.s32 $0xFFFFCF20  }
0x35: {  	_ =	sfence.sel $0x180000  }
0x36: {  	[bflag:$0x0] =	sbarrier.arrive $0xFFFF  }
0x37: {  	p0 =	sne.s32 s1, $0x0;
	_ =	strace $0x9000004A  }
0x38: {  	s0 =	sadd.s32 @!p0 $0x100000, s0;
	[bflag:$0x2] =	sbarrier.arrive $0xFFFF  }
0x39: {  	[sflag:s0] =	ssyncadd.tile.s32 @!p0 $0x1;
	_ =	shalt  }
.Lfunc_end2:
_tile_overlayer_lowered:
.L_overlay_start_2:
0x3a: {  	(tag) =	ssettag $0x2  }
0x3b: {  	s0 =	rddreg [dreg:$0x0];
	s2 =	stileid.u32  }
0x3c: {  	s1 =	rddreg [dreg:$0x1];
	p0 =	sne.s32 s2, $0x0  }
0x3d: {  	s3 =	rddreg [dreg:$0x2];
	[bflag:$0x3] =	sbarrier.arrive $0xFFFF;
	s2 =	simm.s32 @!p0 $0x1C01  }
0x3e: {  	[timem:s3], [sflag:s2] =	dma.local @!p0 [hbm:s0], s1  }
0x3f: {  	s0 =	simm.s32 @!p0 $0x1  }
0x40: {  	_ =	swait.ge @!p0 [sflag:s0], s1  }
0x41: {  	s1 =	ssub.s32 @!p0 $0x0, s1;
	[sflag:s0] =	ssyncset.done @!p0 $0x0  }
0x42: {  	[sflag:s0] =	ssyncadd.s32 @!p0 s1  }
0x43: {  	[bflag:$0x3] =	sbarrier.arrive $0xFFFF  }
0x44: {  	_ =	shalt  }

// kernel: kernel.20.cloned.1.call-start
scs
__scs_entry_jumppad:
0x0: {  	(pc) =	sbr.rel $0x88, $3  }
0x1: {  	(tag) =	ssettag $0x0;
	lr =	simm.s32 $0x1  }
0x2: {  	[smem:$0x3F90] =	sst lr;
	_ =	strace $0xD0000000  }
0x3: {  	_ = 	snop  }
0x4: {  	_ = 	snop  }
0x5: {  	_ = 	snop  }
0x6: {  	_ = 	snop  }
0x7: {  	_ = 	snop  }
__scs_overlays_trampoline_lowered:
0x8: {  	[smem:$0x3F9F] =	sst s0  }
0x9: {  	[smem:$0x3FA0] =	sst s1  }
0xa: {  	[smem:$0x3FA1] =	sst s2  }
0xb: {  	[smem:$0x3FA2] =	sst s3  }
0xc: {  	[smem:$0x3FA3] =	sst s4  }
0xd: {  	[smem:$0x3FA4] =	sst s5  }
0xe: {  	[smem:$0x3FA5] =	sst s6  }
0xf: {  	[smem:$0x3FA6] =	sst s7  }
0x10: {  	[smem:$0x3FA7] =	sst s8  }
0x11: {  	[smem:$0x3FA8] =	sst s9;
	s0 =	simm.s32 @!p0 $0x0  }
0x12: {  	s1 =	sld [smem:$0x3F8E];
	s0 =	simm.s32 @p0 $0x1  }
0x13: {  	[smem:$0x3FA9] =	sst s0;
	s0 =	simm.s32 @!p1 $0x0  }
0x14: {  	s2 =	sld [smem:$0x3F8D];
	s0 =	simm.s32 @p1 $0x1  }
0x15: {  	[smem:$0x3FAA] =	sst s0;
	s0 =	simm.s32 @!p2 $0x0  }
0x16: {  	s3 =	sld [smem:$0x3FDB];
	s0 =	simm.s32 @p2 $0x1  }
0x17: {  	s4 =	simm.s32 $0x1BF5;
	[smem:$0x3FAC] =	sst s0  }
0x18: {  	s0 =	sld [smem:$0x3F8F];
	_ =	swait.ge [sflag:s4], $0x0  }
0x19: {  	s7 =	sld [smem:$0x3F90]  }
0x1a: {  	s8 =	sadd.s32 $0xFFFFE003, lr  }
0x1b: {  	s9 =	sadd.s32 $0xFFFFFEF7, lr;
	s5 =	simm.s32 $0xFFFFFFFF;
	p2 =	slt.u32 s8, $0xFFFFF086  }
0x1c: {  	p1 =	slt.u32 s9, $0xF7A;
	s5 =	simm.s32 @!p2 $0x0  }
0x1d: {  	s5 =	simm.s32 @p1 $0x1;
	p0 =	seq.s32 s7, s2  }
0x1e: {  	s7 =	smul.u32 @!p0 $0xF7A, s2;
	p2 =	seq.s32 @!p0 s5, $0x0  }
0x1f: {  	s9 =	smul.u32 $0xF7A, s1;
	s8 =	simm.s32 @!p0 $0x1BF5;
	p2 =	por !p2, p0  }
0x20: {  	[sflag:s8] =	ssyncset.s32 @!p0 $0xFFFFF086;
	s6 =	sadd.s32 @!p0 s3, s7;
	s7 =	simm.s32 @!p0 $0x108  }
0x21: {  	s3 =	sadd.s32 s3, s9;
	s6 =	sadd.s32 @!p0 $0x88, s6;
	s7 =	simm.s32 @p2 $0x1082  }
0x22: {  	[simem:s7], [sflag:s8] =	dma.local @!p0 [hbm:s6], $0xF7A  }
0x23: {  	s9 =	sor.u32 $0xD0000000, s2;
	s6 =	simm.s32 $0x108;
	_ =	swait.ge @!p0 [sflag:s8], $0x0  }
0x24: {  	s3 =	sadd.s32 $0x88, s3;
	s6 =	simm.s32 @!p1 $0x1082;
	[sflag:s4] =	ssyncset.s32 $0xFFFFF086  }
0x25: {  	[simem:s6], [sflag:s4] =	dma.local [hbm:s3], $0xF7A  }
0x26: {  	[smem:$0x3F90] =	sst s1;
	(tag) =	ssettag s2;
	_ =	strace s9  }
0x27: {  	s1 =	sld [smem:$0x3FA0]  }
0x28: {  	s2 =	sld [smem:$0x3FA1]  }
0x29: {  	s4 =	sld [smem:$0x3FA3]  }
0x2a: {  	p0 =	seq.s32 s5, $0x0;
	s5 =	sld [smem:$0x3FA4]  }
0x2b: {  	s6 =	sld [smem:$0x3FA5]  }
0x2c: {  	s7 =	sld [smem:$0x3FA6]  }
0x2d: {  	s3 =	simm.s32 $0x108;
	s8 =	sld [smem:$0x3FA7]  }
0x2e: {  	s3 =	simm.s32 @!p0 $0x1082;
	s9 =	sld [smem:$0x3FA8]  }
0x2f: {  	lr =	sadd.s32 s0, s3;
	s0 =	sld [smem:$0x3F9F]  }
0x30: {  	s3 =	sld [smem:$0x3FA2]  }
0x31: {  	[smem:$0x3FAB] =	sst s10  }
0x32: {  	s10 =	sld [smem:$0x3FA9];
	_ =	sdelay $0x3  }
0x33: {  	p0 =	seq.s32 s10, $0x1;
	s10 =	sld [smem:$0x3FAB];
	_ =	sdelay $0x3  }
0x34: {  	[smem:$0x3FAB] =	sst s10  }
0x35: {  	s10 =	sld [smem:$0x3FAA];
	_ =	sdelay $0x3  }
0x36: {  	p1 =	seq.s32 s10, $0x1;
	s10 =	sld [smem:$0x3FAB];
	_ =	sdelay $0x3  }
0x37: {  	[smem:$0x3FAB] =	sst s10  }
0x38: {  	s10 =	sld [smem:$0x3FAC]  }
0x39: {  	_ = 	snop;
	(pc) =	sbr.ind lr, $3  }
0x3a: {  	_ = 	snop  }
0x3b: {  	_ = 	snop  }
0x3c: {  	p2 =	seq.s32 s10, $0x1;
	s10 =	sld [smem:$0x3FAB]  }
0x3d: {  	_ =	shalt  }
0x3e: {  	_ =	shalt  }
0x3f: {  	_ =	shalt  }
0x40: {  	_ =	shalt  }
0x41: {  	_ =	shalt  }
0x42: {  	_ =	shalt  }
0x43: {  	_ =	shalt  }
0x44: {  	_ =	shalt  }
0x45: {  	_ =	shalt  }
0x46: {  	_ =	shalt  }
0x47: {  	_ =	shalt  }
0x48: {  	_ =	shalt  }
0x49: {  	_ =	shalt  }
0x4a: {  	_ =	shalt  }
0x4b: {  	_ =	shalt  }
0x4c: {  	_ =	shalt  }
0x4d: {  	_ =	shalt  }
0x4e: {  	_ =	shalt  }
0x4f: {  	_ =	shalt  }
0x50: {  	_ =	shalt  }
0x51: {  	_ =	shalt  }
0x52: {  	_ =	shalt  }
0x53: {  	_ =	shalt  }
0x54: {  	_ =	shalt  }
0x55: {  	_ =	shalt  }
0x56: {  	_ =	shalt  }
0x57: {  	_ =	shalt  }
0x58: {  	_ =	shalt  }
0x59: {  	_ =	shalt  }
0x5a: {  	_ =	shalt  }
0x5b: {  	_ =	shalt  }
0x5c: {  	_ =	shalt  }
0x5d: {  	_ =	shalt  }
0x5e: {  	_ =	shalt  }
0x5f: {  	_ =	shalt  }
0x60: {  	_ =	shalt  }
0x61: {  	_ =	shalt  }
0x62: {  	_ =	shalt  }
0x63: {  	_ =	shalt  }
0x64: {  	_ =	shalt  }
0x65: {  	_ =	shalt  }
0x66: {  	_ =	shalt  }
0x67: {  	_ =	shalt  }
0x68: {  	_ =	shalt  }
0x69: {  	_ =	shalt  }
0x6a: {  	_ =	shalt  }
0x6b: {  	_ =	shalt  }
0x6c: {  	_ =	shalt  }
0x6d: {  	_ =	shalt  }
0x6e: {  	_ =	shalt  }
0x6f: {  	_ =	shalt  }
0x70: {  	_ =	shalt  }
0x71: {  	_ =	shalt  }
0x72: {  	_ =	shalt  }
0x73: {  	_ =	shalt  }
0x74: {  	_ =	shalt  }
0x75: {  	_ =	shalt  }
0x76: {  	_ =	shalt  }
0x77: {  	_ =	shalt  }
0x78: {  	_ =	shalt  }
0x79: {  	_ =	shalt  }
0x7a: {  	_ =	shalt  }
0x7b: {  	_ =	shalt  }
0x7c: {  	_ =	shalt  }
0x7d: {  	_ =	shalt  }
0x7e: {  	_ =	shalt  }
0x7f: {  	_ =	shalt  }
0x80: {  	_ =	shalt  }
0x81: {  	_ =	shalt  }
0x82: {  	_ =	shalt  }
0x83: {  	_ =	shalt  }
0x84: {  	_ =	shalt  }
0x85: {  	_ =	shalt  }
0x86: {  	_ =	shalt  }
0x87: {  	_ =	shalt  }
.Lfunc_end0:
.L_simem_size_0:
called_computation.1_lowered:
.L_overlay_start_0:
0x88: {  	s2 =	sld [smem:$0x3FD9]  }
0x89: {  	s3 =	sld [smem:$0x3FFE];
	_ =	sdelay $0x1  }
0x8a: {  	s1 =	srdreg.scid  }
0x8b: {  	s0 =	sand.u32 $0x1, s1  }
0x8c: {  	s16 =	sshll.u32 s0, $0xA;
	s2 =	sadd.s32 s3, s2  }
0x8d: {  	s2 =	sadd.s32 s2, s16  }
0x8e: {  	[smem:$0x3FB7] =	sst s2  }
0x8f: {  	_ = 	snop  }
0x90: {  	(tm) =	ssettm $0x1  }
0x91: {  	s17 =	sld [smem:$0x3FFB];
	_ =	sdelay $0x3  }
0x92: {  	_ =	strace s17  }
0x93: {  	s2 =	sld [smem:$0x3FFC];
	_ =	sdelay $0x3  }
0x94: {  	_ =	strace s2  }
0x95: {  	s2 =	sld [smem:$0x3FFD];
	_ =	sdelay $0x3  }
0x96: {  	_ =	strace s2  }
0x97: {  	_ =	strace $0x8FFFFFFF  }
0x98: {  	s18 =	sld [smem:$0x3FDB];
	_ =	sdelay $0x1  }
0x99: {  	s19 =	simm.s32 $_scs_section_size  }
0x9a: {  	s4 =	simm.s32 $_size__tile_overlayer_lowered;
	s5 =	simm.s32 $_tile_overlayer_lowered  }
0x9b: {  	s22 =	simm.s32 $0x1BFF;
	s21 =	sshll.u32 s5, $0x1;
	s2 =	sadd.s32 s19, s18  }
0x9c: {  	s6 =	simm.s32 $0x0;
	s20 =	sshll.u32 s4, $0x1;
	s4 =	sadd.s32 s21, s2  }
0x9d: {  	[timem:s6], [sflag:s22] =	dma.local [hbm:s4], s20  }
0x9e: {  	_ =	swait.ge [sflag:s22], s20  }
0x9f: {  	s3 =	ssub.s32 $0x0, s20;
	[sflag:s22] =	ssyncset.done $0x0  }
0xa0: {  	[sflag:s22] =	ssyncadd.s32 s3;
	_ =	sdelay $0x1  }
0xa1: {  	s23 =	simm.s32 $0x1B8B  }
0xa2: {  	_ =	swait.ge [sflag:s23], $0x1  }
0xa3: {  	[sflag:s23] =	ssyncset.done $0x0  }
0xa4: {  	s25 =	simm.s32 $0x1B8E;
	s24 =	sld [smem:$0x3FFE];
	[sflag:s23] =	ssyncadd.s32 $0xFFFFFFFF  }
0xa5: {  	s26 =	simm.s32 $execute0_lowered;
	[smem:$0x3FD2] =	sst s25  }
0xa6: {  	s4 =	sshll.u32 s26, $0x1;
	_ =	strace $0x80000046;
	[dreg:$0x1] =	wrdreg $0xFFFFFFFF  }
0xa7: {  	s28 =	simm.s32 $_size_execute0_lowered;
	s2 =	sadd.s32 s2, s4;
	[dreg:$0x0] =	wrdreg $0x0  }
0xa8: {  	s4 =	sshll.u32 s28, $0x1;
	[dreg:$0x2] =	wrdreg s2  }
0xa9: {  	[dreg:$0x3] =	wrdreg s4  }
0xaa: {  	[dreg:$0x4] =	wrdreg $0xC0  }
0xab: {  	_ =	task [dreg:s6], $0x5FFFF  }
0xac: {  	[dreg:$0x1] =	wrdreg $0xFFFFFFFF  }
0xad: {  	[dreg:$0x0] =	wrdreg $0x60  }
0xae: {  	[dreg:$0x2] =	wrdreg s24  }
0xaf: {  	[dreg:$0x3] =	wrdreg $0x11000  }
0xb0: {  	[dreg:$0x4] =	wrdreg $0xA  }
0xb1: {  	_ =	task.clear_ibuf [dreg:s6], $0x5FFFF;
	_ =	strace $0x90000046  }
0xb2: {  	s29 =	simm.s32 $0xA;
	_ =	strace $0x80000048  }
0xb3: {  	_ =	swait.ge [sflag:s29], $0x1  }
0xb4: {  	[sflag:s29] =	ssyncadd.s32 $0xFFFFFFFF  }
0xb5: {  	_ =	strace $0x90000048  }
0xb6: {  	_ =	sfence  }
0xb7: {  	s30 =	sld [smem:$0x0];
	_ =	sdelay $0x2  }
0xb8: {  	s31 =	sshll.u32 s1, $0xD;
	s1 =	sshrl.u32 s1, $0x2  }
0xb9: {  	s3 =	sand.u32 $0x4000, s31;
	s1 =	sadd.s32 s1, s30  }
0xba: {  	s0 =	sor.u32 s3, s0;
	s1 =	sshll.u32 s1, $0x11  }
0xbb: {  	s0 =	sor.u32 s1, s0  }
0xbc: {  	s0 =	sadd.s32 $0x8F2B, s0  }
0xbd: {  	[sflag:s0] =	ssyncadd.remote.s32 $0x1  }
0xbe: {  	_ =	sfence.sel $0xFFFF  }
0xbf: {  	[dreg:$0x0] =	wrdreg $0xFFFFFFFF;
	(pc) =	sbr.abs _section_cstart, $3  }
0xc0: {  	[dreg:$0x1] =	wrdreg $0xFFFFFFFF  }
0xc1: {  	_ =	task.clear_ibuf [dreg:s6], $0x2FFFF;
	_ =	strace $0x9FFFFFFF  }
0xc2: {  	(tm) =	ssettm $0x7FFFFFFF  }
0xc3: {  	_ =	shalt  }
tec
execute0_lowered:
.L_overlay_start_1:
0x0: {  	(tag) =	ssettag $0x1  }
0x1: {  	s6 =	rddreg [dreg:$0x0];
	s0 =	stileid.u32  }
0x2: {  	s1 =	srdreg.scid;
	s2 =	rddreg [dreg:$0x1]  }
0x3: {  	s3 =	simm.s32 $0x0;
	s14 =	simm.s32 $0x100;
	s5 =	smul.u32 $0x9E0, s0  }
0x4: {  	s7 =	sand.u32 $0x1, s1;
	s1 =	rddreg [dreg:$0x2];
	s9 =	smul.u32 $0x30E0, s0  }
0x5: {  	s17 =	simm.s32 $0x0;
	[smem:$0x7FF] =	sst s3;
	s28 =	smul.u32 $0x64000, s0  }
0x6: {  	s4 =	sadd.s32 $0x2AE00, s6;
	s12 =	smul.u32 $0x61C00, s0;
	s30 =	sshll.u32 s0, $0x6  }
0x7: {  	s8 =	smul.u32 $0x30E00, s7;
	_ =	strace $0x80000047;
	s29 =	ssub.s32 $0x2, s7  }
0x8: {  	s15 =	smul.u32 $0x2710, s7;
	s10 =	sadd.s32 s5, s6;
	s5 =	sadd.s32 $0x52400, s6  }
0x9: {  	s11 =	sshrl.u32 s29, $0x1;
	s31 =	sshrl.u32 s12, $0x2;
	s12 =	simm.s32 $0x2  }
0xa: {  	s8 =	sadd.s32 s9, s8;
	s9 =	sshrl.u32 s28, $0x2;
	s11 =	ssub.s32 s29, s11  }
0xb: {  	s16 =	sadd.s32 s31, s2;
	v0 =	vmov s15;
	s15 =	simm.s32 $0x1;
	s8 =	sadd.s32 s8, s6  }
0xc: {  	s13 =	sadd.s32 s9, s2;
	s6 =	sor.u32 $0x1C02, s30;
	s9 =	sadd.s32 $0x48600, s10  }
0xd: {  	s10 =	sadd.s32 $0x3E800, s10;
	s16 =	sshrl.u32 s16, $0x3;
	s7 =	sadd.s32 $0x55800, s8  }
0xe: {  	s8 =	smax.u32 s11, $0x1;
	s11 =	sshrl.u32 s13, $0x3;
	s13 =	simm.s32 $0x80  }
.LBB2_1:
0xf: {  	[spmem:s11], [sflag:s6] =	dma.local [hbm:s5], $0x3200  }
0x10: {  	_ =	swait.ge [sflag:s12], $0x3200  }
0x11: {  	[sflag:s12] =	ssyncset.done $0x0  }
0x12: {  	[sflag:s12] =	ssyncadd.s32 $0xFFFFCE00  }
0x13: {  	s18 =	sadd.s32 $0x0, s10;
	[bflag:$0x0] =	sbarrier.arrive $0xFFFF  }
0x14: {  	[tilespmem:s13], [sflag:$0x2] =	stream.linear.gather [hbm4b:s18+s3], $0x80, $0x38;
	[tilespmem:$0x1A100] =	vst v63  }
0x15: {  	_ =	swait.ge [sflag:s12], $0x80  }
0x16: {  	[sflag:s12] =	ssyncset.done $0x0  }
0x17: {  	s31 =	sadd.s32 $0x0, s9;
	[sflag:s12] =	ssyncadd.s32 $0xFFFFFF80  }
0x18: {  	[tilespmem:s3], [sflag:$0x2] =	stream.linear.gather [hbm4b:s31+s3], $0x80, $0x38;
	[tilespmem:$0x1A100] =	vst v63  }
0x19: {  	_ =	swait.ge [sflag:s12], $0x80  }
0x1a: {  	[sflag:s12] =	ssyncset.done $0x0  }
0x1b: {  	[sflag:s12] =	ssyncadd.s32 $0xFFFFFF80  }
0x1c: {  	v1 =	vld [tilespmem:$0x70]  }
0x1d: {  	v2 =	vld [tilespmem:$0x30]  }
0x1e: {  	v3 =	vld [tilespmem:$0x50]  }
0x1f: {  	v5 =	vld [tilespmem:$0x20]  }
0x20: {  	v4 =	vld [tilespmem:$0x60]  }
0x21: {  	v6 =	vld [tilespmem:$0x10];
	v1 =	vadd.s32 v0, v1  }
0x22: {  	v7 =	vld [tilespmem:$0x40];
	v2 =	vadd.s32 v0, v2;
	[tilespmem:$0x70] =	vst v1  }
0x23: {  	v1 =	vld [tilespmem:$0x0];
	[tilespmem:$0x30] =	vst v2;
	v2 =	vadd.s32 v0, v3  }
0x24: {  	v3 =	vadd.s32 v0, v5;
	[tilespmem:$0x50] =	vst v2  }
0x25: {  	v2 =	vadd.s32 v0, v4;
	[tilespmem:$0x20] =	vst v3  }
0x26: {  	[tilespmem:$0x60] =	vst v2;
	v2 =	vadd.s32 v0, v6  }
0x27: {  	[tilespmem:$0x10] =	vst v2;
	v2 =	vadd.s32 v0, v7  }
0x28: {  	[tilespmem:$0x40] =	vst v2;
	v1 =	vadd.s32 v0, v1  }
0x29: {  	s18 =	simm.s32 $0x10;
	[tilespmem:$0x0] =	vst v1  }
.LBB2_2:
0x2a: {  	[tilespmem:s14], [sflag:$0x1] =	stream.indirect.gather [hbm4b:s4+s13], $0x20, s3, s13, $0xb8;
	[tilespmem:$0x1A100] =	vst v63  }
0x2b: {  	s19 =	smov.u32 s18  }
0x2c: {  	p0 =	sne.s32 s18, $0x9D0;
	s18 =	sadd.s32 $0x10, s18;
	_ =	swait.ge [sflag:s15], $0x1000  }
0x2d: {  	[sflag:s15] =	ssyncset.done $0x0  }
0x2e: {  	[sflag:s15] =	ssyncadd.s32 $0xFFFFF000  }
0x2f: {  	[spmem:s2] =	stream.indirect.scatter.add.f32 [tilespmem:s14], [sflag:$0x2], $0x20, s13, s13, $0xb8;
	[tilespmem:$0x1A100] =	vst v63  }
0x30: {  	_ =	swait.ge [sflag:s12], $0x1000  }
0x31: {  	[sflag:s12] =	ssyncset.done $0x0  }
0x32: {  	s20 =	sadd.s32 s19, s10;
	[sflag:s12] =	ssyncadd.s32 $0xFFFFF000  }
0x33: {  	[tilespmem:s13], [sflag:$0x2] =	stream.linear.gather [hbm4b:s20+s3], $0x80, $0x38;
	[tilespmem:$0x1A100] =	vst v63  }
0x34: {  	_ =	swait.ge [sflag:s12], $0x80  }
0x35: {  	[sflag:s12] =	ssyncset.done $0x0  }
0x36: {  	s19 =	sadd.s32 s19, s9;
	[sflag:s12] =	ssyncadd.s32 $0xFFFFFF80  }
0x37: {  	[tilespmem:s3], [sflag:$0x2] =	stream.linear.gather [hbm4b:s19+s3], $0x80, $0x38;
	[tilespmem:$0x1A100] =	vst v63  }
0x38: {  	_ =	swait.ge [sflag:s12], $0x80  }
0x39: {  	[sflag:s12] =	ssyncset.done $0x0  }
0x3a: {  	[sflag:s12] =	ssyncadd.s32 $0xFFFFFF80  }
0x3b: {  	v1 =	vld [tilespmem:$0x70]  }
0x3c: {  	v2 =	vld [tilespmem:$0x30]  }
0x3d: {  	v3 =	vld [tilespmem:$0x50]  }
0x3e: {  	v4 =	vld [tilespmem:$0x60]  }
0x3f: {  	v5 =	vld [tilespmem:$0x20]  }
0x40: {  	v6 =	vld [tilespmem:$0x10];
	v1 =	vadd.s32 v0, v1  }
0x41: {  	v2 =	vadd.s32 v0, v2;
	v7 =	vld [tilespmem:$0x40];
	[tilespmem:$0x70] =	vst v1  }
0x42: {  	v1 =	vld [tilespmem:$0x0];
	[tilespmem:$0x30] =	vst v2;
	v2 =	vadd.s32 v0, v3  }
0x43: {  	[tilespmem:$0x50] =	vst v2;
	v2 =	vadd.s32 v0, v4  }
.Ltmp0:
0x44: {  	v3 =	vadd.s32 v0, v5;
	[tilespmem:$0x60] =	vst v2;
	(pc) =	sbr.rel @p0 .LBB2_2-.Ltmp0, $4  }
0x45: {  	v2 =	vadd.s32 v0, v6;
	[tilespmem:$0x20] =	vst v3  }
0x46: {  	[tilespmem:$0x10] =	vst v2;
	v2 =	vadd.s32 v0, v7  }
0x47: {  	v1 =	vadd.s32 v0, v1;
	[tilespmem:$0x40] =	vst v2  }
0x48: {  	[tilespmem:$0x0] =	vst v1  }
0x49: {  	[tilespmem:s14], [sflag:$0x1] =	stream.indirect.gather [hbm4b:s4+s13], $0x20, s3, s13, $0xb8;
	[tilespmem:$0x1A100] =	vst v63  }
0x4a: {  	_ =	swait.ge [sflag:s15], $0x1000  }
0x4b: {  	[sflag:s15] =	ssyncset.done $0x0  }
0x4c: {  	[sflag:s15] =	ssyncadd.s32 $0xFFFFF000  }
0x4d: {  	[spmem:s2] =	stream.indirect.scatter.add.f32 [tilespmem:s14], [sflag:$0x2], $0x20, s13, s13, $0xb8;
	[tilespmem:$0x1A100] =	vst v63  }
0x4e: {  	_ =	swait.ge [sflag:s12], $0x1000  }
0x4f: {  	s17 =	sadd.s32 $0x1, s17;
	[sflag:s12] =	ssyncset.done $0x0  }
0x50: {  	p0 =	sne.s32 s17, s8;
	[sflag:s12] =	ssyncadd.s32 $0xFFFFF000  }
.Ltmp1:
0x51: {  	[bflag:$0x0] =	sbarrier.arrive $0xFFFF;
	(pc) =	sbr.rel @p0 .LBB2_1-.Ltmp1, $4  }
0x52: {  	[hbm:s7], [sflag:s6] =	dma.local [spmem:s16], $0x30E0  }
0x53: {  	_ =	swait.ge [sflag:s12], $0x30E0  }
0x54: {  	[sflag:s12] =	ssyncset.done $0x0  }
0x55: {  	[sflag:s12] =	ssyncadd.s32 $0xFFFFCF20  }
0x56: {  	_ =	sfence.sel $0x180000  }
0x57: {  	[bflag:$0x0] =	sbarrier.arrive $0xFFFF  }
0x58: {  	p0 =	sne.s32 s0, $0x0;
	_ =	strace $0x90000047  }
0x59: {  	s0 =	sadd.s32 @!p0 $0x100000, s1;
	[bflag:$0x2] =	sbarrier.arrive $0xFFFF  }
0x5a: {  	[sflag:s0] =	ssyncadd.tile.s32 @!p0 $0x1;
	_ =	shalt  }
.Lfunc_end2:
_tile_overlayer_lowered:
.L_overlay_start_2:
0x5b: {  	(tag) =	ssettag $0x2  }
0x5c: {  	s0 =	rddreg [dreg:$0x0];
	s2 =	stileid.u32  }
0x5d: {  	s1 =	rddreg [dreg:$0x1];
	p0 =	sne.s32 s2, $0x0  }
0x5e: {  	s3 =	rddreg [dreg:$0x2];
	[bflag:$0x3] =	sbarrier.arrive $0xFFFF;
	s2 =	simm.s32 @!p0 $0x1C02  }
0x5f: {  	[timem:s3], [sflag:s2] =	dma.local @!p0 [hbm:s0], s1  }
0x60: {  	s0 =	simm.s32 @!p0 $0x2  }
0x61: {  	_ =	swait.ge @!p0 [sflag:s0], s1  }
0x62: {  	s1 =	ssub.s32 @!p0 $0x0, s1;
	[sflag:s0] =	ssyncset.done @!p0 $0x0  }
0x63: {  	[sflag:s0] =	ssyncadd.s32 @!p0 s1  }
0x64: {  	[bflag:$0x3] =	sbarrier.arrive $0xFFFF  }
0x65: {  	_ =	shalt  }

// kernel: kernel.23.cloned.1.call-start
scs
__scs_entry_jumppad:
0x0: {  	(pc) =	sbr.rel $0x88, $3  }
0x1: {  	(tag) =	ssettag $0x0;
	lr =	simm.s32 $0x1  }
0x2: {  	[smem:$0x3F90] =	sst lr;
	_ =	strace $0xD0000000  }
0x3: {  	_ = 	snop  }
0x4: {  	_ = 	snop  }
0x5: {  	_ = 	snop  }
0x6: {  	_ = 	snop  }
0x7: {  	_ = 	snop  }
__scs_overlays_trampoline_lowered:
0x8: {  	[smem:$0x3F9F] =	sst s0  }
0x9: {  	[smem:$0x3FA0] =	sst s1  }
0xa: {  	[smem:$0x3FA1] =	sst s2  }
0xb: {  	[smem:$0x3FA2] =	sst s3  }
0xc: {  	[smem:$0x3FA3] =	sst s4  }
0xd: {  	[smem:$0x3FA4] =	sst s5  }
0xe: {  	[smem:$0x3FA5] =	sst s6  }
0xf: {  	[smem:$0x3FA6] =	sst s7  }
0x10: {  	[smem:$0x3FA7] =	sst s8  }
0x11: {  	[smem:$0x3FA8] =	sst s9;
	s0 =	simm.s32 @!p0 $0x0  }
0x12: {  	s1 =	sld [smem:$0x3F8E];
	s0 =	simm.s32 @p0 $0x1  }
0x13: {  	[smem:$0x3FA9] =	sst s0;
	s0 =	simm.s32 @!p1 $0x0  }
0x14: {  	s2 =	sld [smem:$0x3F8D];
	s0 =	simm.s32 @p1 $0x1  }
0x15: {  	[smem:$0x3FAA] =	sst s0;
	s0 =	simm.s32 @!p2 $0x0  }
0x16: {  	s3 =	sld [smem:$0x3FDB];
	s0 =	simm.s32 @p2 $0x1  }
0x17: {  	s4 =	simm.s32 $0x1BF5;
	[smem:$0x3FAC] =	sst s0  }
0x18: {  	s0 =	sld [smem:$0x3F8F];
	_ =	swait.ge [sflag:s4], $0x0  }
0x19: {  	s7 =	sld [smem:$0x3F90]  }
0x1a: {  	s8 =	sadd.s32 $0xFFFFE003, lr  }
0x1b: {  	s9 =	sadd.s32 $0xFFFFFEF7, lr;
	s5 =	simm.s32 $0xFFFFFFFF;
	p2 =	slt.u32 s8, $0xFFFFF086  }
0x1c: {  	p1 =	slt.u32 s9, $0xF7A;
	s5 =	simm.s32 @!p2 $0x0  }
0x1d: {  	s5 =	simm.s32 @p1 $0x1;
	p0 =	seq.s32 s7, s2  }
0x1e: {  	s7 =	smul.u32 @!p0 $0xF7A, s2;
	p2 =	seq.s32 @!p0 s5, $0x0  }
0x1f: {  	s9 =	smul.u32 $0xF7A, s1;
	s8 =	simm.s32 @!p0 $0x1BF5;
	p2 =	por !p2, p0  }
0x20: {  	[sflag:s8] =	ssyncset.s32 @!p0 $0xFFFFF086;
	s6 =	sadd.s32 @!p0 s3, s7;
	s7 =	simm.s32 @!p0 $0x108  }
0x21: {  	s3 =	sadd.s32 s3, s9;
	s6 =	sadd.s32 @!p0 $0x88, s6;
	s7 =	simm.s32 @p2 $0x1082  }
0x22: {  	[simem:s7], [sflag:s8] =	dma.local @!p0 [hbm:s6], $0xF7A  }
0x23: {  	s9 =	sor.u32 $0xD0000000, s2;
	s6 =	simm.s32 $0x108;
	_ =	swait.ge @!p0 [sflag:s8], $0x0  }
0x24: {  	s3 =	sadd.s32 $0x88, s3;
	s6 =	simm.s32 @!p1 $0x1082;
	[sflag:s4] =	ssyncset.s32 $0xFFFFF086  }
0x25: {  	[simem:s6], [sflag:s4] =	dma.local [hbm:s3], $0xF7A  }
0x26: {  	[smem:$0x3F90] =	sst s1;
	(tag) =	ssettag s2;
	_ =	strace s9  }
0x27: {  	s1 =	sld [smem:$0x3FA0]  }
0x28: {  	s2 =	sld [smem:$0x3FA1]  }
0x29: {  	s4 =	sld [smem:$0x3FA3]  }
0x2a: {  	p0 =	seq.s32 s5, $0x0;
	s5 =	sld [smem:$0x3FA4]  }
0x2b: {  	s6 =	sld [smem:$0x3FA5]  }
0x2c: {  	s7 =	sld [smem:$0x3FA6]  }
0x2d: {  	s3 =	simm.s32 $0x108;
	s8 =	sld [smem:$0x3FA7]  }
0x2e: {  	s3 =	simm.s32 @!p0 $0x1082;
	s9 =	sld [smem:$0x3FA8]  }
0x2f: {  	lr =	sadd.s32 s0, s3;
	s0 =	sld [smem:$0x3F9F]  }
0x30: {  	s3 =	sld [smem:$0x3FA2]  }
0x31: {  	[smem:$0x3FAB] =	sst s10  }
0x32: {  	s10 =	sld [smem:$0x3FA9];
	_ =	sdelay $0x3  }
0x33: {  	p0 =	seq.s32 s10, $0x1;
	s10 =	sld [smem:$0x3FAB];
	_ =	sdelay $0x3  }
0x34: {  	[smem:$0x3FAB] =	sst s10  }
0x35: {  	s10 =	sld [smem:$0x3FAA];
	_ =	sdelay $0x3  }
0x36: {  	p1 =	seq.s32 s10, $0x1;
	s10 =	sld [smem:$0x3FAB];
	_ =	sdelay $0x3  }
0x37: {  	[smem:$0x3FAB] =	sst s10  }
0x38: {  	s10 =	sld [smem:$0x3FAC]  }
0x39: {  	_ = 	snop;
	(pc) =	sbr.ind lr, $3  }
0x3a: {  	_ = 	snop  }
0x3b: {  	_ = 	snop  }
0x3c: {  	p2 =	seq.s32 s10, $0x1;
	s10 =	sld [smem:$0x3FAB]  }
0x3d: {  	_ =	shalt  }
0x3e: {  	_ =	shalt  }
0x3f: {  	_ =	shalt  }
0x40: {  	_ =	shalt  }
0x41: {  	_ =	shalt  }
0x42: {  	_ =	shalt  }
0x43: {  	_ =	shalt  }
0x44: {  	_ =	shalt  }
0x45: {  	_ =	shalt  }
0x46: {  	_ =	shalt  }
0x47: {  	_ =	shalt  }
0x48: {  	_ =	shalt  }
0x49: {  	_ =	shalt  }
0x4a: {  	_ =	shalt  }
0x4b: {  	_ =	shalt  }
0x4c: {  	_ =	shalt  }
0x4d: {  	_ =	shalt  }
0x4e: {  	_ =	shalt  }
0x4f: {  	_ =	shalt  }
0x50: {  	_ =	shalt  }
0x51: {  	_ =	shalt  }
0x52: {  	_ =	shalt  }
0x53: {  	_ =	shalt  }
0x54: {  	_ =	shalt  }
0x55: {  	_ =	shalt  }
0x56: {  	_ =	shalt  }
0x57: {  	_ =	shalt  }
0x58: {  	_ =	shalt  }
0x59: {  	_ =	shalt  }
0x5a: {  	_ =	shalt  }
0x5b: {  	_ =	shalt  }
0x5c: {  	_ =	shalt  }
0x5d: {  	_ =	shalt  }
0x5e: {  	_ =	shalt  }
0x5f: {  	_ =	shalt  }
0x60: {  	_ =	shalt  }
0x61: {  	_ =	shalt  }
0x62: {  	_ =	shalt  }
0x63: {  	_ =	shalt  }
0x64: {  	_ =	shalt  }
0x65: {  	_ =	shalt  }
0x66: {  	_ =	shalt  }
0x67: {  	_ =	shalt  }
0x68: {  	_ =	shalt  }
0x69: {  	_ =	shalt  }
0x6a: {  	_ =	shalt  }
0x6b: {  	_ =	shalt  }
0x6c: {  	_ =	shalt  }
0x6d: {  	_ =	shalt  }
0x6e: {  	_ =	shalt  }
0x6f: {  	_ =	shalt  }
0x70: {  	_ =	shalt  }
0x71: {  	_ =	shalt  }
0x72: {  	_ =	shalt  }
0x73: {  	_ =	shalt  }
0x74: {  	_ =	shalt  }
0x75: {  	_ =	shalt  }
0x76: {  	_ =	shalt  }
0x77: {  	_ =	shalt  }
0x78: {  	_ =	shalt  }
0x79: {  	_ =	shalt  }
0x7a: {  	_ =	shalt  }
0x7b: {  	_ =	shalt  }
0x7c: {  	_ =	shalt  }
0x7d: {  	_ =	shalt  }
0x7e: {  	_ =	shalt  }
0x7f: {  	_ =	shalt  }
0x80: {  	_ =	shalt  }
0x81: {  	_ =	shalt  }
0x82: {  	_ =	shalt  }
0x83: {  	_ =	shalt  }
0x84: {  	_ =	shalt  }
0x85: {  	_ =	shalt  }
0x86: {  	_ =	shalt  }
0x87: {  	_ =	shalt  }
.Lfunc_end0:
.L_simem_size_0:
called_computation.2_lowered:
.L_overlay_start_0:
0x88: {  	s2 =	sld [smem:$0x3FD9]  }
0x89: {  	s3 =	sld [smem:$0x3FFE];
	_ =	sdelay $0x1  }
0x8a: {  	s1 =	srdreg.scid  }
0x8b: {  	s0 =	sand.u32 $0x1, s1  }
0x8c: {  	s16 =	sshll.u32 s0, $0xA;
	s2 =	sadd.s32 s3, s2  }
0x8d: {  	s2 =	sadd.s32 s2, s16  }
0x8e: {  	[smem:$0x3FB7] =	sst s2  }
0x8f: {  	_ = 	snop  }
0x90: {  	(tm) =	ssettm $0x1  }
0x91: {  	s17 =	sld [smem:$0x3FFB];
	_ =	sdelay $0x3  }
0x92: {  	_ =	strace s17  }
0x93: {  	s2 =	sld [smem:$0x3FFC];
	_ =	sdelay $0x3  }
0x94: {  	_ =	strace s2  }
0x95: {  	s2 =	sld [smem:$0x3FFD];
	_ =	sdelay $0x3  }
0x96: {  	_ =	strace s2  }
0x97: {  	_ =	strace $0x8FFFFFFF  }
0x98: {  	s18 =	sld [smem:$0x3FDB];
	_ =	sdelay $0x1  }
0x99: {  	s19 =	simm.s32 $_scs_section_size  }
0x9a: {  	s4 =	simm.s32 $_size__tile_overlayer_lowered;
	s5 =	simm.s32 $_tile_overlayer_lowered  }
0x9b: {  	s22 =	simm.s32 $0x1BFF;
	s21 =	sshll.u32 s5, $0x1;
	s2 =	sadd.s32 s19, s18  }
0x9c: {  	s6 =	simm.s32 $0x0;
	s20 =	sshll.u32 s4, $0x1;
	s4 =	sadd.s32 s21, s2  }
0x9d: {  	[timem:s6], [sflag:s22] =	dma.local [hbm:s4], s20  }
0x9e: {  	_ =	swait.ge [sflag:s22], s20  }
0x9f: {  	s3 =	ssub.s32 $0x0, s20;
	[sflag:s22] =	ssyncset.done $0x0  }
0xa0: {  	[sflag:s22] =	ssyncadd.s32 s3;
	_ =	sdelay $0x1  }
0xa1: {  	s23 =	simm.s32 $0x1B8B  }
0xa2: {  	_ =	swait.ge [sflag:s23], $0x1  }
0xa3: {  	[sflag:s23] =	ssyncset.done $0x0  }
0xa4: {  	s25 =	simm.s32 $0x1B8E;
	s24 =	sld [smem:$0x3FFE];
	[sflag:s23] =	ssyncadd.s32 $0xFFFFFFFF  }
0xa5: {  	s26 =	simm.s32 $execute0_lowered;
	[smem:$0x3FD2] =	sst s25  }
0xa6: {  	s4 =	sshll.u32 s26, $0x1;
	_ =	strace $0x8000004C;
	[dreg:$0x1] =	wrdreg $0xFFFFFFFF  }
0xa7: {  	s28 =	simm.s32 $_size_execute0_lowered;
	s2 =	sadd.s32 s2, s4;
	[dreg:$0x0] =	wrdreg $0x0  }
0xa8: {  	s4 =	sshll.u32 s28, $0x1;
	[dreg:$0x2] =	wrdreg s2  }
0xa9: {  	[dreg:$0x3] =	wrdreg s4  }
0xaa: {  	[dreg:$0x4] =	wrdreg $0xC0  }
0xab: {  	_ =	task [dreg:s6], $0x5FFFF  }
0xac: {  	[dreg:$0x1] =	wrdreg $0xFFFFFFFF  }
0xad: {  	[dreg:$0x0] =	wrdreg $0x60  }
0xae: {  	[dreg:$0x2] =	wrdreg s24  }
0xaf: {  	[dreg:$0x3] =	wrdreg $0x11000  }
0xb0: {  	[dreg:$0x4] =	wrdreg $0x9  }
0xb1: {  	_ =	task.clear_ibuf [dreg:s6], $0x5FFFF;
	_ =	strace $0x9000004C  }
0xb2: {  	s29 =	simm.s32 $0x9;
	_ =	strace $0x8000004E  }
0xb3: {  	_ =	swait.ge [sflag:s29], $0x1  }
0xb4: {  	[sflag:s29] =	ssyncadd.s32 $0xFFFFFFFF  }
0xb5: {  	_ =	strace $0x9000004E  }
0xb6: {  	_ =	sfence  }
0xb7: {  	s30 =	sld [smem:$0x0];
	_ =	sdelay $0x2  }
0xb8: {  	s31 =	sshll.u32 s1, $0xD;
	s1 =	sshrl.u32 s1, $0x2  }
0xb9: {  	s3 =	sand.u32 $0x4000, s31;
	s1 =	sadd.s32 s1, s30  }
0xba: {  	s0 =	sor.u32 s3, s0;
	s1 =	sshll.u32 s1, $0x11  }
0xbb: {  	s0 =	sor.u32 s1, s0  }
0xbc: {  	s0 =	sadd.s32 $0x8F2B, s0  }
0xbd: {  	[sflag:s0] =	ssyncadd.remote.s32 $0x1  }
0xbe: {  	_ =	sfence.sel $0xFFFF  }
0xbf: {  	[dreg:$0x0] =	wrdreg $0xFFFFFFFF;
	(pc) =	sbr.abs _section_cstart, $3  }
0xc0: {  	[dreg:$0x1] =	wrdreg $0xFFFFFFFF  }
0xc1: {  	_ =	task.clear_ibuf [dreg:s6], $0x2FFFF;
	_ =	strace $0x9FFFFFFF  }
0xc2: {  	(tm) =	ssettm $0x7FFFFFFF  }
0xc3: {  	_ =	shalt  }
tec
execute0_lowered:
.L_overlay_start_1:
0x0: {  	(tag) =	ssettag $0x1  }
0x1: {  	s6 =	rddreg [dreg:$0x0];
	s0 =	stileid.u32  }
0x2: {  	s1 =	srdreg.scid;
	s2 =	rddreg [dreg:$0x1]  }
0x3: {  	s3 =	simm.s32 $0x0;
	s14 =	simm.s32 $0x100;
	s5 =	smul.u32 $0x9E0, s0  }
0x4: {  	s7 =	sand.u32 $0x1, s1;
	s1 =	rddreg [dreg:$0x2];
	s9 =	smul.u32 $0x30E0, s0  }
0x5: {  	s17 =	simm.s32 $0x0;
	[smem:$0x7FF] =	sst s3;
	s28 =	smul.u32 $0x64000, s0  }
0x6: {  	s4 =	sadd.s32 $0x3C00, s6;
	s12 =	smul.u32 $0x61C00, s0;
	s30 =	sshll.u32 s0, $0x6  }
0x7: {  	s8 =	smul.u32 $0x30E00, s7;
	_ =	strace $0x8000004D;
	s29 =	ssub.s32 $0x2, s7  }
0x8: {  	s15 =	smul.u32 $0x2710, s7;
	s10 =	sadd.s32 s5, s6;
	s5 =	sadd.s32 $0x52400, s6  }
0x9: {  	s11 =	sshrl.u32 s29, $0x1;
	s31 =	sshrl.u32 s12, $0x2;
	s12 =	simm.s32 $0x2  }
0xa: {  	s8 =	sadd.s32 s9, s8;
	s9 =	sshrl.u32 s28, $0x2;
	s11 =	ssub.s32 s29, s11  }
0xb: {  	s16 =	sadd.s32 s31, s2;
	v0 =	vmov s15;
	s15 =	simm.s32 $0x1;
	s8 =	sadd.s32 s8, s6  }
0xc: {  	s13 =	sadd.s32 s9, s2;
	s6 =	sor.u32 $0x1C02, s30;
	s9 =	sadd.s32 $0x48600, s10  }
0xd: {  	s10 =	sadd.s32 $0x3E800, s10;
	s16 =	sshrl.u32 s16, $0x3;
	s7 =	sadd.s32 $0x7CA00, s8  }
0xe: {  	s8 =	smax.u32 s11, $0x1;
	s11 =	sshrl.u32 s13, $0x3;
	s13 =	simm.s32 $0x80  }
.LBB2_1:
0xf: {  	[spmem:s11], [sflag:s6] =	dma.local [hbm:s5], $0x3200  }
0x10: {  	_ =	swait.ge [sflag:s12], $0x3200  }
0x11: {  	[sflag:s12] =	ssyncset.done $0x0  }
0x12: {  	[sflag:s12] =	ssyncadd.s32 $0xFFFFCE00  }
0x13: {  	s18 =	sadd.s32 $0x0, s10;
	[bflag:$0x0] =	sbarrier.arrive $0xFFFF  }
0x14: {  	[tilespmem:s13], [sflag:$0x2] =	stream.linear.gather [hbm4b:s18+s3], $0x80, $0x38;
	[tilespmem:$0x1A100] =	vst v63  }
0x15: {  	_ =	swait.ge [sflag:s12], $0x80  }
0x16: {  	[sflag:s12] =	ssyncset.done $0x0  }
0x17: {  	s31 =	sadd.s32 $0x0, s9;
	[sflag:s12] =	ssyncadd.s32 $0xFFFFFF80  }
0x18: {  	[tilespmem:s3], [sflag:$0x2] =	stream.linear.gather [hbm4b:s31+s3], $0x80, $0x38;
	[tilespmem:$0x1A100] =	vst v63  }
0x19: {  	_ =	swait.ge [sflag:s12], $0x80  }
0x1a: {  	[sflag:s12] =	ssyncset.done $0x0  }
0x1b: {  	[sflag:s12] =	ssyncadd.s32 $0xFFFFFF80  }
0x1c: {  	v1 =	vld [tilespmem:$0x70]  }
0x1d: {  	v2 =	vld [tilespmem:$0x30]  }
0x1e: {  	v3 =	vld [tilespmem:$0x50]  }
0x1f: {  	v5 =	vld [tilespmem:$0x20]  }
0x20: {  	v4 =	vld [tilespmem:$0x60]  }
0x21: {  	v6 =	vld [tilespmem:$0x10];
	v1 =	vadd.s32 v0, v1  }
0x22: {  	v7 =	vld [tilespmem:$0x40];
	v2 =	vadd.s32 v0, v2;
	[tilespmem:$0x70] =	vst v1  }
0x23: {  	v1 =	vld [tilespmem:$0x0];
	[tilespmem:$0x30] =	vst v2;
	v2 =	vadd.s32 v0, v3  }
0x24: {  	v3 =	vadd.s32 v0, v5;
	[tilespmem:$0x50] =	vst v2  }
0x25: {  	v2 =	vadd.s32 v0, v4;
	[tilespmem:$0x20] =	vst v3  }
0x26: {  	[tilespmem:$0x60] =	vst v2;
	v2 =	vadd.s32 v0, v6  }
0x27: {  	[tilespmem:$0x10] =	vst v2;
	v2 =	vadd.s32 v0, v7  }
0x28: {  	[tilespmem:$0x40] =	vst v2;
	v1 =	vadd.s32 v0, v1  }
0x29: {  	s18 =	simm.s32 $0x10;
	[tilespmem:$0x0] =	vst v1  }
.LBB2_2:
0x2a: {  	[tilespmem:s14], [sflag:$0x1] =	stream.indirect.gather [hbm4b:s4+s13], $0x20, s3, s13, $0xb8;
	[tilespmem:$0x1A100] =	vst v63  }
0x2b: {  	s19 =	smov.u32 s18  }
0x2c: {  	p0 =	sne.s32 s18, $0x9D0;
	s18 =	sadd.s32 $0x10, s18;
	_ =	swait.ge [sflag:s15], $0x1000  }
0x2d: {  	[sflag:s15] =	ssyncset.done $0x0  }
0x2e: {  	[sflag:s15] =	ssyncadd.s32 $0xFFFFF000  }
0x2f: {  	[spmem:s2] =	stream.indirect.scatter.add.f32 [tilespmem:s14], [sflag:$0x2], $0x20, s13, s13, $0xb8;
	[tilespmem:$0x1A100] =	vst v63  }
0x30: {  	_ =	swait.ge [sflag:s12], $0x1000  }
0x31: {  	[sflag:s12] =	ssyncset.done $0x0  }
0x32: {  	s20 =	sadd.s32 s19, s10;
	[sflag:s12] =	ssyncadd.s32 $0xFFFFF000  }
0x33: {  	[tilespmem:s13], [sflag:$0x2] =	stream.linear.gather [hbm4b:s20+s3], $0x80, $0x38;
	[tilespmem:$0x1A100] =	vst v63  }
0x34: {  	_ =	swait.ge [sflag:s12], $0x80  }
0x35: {  	[sflag:s12] =	ssyncset.done $0x0  }
0x36: {  	s19 =	sadd.s32 s19, s9;
	[sflag:s12] =	ssyncadd.s32 $0xFFFFFF80  }
0x37: {  	[tilespmem:s3], [sflag:$0x2] =	stream.linear.gather [hbm4b:s19+s3], $0x80, $0x38;
	[tilespmem:$0x1A100] =	vst v63  }
0x38: {  	_ =	swait.ge [sflag:s12], $0x80  }
0x39: {  	[sflag:s12] =	ssyncset.done $0x0  }
0x3a: {  	[sflag:s12] =	ssyncadd.s32 $0xFFFFFF80  }
0x3b: {  	v1 =	vld [tilespmem:$0x70]  }
0x3c: {  	v2 =	vld [tilespmem:$0x30]  }
0x3d: {  	v3 =	vld [tilespmem:$0x50]  }
0x3e: {  	v4 =	vld [tilespmem:$0x60]  }
0x3f: {  	v5 =	vld [tilespmem:$0x20]  }
0x40: {  	v6 =	vld [tilespmem:$0x10];
	v1 =	vadd.s32 v0, v1  }
0x41: {  	v2 =	vadd.s32 v0, v2;
	v7 =	vld [tilespmem:$0x40];
	[tilespmem:$0x70] =	vst v1  }
0x42: {  	v1 =	vld [tilespmem:$0x0];
	[tilespmem:$0x30] =	vst v2;
	v2 =	vadd.s32 v0, v3  }
0x43: {  	[tilespmem:$0x50] =	vst v2;
	v2 =	vadd.s32 v0, v4  }
.Ltmp0:
0x44: {  	v3 =	vadd.s32 v0, v5;
	[tilespmem:$0x60] =	vst v2;
	(pc) =	sbr.rel @p0 .LBB2_2-.Ltmp0, $4  }
0x45: {  	v2 =	vadd.s32 v0, v6;
	[tilespmem:$0x20] =	vst v3  }
0x46: {  	[tilespmem:$0x10] =	vst v2;
	v2 =	vadd.s32 v0, v7  }
0x47: {  	v1 =	vadd.s32 v0, v1;
	[tilespmem:$0x40] =	vst v2  }
0x48: {  	[tilespmem:$0x0] =	vst v1  }
0x49: {  	[tilespmem:s14], [sflag:$0x1] =	stream.indirect.gather [hbm4b:s4+s13], $0x20, s3, s13, $0xb8;
	[tilespmem:$0x1A100] =	vst v63  }
0x4a: {  	_ =	swait.ge [sflag:s15], $0x1000  }
0x4b: {  	[sflag:s15] =	ssyncset.done $0x0  }
0x4c: {  	[sflag:s15] =	ssyncadd.s32 $0xFFFFF000  }
0x4d: {  	[spmem:s2] =	stream.indirect.scatter.add.f32 [tilespmem:s14], [sflag:$0x2], $0x20, s13, s13, $0xb8;
	[tilespmem:$0x1A100] =	vst v63  }
0x4e: {  	_ =	swait.ge [sflag:s12], $0x1000  }
0x4f: {  	s17 =	sadd.s32 $0x1, s17;
	[sflag:s12] =	ssyncset.done $0x0  }
0x50: {  	p0 =	sne.s32 s17, s8;
	[sflag:s12] =	ssyncadd.s32 $0xFFFFF000  }
.Ltmp1:
0x51: {  	[bflag:$0x0] =	sbarrier.arrive $0xFFFF;
	(pc) =	sbr.rel @p0 .LBB2_1-.Ltmp1, $4  }
0x52: {  	[hbm:s7], [sflag:s6] =	dma.local [spmem:s16], $0x30E0  }
0x53: {  	_ =	swait.ge [sflag:s12], $0x30E0  }
0x54: {  	[sflag:s12] =	ssyncset.done $0x0  }
0x55: {  	[sflag:s12] =	ssyncadd.s32 $0xFFFFCF20  }
0x56: {  	_ =	sfence.sel $0x180000  }
0x57: {  	[bflag:$0x0] =	sbarrier.arrive $0xFFFF  }
0x58: {  	p0 =	sne.s32 s0, $0x0;
	_ =	strace $0x9000004D  }
0x59: {  	s0 =	sadd.s32 @!p0 $0x100000, s1;
	[bflag:$0x2] =	sbarrier.arrive $0xFFFF  }
0x5a: {  	[sflag:s0] =	ssyncadd.tile.s32 @!p0 $0x1;
	_ =	shalt  }
.Lfunc_end2:
_tile_overlayer_lowered:
.L_overlay_start_2:
0x5b: {  	(tag) =	ssettag $0x2  }
0x5c: {  	s0 =	rddreg [dreg:$0x0];
	s2 =	stileid.u32  }
0x5d: {  	s1 =	rddreg [dreg:$0x1];
	p0 =	sne.s32 s2, $0x0  }
0x5e: {  	s3 =	rddreg [dreg:$0x2];
	[bflag:$0x3] =	sbarrier.arrive $0xFFFF;
	s2 =	simm.s32 @!p0 $0x1C02  }
0x5f: {  	[timem:s3], [sflag:s2] =	dma.local @!p0 [hbm:s0], s1  }
0x60: {  	s0 =	simm.s32 @!p0 $0x2  }
0x61: {  	_ =	swait.ge @!p0 [sflag:s0], s1  }
0x62: {  	s1 =	ssub.s32 @!p0 $0x0, s1;
	[sflag:s0] =	ssyncset.done @!p0 $0x0  }
0x63: {  	[sflag:s0] =	ssyncadd.s32 @!p0 s1  }
0x64: {  	[bflag:$0x3] =	sbarrier.arrive $0xFFFF  }
0x65: {  	_ =	shalt  }

// kernel: kernel.26.cloned.1.call-start
scs
__scs_entry_jumppad:
0x0: {  	(pc) =	sbr.rel $0x88, $3  }
0x1: {  	(tag) =	ssettag $0x0;
	lr =	simm.s32 $0x1  }
0x2: {  	[smem:$0x3F90] =	sst lr;
	_ =	strace $0xD0000000  }
0x3: {  	_ = 	snop  }
0x4: {  	_ = 	snop  }
0x5: {  	_ = 	snop  }
0x6: {  	_ = 	snop  }
0x7: {  	_ = 	snop  }
__scs_overlays_trampoline_lowered:
0x8: {  	[smem:$0x3F9F] =	sst s0  }
0x9: {  	[smem:$0x3FA0] =	sst s1  }
0xa: {  	[smem:$0x3FA1] =	sst s2  }
0xb: {  	[smem:$0x3FA2] =	sst s3  }
0xc: {  	[smem:$0x3FA3] =	sst s4  }
0xd: {  	[smem:$0x3FA4] =	sst s5  }
0xe: {  	[smem:$0x3FA5] =	sst s6  }
0xf: {  	[smem:$0x3FA6] =	sst s7  }
0x10: {  	[smem:$0x3FA7] =	sst s8  }
0x11: {  	[smem:$0x3FA8] =	sst s9;
	s0 =	simm.s32 @!p0 $0x0  }
0x12: {  	s1 =	sld [smem:$0x3F8E];
	s0 =	simm.s32 @p0 $0x1  }
0x13: {  	[smem:$0x3FA9] =	sst s0;
	s0 =	simm.s32 @!p1 $0x0  }
0x14: {  	s2 =	sld [smem:$0x3F8D];
	s0 =	simm.s32 @p1 $0x1  }
0x15: {  	[smem:$0x3FAA] =	sst s0;
	s0 =	simm.s32 @!p2 $0x0  }
0x16: {  	s3 =	sld [smem:$0x3FDB];
	s0 =	simm.s32 @p2 $0x1  }
0x17: {  	s4 =	simm.s32 $0x1BF5;
	[smem:$0x3FAC] =	sst s0  }
0x18: {  	s0 =	sld [smem:$0x3F8F];
	_ =	swait.ge [sflag:s4], $0x0  }
0x19: {  	s7 =	sld [smem:$0x3F90]  }
0x1a: {  	s8 =	sadd.s32 $0xFFFFE003, lr  }
0x1b: {  	s9 =	sadd.s32 $0xFFFFFEF7, lr;
	s5 =	simm.s32 $0xFFFFFFFF;
	p2 =	slt.u32 s8, $0xFFFFF086  }
0x1c: {  	p1 =	slt.u32 s9, $0xF7A;
	s5 =	simm.s32 @!p2 $0x0  }
0x1d: {  	s5 =	simm.s32 @p1 $0x1;
	p0 =	seq.s32 s7, s2  }
0x1e: {  	s7 =	smul.u32 @!p0 $0xF7A, s2;
	p2 =	seq.s32 @!p0 s5, $0x0  }
0x1f: {  	s9 =	smul.u32 $0xF7A, s1;
	s8 =	simm.s32 @!p0 $0x1BF5;
	p2 =	por !p2, p0  }
0x20: {  	[sflag:s8] =	ssyncset.s32 @!p0 $0xFFFFF086;
	s6 =	sadd.s32 @!p0 s3, s7;
	s7 =	simm.s32 @!p0 $0x108  }
0x21: {  	s3 =	sadd.s32 s3, s9;
	s6 =	sadd.s32 @!p0 $0x88, s6;
	s7 =	simm.s32 @p2 $0x1082  }
0x22: {  	[simem:s7], [sflag:s8] =	dma.local @!p0 [hbm:s6], $0xF7A  }
0x23: {  	s9 =	sor.u32 $0xD0000000, s2;
	s6 =	simm.s32 $0x108;
	_ =	swait.ge @!p0 [sflag:s8], $0x0  }
0x24: {  	s3 =	sadd.s32 $0x88, s3;
	s6 =	simm.s32 @!p1 $0x1082;
	[sflag:s4] =	ssyncset.s32 $0xFFFFF086  }
0x25: {  	[simem:s6], [sflag:s4] =	dma.local [hbm:s3], $0xF7A  }
0x26: {  	[smem:$0x3F90] =	sst s1;
	(tag) =	ssettag s2;
	_ =	strace s9  }
0x27: {  	s1 =	sld [smem:$0x3FA0]  }
0x28: {  	s2 =	sld [smem:$0x3FA1]  }
0x29: {  	s4 =	sld [smem:$0x3FA3]  }
0x2a: {  	p0 =	seq.s32 s5, $0x0;
	s5 =	sld [smem:$0x3FA4]  }
0x2b: {  	s6 =	sld [smem:$0x3FA5]  }
0x2c: {  	s7 =	sld [smem:$0x3FA6]  }
0x2d: {  	s3 =	simm.s32 $0x108;
	s8 =	sld [smem:$0x3FA7]  }
0x2e: {  	s3 =	simm.s32 @!p0 $0x1082;
	s9 =	sld [smem:$0x3FA8]  }
0x2f: {  	lr =	sadd.s32 s0, s3;
	s0 =	sld [smem:$0x3F9F]  }
0x30: {  	s3 =	sld [smem:$0x3FA2]  }
0x31: {  	[smem:$0x3FAB] =	sst s10  }
0x32: {  	s10 =	sld [smem:$0x3FA9];
	_ =	sdelay $0x3  }
0x33: {  	p0 =	seq.s32 s10, $0x1;
	s10 =	sld [smem:$0x3FAB];
	_ =	sdelay $0x3  }
0x34: {  	[smem:$0x3FAB] =	sst s10  }
0x35: {  	s10 =	sld [smem:$0x3FAA];
	_ =	sdelay $0x3  }
0x36: {  	p1 =	seq.s32 s10, $0x1;
	s10 =	sld [smem:$0x3FAB];
	_ =	sdelay $0x3  }
0x37: {  	[smem:$0x3FAB] =	sst s10  }
0x38: {  	s10 =	sld [smem:$0x3FAC]  }
0x39: {  	_ = 	snop;
	(pc) =	sbr.ind lr, $3  }
0x3a: {  	_ = 	snop  }
0x3b: {  	_ = 	snop  }
0x3c: {  	p2 =	seq.s32 s10, $0x1;
	s10 =	sld [smem:$0x3FAB]  }
0x3d: {  	_ =	shalt  }
0x3e: {  	_ =	shalt  }
0x3f: {  	_ =	shalt  }
0x40: {  	_ =	shalt  }
0x41: {  	_ =	shalt  }
0x42: {  	_ =	shalt  }
0x43: {  	_ =	shalt  }
0x44: {  	_ =	shalt  }
0x45: {  	_ =	shalt  }
0x46: {  	_ =	shalt  }
0x47: {  	_ =	shalt  }
0x48: {  	_ =	shalt  }
0x49: {  	_ =	shalt  }
0x4a: {  	_ =	shalt  }
0x4b: {  	_ =	shalt  }
0x4c: {  	_ =	shalt  }
0x4d: {  	_ =	shalt  }
0x4e: {  	_ =	shalt  }
0x4f: {  	_ =	shalt  }
0x50: {  	_ =	shalt  }
0x51: {  	_ =	shalt  }
0x52: {  	_ =	shalt  }
0x53: {  	_ =	shalt  }
0x54: {  	_ =	shalt  }
0x55: {  	_ =	shalt  }
0x56: {  	_ =	shalt  }
0x57: {  	_ =	shalt  }
0x58: {  	_ =	shalt  }
0x59: {  	_ =	shalt  }
0x5a: {  	_ =	shalt  }
0x5b: {  	_ =	shalt  }
0x5c: {  	_ =	shalt  }
0x5d: {  	_ =	shalt  }
0x5e: {  	_ =	shalt  }
0x5f: {  	_ =	shalt  }
0x60: {  	_ =	shalt  }
0x61: {  	_ =	shalt  }
0x62: {  	_ =	shalt  }
0x63: {  	_ =	shalt  }
0x64: {  	_ =	shalt  }
0x65: {  	_ =	shalt  }
0x66: {  	_ =	shalt  }
0x67: {  	_ =	shalt  }
0x68: {  	_ =	shalt  }
0x69: {  	_ =	shalt  }
0x6a: {  	_ =	shalt  }
0x6b: {  	_ =	shalt  }
0x6c: {  	_ =	shalt  }
0x6d: {  	_ =	shalt  }
0x6e: {  	_ =	shalt  }
0x6f: {  	_ =	shalt  }
0x70: {  	_ =	shalt  }
0x71: {  	_ =	shalt  }
0x72: {  	_ =	shalt  }
0x73: {  	_ =	shalt  }
0x74: {  	_ =	shalt  }
0x75: {  	_ =	shalt  }
0x76: {  	_ =	shalt  }
0x77: {  	_ =	shalt  }
0x78: {  	_ =	shalt  }
0x79: {  	_ =	shalt  }
0x7a: {  	_ =	shalt  }
0x7b: {  	_ =	shalt  }
0x7c: {  	_ =	shalt  }
0x7d: {  	_ =	shalt  }
0x7e: {  	_ =	shalt  }
0x7f: {  	_ =	shalt  }
0x80: {  	_ =	shalt  }
0x81: {  	_ =	shalt  }
0x82: {  	_ =	shalt  }
0x83: {  	_ =	shalt  }
0x84: {  	_ =	shalt  }
0x85: {  	_ =	shalt  }
0x86: {  	_ =	shalt  }
0x87: {  	_ =	shalt  }
.Lfunc_end0:
.L_simem_size_0:
called_computation.3_lowered:
.L_overlay_start_0:
0x88: {  	s2 =	sld [smem:$0x3FD9]  }
0x89: {  	s3 =	sld [smem:$0x3FFE];
	_ =	sdelay $0x1  }
0x8a: {  	s1 =	srdreg.scid  }
0x8b: {  	s0 =	sand.u32 $0x1, s1  }
0x8c: {  	s16 =	sshll.u32 s0, $0xA;
	s2 =	sadd.s32 s3, s2  }
0x8d: {  	s2 =	sadd.s32 s2, s16  }
0x8e: {  	[smem:$0x3FB7] =	sst s2  }
0x8f: {  	_ = 	snop  }
0x90: {  	(tm) =	ssettm $0x1  }
0x91: {  	s17 =	sld [smem:$0x3FFB];
	_ =	sdelay $0x3  }
0x92: {  	_ =	strace s17  }
0x93: {  	s2 =	sld [smem:$0x3FFC];
	_ =	sdelay $0x3  }
0x94: {  	_ =	strace s2  }
0x95: {  	s2 =	sld [smem:$0x3FFD];
	_ =	sdelay $0x3  }
0x96: {  	_ =	strace s2  }
0x97: {  	_ =	strace $0x8FFFFFFF  }
0x98: {  	s18 =	sld [smem:$0x3FDB];
	_ =	sdelay $0x1  }
0x99: {  	s19 =	simm.s32 $_scs_section_size  }
0x9a: {  	s4 =	simm.s32 $_size__tile_overlayer_lowered;
	s5 =	simm.s32 $_tile_overlayer_lowered  }
0x9b: {  	s22 =	simm.s32 $0x1BFF;
	s21 =	sshll.u32 s5, $0x1;
	s2 =	sadd.s32 s19, s18  }
0x9c: {  	s6 =	simm.s32 $0x0;
	s20 =	sshll.u32 s4, $0x1;
	s4 =	sadd.s32 s21, s2  }
0x9d: {  	[timem:s6], [sflag:s22] =	dma.local [hbm:s4], s20  }
0x9e: {  	_ =	swait.ge [sflag:s22], s20  }
0x9f: {  	s3 =	ssub.s32 $0x0, s20;
	[sflag:s22] =	ssyncset.done $0x0  }
0xa0: {  	[sflag:s22] =	ssyncadd.s32 s3;
	_ =	sdelay $0x1  }
0xa1: {  	s23 =	simm.s32 $0x1B8B  }
0xa2: {  	_ =	swait.ge [sflag:s23], $0x1  }
0xa3: {  	[sflag:s23] =	ssyncset.done $0x0  }
0xa4: {  	s25 =	simm.s32 $0x1B8E;
	s24 =	sld [smem:$0x3FFE];
	[sflag:s23] =	ssyncadd.s32 $0xFFFFFFFF  }
0xa5: {  	s26 =	simm.s32 $execute0_lowered;
	[smem:$0x3FD2] =	sst s25  }
0xa6: {  	s4 =	sshll.u32 s26, $0x1;
	_ =	strace $0x8000004F;
	[dreg:$0x1] =	wrdreg $0xFFFFFFFF  }
0xa7: {  	s28 =	simm.s32 $_size_execute0_lowered;
	s2 =	sadd.s32 s2, s4;
	[dreg:$0x0] =	wrdreg $0x0  }
0xa8: {  	s4 =	sshll.u32 s28, $0x1;
	[dreg:$0x2] =	wrdreg s2  }
0xa9: {  	[dreg:$0x3] =	wrdreg s4  }
0xaa: {  	[dreg:$0x4] =	wrdreg $0xC0  }
0xab: {  	_ =	task [dreg:s6], $0x5FFFF  }
0xac: {  	[dreg:$0x1] =	wrdreg $0xFFFFFFFF  }
0xad: {  	[dreg:$0x0] =	wrdreg $0x60  }
0xae: {  	[dreg:$0x2] =	wrdreg s24  }
0xaf: {  	[dreg:$0x3] =	wrdreg $0x11000  }
0xb0: {  	[dreg:$0x4] =	wrdreg $0x9  }
0xb1: {  	_ =	task.clear_ibuf [dreg:s6], $0x5FFFF;
	_ =	strace $0x9000004F  }
0xb2: {  	s29 =	simm.s32 $0x9;
	_ =	strace $0x80000051  }
0xb3: {  	_ =	swait.ge [sflag:s29], $0x1  }
0xb4: {  	[sflag:s29] =	ssyncadd.s32 $0xFFFFFFFF  }
0xb5: {  	_ =	strace $0x90000051  }
0xb6: {  	_ =	sfence  }
0xb7: {  	s30 =	sld [smem:$0x0];
	_ =	sdelay $0x2  }
0xb8: {  	s31 =	sshll.u32 s1, $0xD;
	s1 =	sshrl.u32 s1, $0x2  }
0xb9: {  	s3 =	sand.u32 $0x4000, s31;
	s1 =	sadd.s32 s1, s30  }
0xba: {  	s0 =	sor.u32 s3, s0;
	s1 =	sshll.u32 s1, $0x11  }
0xbb: {  	s0 =	sor.u32 s1, s0  }
0xbc: {  	s0 =	sadd.s32 $0x8F2B, s0  }
0xbd: {  	[sflag:s0] =	ssyncadd.remote.s32 $0x1  }
0xbe: {  	_ =	sfence.sel $0xFFFF  }
0xbf: {  	[dreg:$0x0] =	wrdreg $0xFFFFFFFF;
	(pc) =	sbr.abs _section_cstart, $3  }
0xc0: {  	[dreg:$0x1] =	wrdreg $0xFFFFFFFF  }
0xc1: {  	_ =	task.clear_ibuf [dreg:s6], $0x2FFFF;
	_ =	strace $0x9FFFFFFF  }
0xc2: {  	(tm) =	ssettm $0x7FFFFFFF  }
0xc3: {  	_ =	shalt  }
tec
execute0_lowered:
.L_overlay_start_1:
0x0: {  	(tag) =	ssettag $0x1  }
0x1: {  	s6 =	rddreg [dreg:$0x0];
	s0 =	stileid.u32  }
0x2: {  	s1 =	srdreg.scid;
	s2 =	rddreg [dreg:$0x1]  }
0x3: {  	s3 =	simm.s32 $0x0;
	s14 =	simm.s32 $0x100;
	s5 =	smul.u32 $0x9E0, s0  }
0x4: {  	s7 =	sand.u32 $0x1, s1;
	s1 =	rddreg [dreg:$0x2];
	s9 =	smul.u32 $0x30E0, s0  }
0x5: {  	s17 =	simm.s32 $0x0;
	[smem:$0x7FF] =	sst s3;
	s28 =	smul.u32 $0x64000, s0  }
0x6: {  	s4 =	sadd.s32 $0x2AE00, s6;
	s12 =	smul.u32 $0x61C00, s0;
	s30 =	sshll.u32 s0, $0x6  }
0x7: {  	s8 =	smul.u32 $0x30E00, s7;
	_ =	strace $0x80000050;
	s29 =	ssub.s32 $0x2, s7  }
0x8: {  	s15 =	smul.u32 $0x2710, s7;
	s10 =	sadd.s32 s5, s6;
	s5 =	sadd.s32 $0x52400, s6  }
0x9: {  	s11 =	sshrl.u32 s29, $0x1;
	s31 =	sshrl.u32 s12, $0x2;
	s12 =	simm.s32 $0x2  }
0xa: {  	s8 =	sadd.s32 s9, s8;
	s9 =	sshrl.u32 s28, $0x2;
	s11 =	ssub.s32 s29, s11  }
0xb: {  	s16 =	sadd.s32 s31, s2;
	v0 =	vmov s15;
	s15 =	simm.s32 $0x1;
	s8 =	sadd.s32 s8, s6  }
0xc: {  	s13 =	sadd.s32 s9, s2;
	s6 =	sor.u32 $0x1C02, s30;
	s9 =	sadd.s32 $0x48600, s10  }
0xd: {  	s10 =	sadd.s32 $0x3E800, s10;
	s16 =	sshrl.u32 s16, $0x3;
	s7 =	sadd.s32 $0x7CA00, s8  }
0xe: {  	s8 =	smax.u32 s11, $0x1;
	s11 =	sshrl.u32 s13, $0x3;
	s13 =	simm.s32 $0x80  }
.LBB2_1:
0xf: {  	[spmem:s11], [sflag:s6] =	dma.local [hbm:s5], $0x3200  }
0x10: {  	_ =	swait.ge [sflag:s12], $0x3200  }
0x11: {  	[sflag:s12] =	ssyncset.done $0x0  }
0x12: {  	[sflag:s12] =	ssyncadd.s32 $0xFFFFCE00  }
0x13: {  	s18 =	sadd.s32 $0x0, s10;
	[bflag:$0x0] =	sbarrier.arrive $0xFFFF  }
0x14: {  	[tilespmem:s13], [sflag:$0x2] =	stream.linear.gather [hbm4b:s18+s3], $0x80, $0x38;
	[tilespmem:$0x1A100] =	vst v63  }
0x15: {  	_ =	swait.ge [sflag:s12], $0x80  }
0x16: {  	[sflag:s12] =	ssyncset.done $0x0  }
0x17: {  	s31 =	sadd.s32 $0x0, s9;
	[sflag:s12] =	ssyncadd.s32 $0xFFFFFF80  }
0x18: {  	[tilespmem:s3], [sflag:$0x2] =	stream.linear.gather [hbm4b:s31+s3], $0x80, $0x38;
	[tilespmem:$0x1A100] =	vst v63  }
0x19: {  	_ =	swait.ge [sflag:s12], $0x80  }
0x1a: {  	[sflag:s12] =	ssyncset.done $0x0  }
0x1b: {  	[sflag:s12] =	ssyncadd.s32 $0xFFFFFF80  }
0x1c: {  	v1 =	vld [tilespmem:$0x70]  }
0x1d: {  	v2 =	vld [tilespmem:$0x30]  }
0x1e: {  	v3 =	vld [tilespmem:$0x50]  }
0x1f: {  	v5 =	vld [tilespmem:$0x20]  }
0x20: {  	v4 =	vld [tilespmem:$0x60]  }
0x21: {  	v6 =	vld [tilespmem:$0x10];
	v1 =	vadd.s32 v0, v1  }
0x22: {  	v7 =	vld [tilespmem:$0x40];
	v2 =	vadd.s32 v0, v2;
	[tilespmem:$0x70] =	vst v1  }
0x23: {  	v1 =	vld [tilespmem:$0x0];
	[tilespmem:$0x30] =	vst v2;
	v2 =	vadd.s32 v0, v3  }
0x24: {  	v3 =	vadd.s32 v0, v5;
	[tilespmem:$0x50] =	vst v2  }
0x25: {  	v2 =	vadd.s32 v0, v4;
	[tilespmem:$0x20] =	vst v3  }
0x26: {  	[tilespmem:$0x60] =	vst v2;
	v2 =	vadd.s32 v0, v6  }
0x27: {  	[tilespmem:$0x10] =	vst v2;
	v2 =	vadd.s32 v0, v7  }
0x28: {  	[tilespmem:$0x40] =	vst v2;
	v1 =	vadd.s32 v0, v1  }
0x29: {  	s18 =	simm.s32 $0x10;
	[tilespmem:$0x0] =	vst v1  }
.LBB2_2:
0x2a: {  	[tilespmem:s14], [sflag:$0x1] =	stream.indirect.gather [hbm4b:s4+s13], $0x20, s3, s13, $0xb8;
	[tilespmem:$0x1A100] =	vst v63  }
0x2b: {  	s19 =	smov.u32 s18  }
0x2c: {  	p0 =	sne.s32 s18, $0x9D0;
	s18 =	sadd.s32 $0x10, s18;
	_ =	swait.ge [sflag:s15], $0x1000  }
0x2d: {  	[sflag:s15] =	ssyncset.done $0x0  }
0x2e: {  	[sflag:s15] =	ssyncadd.s32 $0xFFFFF000  }
0x2f: {  	[spmem:s2] =	stream.indirect.scatter.add.f32 [tilespmem:s14], [sflag:$0x2], $0x20, s13, s13, $0xb8;
	[tilespmem:$0x1A100] =	vst v63  }
0x30: {  	_ =	swait.ge [sflag:s12], $0x1000  }
0x31: {  	[sflag:s12] =	ssyncset.done $0x0  }
0x32: {  	s20 =	sadd.s32 s19, s10;
	[sflag:s12] =	ssyncadd.s32 $0xFFFFF000  }
0x33: {  	[tilespmem:s13], [sflag:$0x2] =	stream.linear.gather [hbm4b:s20+s3], $0x80, $0x38;
	[tilespmem:$0x1A100] =	vst v63  }
0x34: {  	_ =	swait.ge [sflag:s12], $0x80  }
0x35: {  	[sflag:s12] =	ssyncset.done $0x0  }
0x36: {  	s19 =	sadd.s32 s19, s9;
	[sflag:s12] =	ssyncadd.s32 $0xFFFFFF80  }
0x37: {  	[tilespmem:s3], [sflag:$0x2] =	stream.linear.gather [hbm4b:s19+s3], $0x80, $0x38;
	[tilespmem:$0x1A100] =	vst v63  }
0x38: {  	_ =	swait.ge [sflag:s12], $0x80  }
0x39: {  	[sflag:s12] =	ssyncset.done $0x0  }
0x3a: {  	[sflag:s12] =	ssyncadd.s32 $0xFFFFFF80  }
0x3b: {  	v1 =	vld [tilespmem:$0x70]  }
0x3c: {  	v2 =	vld [tilespmem:$0x30]  }
0x3d: {  	v3 =	vld [tilespmem:$0x50]  }
0x3e: {  	v4 =	vld [tilespmem:$0x60]  }
0x3f: {  	v5 =	vld [tilespmem:$0x20]  }
0x40: {  	v6 =	vld [tilespmem:$0x10];
	v1 =	vadd.s32 v0, v1  }
0x41: {  	v2 =	vadd.s32 v0, v2;
	v7 =	vld [tilespmem:$0x40];
	[tilespmem:$0x70] =	vst v1  }
0x42: {  	v1 =	vld [tilespmem:$0x0];
	[tilespmem:$0x30] =	vst v2;
	v2 =	vadd.s32 v0, v3  }
0x43: {  	[tilespmem:$0x50] =	vst v2;
	v2 =	vadd.s32 v0, v4  }
.Ltmp0:
0x44: {  	v3 =	vadd.s32 v0, v5;
	[tilespmem:$0x60] =	vst v2;
	(pc) =	sbr.rel @p0 .LBB2_2-.Ltmp0, $4  }
0x45: {  	v2 =	vadd.s32 v0, v6;
	[tilespmem:$0x20] =	vst v3  }
0x46: {  	[tilespmem:$0x10] =	vst v2;
	v2 =	vadd.s32 v0, v7  }
0x47: {  	v1 =	vadd.s32 v0, v1;
	[tilespmem:$0x40] =	vst v2  }
0x48: {  	[tilespmem:$0x0] =	vst v1  }
0x49: {  	[tilespmem:s14], [sflag:$0x1] =	stream.indirect.gather [hbm4b:s4+s13], $0x20, s3, s13, $0xb8;
	[tilespmem:$0x1A100] =	vst v63  }
0x4a: {  	_ =	swait.ge [sflag:s15], $0x1000  }
0x4b: {  	[sflag:s15] =	ssyncset.done $0x0  }
0x4c: {  	[sflag:s15] =	ssyncadd.s32 $0xFFFFF000  }
0x4d: {  	[spmem:s2] =	stream.indirect.scatter.add.f32 [tilespmem:s14], [sflag:$0x2], $0x20, s13, s13, $0xb8;
	[tilespmem:$0x1A100] =	vst v63  }
0x4e: {  	_ =	swait.ge [sflag:s12], $0x1000  }
0x4f: {  	s17 =	sadd.s32 $0x1, s17;
	[sflag:s12] =	ssyncset.done $0x0  }
0x50: {  	p0 =	sne.s32 s17, s8;
	[sflag:s12] =	ssyncadd.s32 $0xFFFFF000  }
.Ltmp1:
0x51: {  	[bflag:$0x0] =	sbarrier.arrive $0xFFFF;
	(pc) =	sbr.rel @p0 .LBB2_1-.Ltmp1, $4  }
0x52: {  	[hbm:s7], [sflag:s6] =	dma.local [spmem:s16], $0x30E0  }
0x53: {  	_ =	swait.ge [sflag:s12], $0x30E0  }
0x54: {  	[sflag:s12] =	ssyncset.done $0x0  }
0x55: {  	[sflag:s12] =	ssyncadd.s32 $0xFFFFCF20  }
0x56: {  	_ =	sfence.sel $0x180000  }
0x57: {  	[bflag:$0x0] =	sbarrier.arrive $0xFFFF  }
0x58: {  	p0 =	sne.s32 s0, $0x0;
	_ =	strace $0x90000050  }
0x59: {  	s0 =	sadd.s32 @!p0 $0x100000, s1;
	[bflag:$0x2] =	sbarrier.arrive $0xFFFF  }
0x5a: {  	[sflag:s0] =	ssyncadd.tile.s32 @!p0 $0x1;
	_ =	shalt  }
.Lfunc_end2:
_tile_overlayer_lowered:
.L_overlay_start_2:
0x5b: {  	(tag) =	ssettag $0x2  }
0x5c: {  	s0 =	rddreg [dreg:$0x0];
	s2 =	stileid.u32  }
0x5d: {  	s1 =	rddreg [dreg:$0x1];
	p0 =	sne.s32 s2, $0x0  }
0x5e: {  	s3 =	rddreg [dreg:$0x2];
	[bflag:$0x3] =	sbarrier.arrive $0xFFFF;
	s2 =	simm.s32 @!p0 $0x1C02  }
0x5f: {  	[timem:s3], [sflag:s2] =	dma.local @!p0 [hbm:s0], s1  }
0x60: {  	s0 =	simm.s32 @!p0 $0x2  }
0x61: {  	_ =	swait.ge @!p0 [sflag:s0], s1  }
0x62: {  	s1 =	ssub.s32 @!p0 $0x0, s1;
	[sflag:s0] =	ssyncset.done @!p0 $0x0  }
0x63: {  	[sflag:s0] =	ssyncadd.s32 @!p0 s1  }
0x64: {  	[bflag:$0x3] =	sbarrier.arrive $0xFFFF  }
0x65: {  	_ =	shalt  }

// kernel: kernel.29.cloned.1.call-start
scs
__scs_entry_jumppad:
0x0: {  	(pc) =	sbr.rel $0x88, $3  }
0x1: {  	(tag) =	ssettag $0x0;
	lr =	simm.s32 $0x1  }
0x2: {  	[smem:$0x3F90] =	sst lr;
	_ =	strace $0xD0000000  }
0x3: {  	_ = 	snop  }
0x4: {  	_ = 	snop  }
0x5: {  	_ = 	snop  }
0x6: {  	_ = 	snop  }
0x7: {  	_ = 	snop  }
__scs_overlays_trampoline_lowered:
0x8: {  	[smem:$0x3F9F] =	sst s0  }
0x9: {  	[smem:$0x3FA0] =	sst s1  }
0xa: {  	[smem:$0x3FA1] =	sst s2  }
0xb: {  	[smem:$0x3FA2] =	sst s3  }
0xc: {  	[smem:$0x3FA3] =	sst s4  }
0xd: {  	[smem:$0x3FA4] =	sst s5  }
0xe: {  	[smem:$0x3FA5] =	sst s6  }
0xf: {  	[smem:$0x3FA6] =	sst s7  }
0x10: {  	[smem:$0x3FA7] =	sst s8  }
0x11: {  	[smem:$0x3FA8] =	sst s9;
	s0 =	simm.s32 @!p0 $0x0  }
0x12: {  	s1 =	sld [smem:$0x3F8E];
	s0 =	simm.s32 @p0 $0x1  }
0x13: {  	[smem:$0x3FA9] =	sst s0;
	s0 =	simm.s32 @!p1 $0x0  }
0x14: {  	s2 =	sld [smem:$0x3F8D];
	s0 =	simm.s32 @p1 $0x1  }
0x15: {  	[smem:$0x3FAA] =	sst s0;
	s0 =	simm.s32 @!p2 $0x0  }
0x16: {  	s3 =	sld [smem:$0x3FDB];
	s0 =	simm.s32 @p2 $0x1  }
0x17: {  	s4 =	simm.s32 $0x1BF5;
	[smem:$0x3FAC] =	sst s0  }
0x18: {  	s0 =	sld [smem:$0x3F8F];
	_ =	swait.ge [sflag:s4], $0x0  }
0x19: {  	s7 =	sld [smem:$0x3F90]  }
0x1a: {  	s8 =	sadd.s32 $0xFFFFE003, lr  }
0x1b: {  	s9 =	sadd.s32 $0xFFFFFEF7, lr;
	s5 =	simm.s32 $0xFFFFFFFF;
	p2 =	slt.u32 s8, $0xFFFFF086  }
0x1c: {  	p1 =	slt.u32 s9, $0xF7A;
	s5 =	simm.s32 @!p2 $0x0  }
0x1d: {  	s5 =	simm.s32 @p1 $0x1;
	p0 =	seq.s32 s7, s2  }
0x1e: {  	s7 =	smul.u32 @!p0 $0xF7A, s2;
	p2 =	seq.s32 @!p0 s5, $0x0  }
0x1f: {  	s9 =	smul.u32 $0xF7A, s1;
	s8 =	simm.s32 @!p0 $0x1BF5;
	p2 =	por !p2, p0  }
0x20: {  	[sflag:s8] =	ssyncset.s32 @!p0 $0xFFFFF086;
	s6 =	sadd.s32 @!p0 s3, s7;
	s7 =	simm.s32 @!p0 $0x108  }
0x21: {  	s3 =	sadd.s32 s3, s9;
	s6 =	sadd.s32 @!p0 $0x88, s6;
	s7 =	simm.s32 @p2 $0x1082  }
0x22: {  	[simem:s7], [sflag:s8] =	dma.local @!p0 [hbm:s6], $0xF7A  }
0x23: {  	s9 =	sor.u32 $0xD0000000, s2;
	s6 =	simm.s32 $0x108;
	_ =	swait.ge @!p0 [sflag:s8], $0x0  }
0x24: {  	s3 =	sadd.s32 $0x88, s3;
	s6 =	simm.s32 @!p1 $0x1082;
	[sflag:s4] =	ssyncset.s32 $0xFFFFF086  }
0x25: {  	[simem:s6], [sflag:s4] =	dma.local [hbm:s3], $0xF7A  }
0x26: {  	[smem:$0x3F90] =	sst s1;
	(tag) =	ssettag s2;
	_ =	strace s9  }
0x27: {  	s1 =	sld [smem:$0x3FA0]  }
0x28: {  	s2 =	sld [smem:$0x3FA1]  }
0x29: {  	s4 =	sld [smem:$0x3FA3]  }
0x2a: {  	p0 =	seq.s32 s5, $0x0;
	s5 =	sld [smem:$0x3FA4]  }
0x2b: {  	s6 =	sld [smem:$0x3FA5]  }
0x2c: {  	s7 =	sld [smem:$0x3FA6]  }
0x2d: {  	s3 =	simm.s32 $0x108;
	s8 =	sld [smem:$0x3FA7]  }
0x2e: {  	s3 =	simm.s32 @!p0 $0x1082;
	s9 =	sld [smem:$0x3FA8]  }
0x2f: {  	lr =	sadd.s32 s0, s3;
	s0 =	sld [smem:$0x3F9F]  }
0x30: {  	s3 =	sld [smem:$0x3FA2]  }
0x31: {  	[smem:$0x3FAB] =	sst s10  }
0x32: {  	s10 =	sld [smem:$0x3FA9];
	_ =	sdelay $0x3  }
0x33: {  	p0 =	seq.s32 s10, $0x1;
	s10 =	sld [smem:$0x3FAB];
	_ =	sdelay $0x3  }
0x34: {  	[smem:$0x3FAB] =	sst s10  }
0x35: {  	s10 =	sld [smem:$0x3FAA];
	_ =	sdelay $0x3  }
0x36: {  	p1 =	seq.s32 s10, $0x1;
	s10 =	sld [smem:$0x3FAB];
	_ =	sdelay $0x3  }
0x37: {  	[smem:$0x3FAB] =	sst s10  }
0x38: {  	s10 =	sld [smem:$0x3FAC]  }
0x39: {  	_ = 	snop;
	(pc) =	sbr.ind lr, $3  }
0x3a: {  	_ = 	snop  }
0x3b: {  	_ = 	snop  }
0x3c: {  	p2 =	seq.s32 s10, $0x1;
	s10 =	sld [smem:$0x3FAB]  }
0x3d: {  	_ =	shalt  }
0x3e: {  	_ =	shalt  }
0x3f: {  	_ =	shalt  }
0x40: {  	_ =	shalt  }
0x41: {  	_ =	shalt  }
0x42: {  	_ =	shalt  }
0x43: {  	_ =	shalt  }
0x44: {  	_ =	shalt  }
0x45: {  	_ =	shalt  }
0x46: {  	_ =	shalt  }
0x47: {  	_ =	shalt  }
0x48: {  	_ =	shalt  }
0x49: {  	_ =	shalt  }
0x4a: {  	_ =	shalt  }
0x4b: {  	_ =	shalt  }
0x4c: {  	_ =	shalt  }
0x4d: {  	_ =	shalt  }
0x4e: {  	_ =	shalt  }
0x4f: {  	_ =	shalt  }
0x50: {  	_ =	shalt  }
0x51: {  	_ =	shalt  }
0x52: {  	_ =	shalt  }
0x53: {  	_ =	shalt  }
0x54: {  	_ =	shalt  }
0x55: {  	_ =	shalt  }
0x56: {  	_ =	shalt  }
0x57: {  	_ =	shalt  }
0x58: {  	_ =	shalt  }
0x59: {  	_ =	shalt  }
0x5a: {  	_ =	shalt  }
0x5b: {  	_ =	shalt  }
0x5c: {  	_ =	shalt  }
0x5d: {  	_ =	shalt  }
0x5e: {  	_ =	shalt  }
0x5f: {  	_ =	shalt  }
0x60: {  	_ =	shalt  }
0x61: {  	_ =	shalt  }
0x62: {  	_ =	shalt  }
0x63: {  	_ =	shalt  }
0x64: {  	_ =	shalt  }
0x65: {  	_ =	shalt  }
0x66: {  	_ =	shalt  }
0x67: {  	_ =	shalt  }
0x68: {  	_ =	shalt  }
0x69: {  	_ =	shalt  }
0x6a: {  	_ =	shalt  }
0x6b: {  	_ =	shalt  }
0x6c: {  	_ =	shalt  }
0x6d: {  	_ =	shalt  }
0x6e: {  	_ =	shalt  }
0x6f: {  	_ =	shalt  }
0x70: {  	_ =	shalt  }
0x71: {  	_ =	shalt  }
0x72: {  	_ =	shalt  }
0x73: {  	_ =	shalt  }
0x74: {  	_ =	shalt  }
0x75: {  	_ =	shalt  }
0x76: {  	_ =	shalt  }
0x77: {  	_ =	shalt  }
0x78: {  	_ =	shalt  }
0x79: {  	_ =	shalt  }
0x7a: {  	_ =	shalt  }
0x7b: {  	_ =	shalt  }
0x7c: {  	_ =	shalt  }
0x7d: {  	_ =	shalt  }
0x7e: {  	_ =	shalt  }
0x7f: {  	_ =	shalt  }
0x80: {  	_ =	shalt  }
0x81: {  	_ =	shalt  }
0x82: {  	_ =	shalt  }
0x83: {  	_ =	shalt  }
0x84: {  	_ =	shalt  }
0x85: {  	_ =	shalt  }
0x86: {  	_ =	shalt  }
0x87: {  	_ =	shalt  }
.Lfunc_end0:
.L_simem_size_0:
called_computation.4_lowered:
.L_overlay_start_0:
0x88: {  	s2 =	sld [smem:$0x3FD9]  }
0x89: {  	s3 =	sld [smem:$0x3FFE];
	_ =	sdelay $0x1  }
0x8a: {  	s1 =	srdreg.scid  }
0x8b: {  	s0 =	sand.u32 $0x1, s1  }
0x8c: {  	s16 =	sshll.u32 s0, $0xA;
	s2 =	sadd.s32 s3, s2  }
0x8d: {  	s2 =	sadd.s32 s2, s16  }
0x8e: {  	[smem:$0x3FB7] =	sst s2  }
0x8f: {  	_ = 	snop  }
0x90: {  	(tm) =	ssettm $0x1  }
0x91: {  	s17 =	sld [smem:$0x3FFB];
	_ =	sdelay $0x3  }
0x92: {  	_ =	strace s17  }
0x93: {  	s2 =	sld [smem:$0x3FFC];
	_ =	sdelay $0x3  }
0x94: {  	_ =	strace s2  }
0x95: {  	s2 =	sld [smem:$0x3FFD];
	_ =	sdelay $0x3  }
0x96: {  	_ =	strace s2  }
0x97: {  	_ =	strace $0x8FFFFFFF  }
0x98: {  	s18 =	sld [smem:$0x3FDB];
	_ =	sdelay $0x1  }
0x99: {  	s19 =	simm.s32 $_scs_section_size  }
0x9a: {  	s4 =	simm.s32 $_size__tile_overlayer_lowered;
	s5 =	simm.s32 $_tile_overlayer_lowered  }
0x9b: {  	s22 =	simm.s32 $0x1BFF;
	s21 =	sshll.u32 s5, $0x1;
	s2 =	sadd.s32 s19, s18  }
0x9c: {  	s6 =	simm.s32 $0x0;
	s20 =	sshll.u32 s4, $0x1;
	s4 =	sadd.s32 s21, s2  }
0x9d: {  	[timem:s6], [sflag:s22] =	dma.local [hbm:s4], s20  }
0x9e: {  	_ =	swait.ge [sflag:s22], s20  }
0x9f: {  	s3 =	ssub.s32 $0x0, s20;
	[sflag:s22] =	ssyncset.done $0x0  }
0xa0: {  	[sflag:s22] =	ssyncadd.s32 s3;
	_ =	sdelay $0x1  }
0xa1: {  	s23 =	simm.s32 $0x1B8B  }
0xa2: {  	_ =	swait.ge [sflag:s23], $0x1  }
0xa3: {  	[sflag:s23] =	ssyncset.done $0x0  }
0xa4: {  	s25 =	simm.s32 $0x1B8E;
	s24 =	sld [smem:$0x3FFE];
	[sflag:s23] =	ssyncadd.s32 $0xFFFFFFFF  }
0xa5: {  	s26 =	simm.s32 $execute0_lowered;
	[smem:$0x3FD2] =	sst s25  }
0xa6: {  	s4 =	sshll.u32 s26, $0x1;
	_ =	strace $0x80000052;
	[dreg:$0x1] =	wrdreg $0xFFFFFFFF  }
0xa7: {  	s28 =	simm.s32 $_size_execute0_lowered;
	s2 =	sadd.s32 s2, s4;
	[dreg:$0x0] =	wrdreg $0x0  }
0xa8: {  	s4 =	sshll.u32 s28, $0x1;
	[dreg:$0x2] =	wrdreg s2  }
0xa9: {  	[dreg:$0x3] =	wrdreg s4  }
0xaa: {  	[dreg:$0x4] =	wrdreg $0xC0  }
0xab: {  	_ =	task [dreg:s6], $0x5FFFF  }
0xac: {  	[dreg:$0x1] =	wrdreg $0xFFFFFFFF  }
0xad: {  	[dreg:$0x0] =	wrdreg $0x60  }
0xae: {  	[dreg:$0x2] =	wrdreg s24  }
0xaf: {  	[dreg:$0x3] =	wrdreg $0x11000  }
0xb0: {  	[dreg:$0x4] =	wrdreg $0x9  }
0xb1: {  	_ =	task.clear_ibuf [dreg:s6], $0x5FFFF;
	_ =	strace $0x90000052  }
0xb2: {  	s29 =	simm.s32 $0x9;
	_ =	strace $0x80000054  }
0xb3: {  	_ =	swait.ge [sflag:s29], $0x1  }
0xb4: {  	[sflag:s29] =	ssyncadd.s32 $0xFFFFFFFF  }
0xb5: {  	_ =	strace $0x90000054  }
0xb6: {  	_ =	sfence  }
0xb7: {  	s30 =	sld [smem:$0x0];
	_ =	sdelay $0x2  }
0xb8: {  	s31 =	sshll.u32 s1, $0xD;
	s1 =	sshrl.u32 s1, $0x2  }
0xb9: {  	s3 =	sand.u32 $0x4000, s31;
	s1 =	sadd.s32 s1, s30  }
0xba: {  	s0 =	sor.u32 s3, s0;
	s1 =	sshll.u32 s1, $0x11  }
0xbb: {  	s0 =	sor.u32 s1, s0  }
0xbc: {  	s0 =	sadd.s32 $0x8F2B, s0  }
0xbd: {  	[sflag:s0] =	ssyncadd.remote.s32 $0x1  }
0xbe: {  	_ =	sfence.sel $0xFFFF  }
0xbf: {  	[dreg:$0x0] =	wrdreg $0xFFFFFFFF;
	(pc) =	sbr.abs _section_cstart, $3  }
0xc0: {  	[dreg:$0x1] =	wrdreg $0xFFFFFFFF  }
0xc1: {  	_ =	task.clear_ibuf [dreg:s6], $0x2FFFF;
	_ =	strace $0x9FFFFFFF  }
0xc2: {  	(tm) =	ssettm $0x7FFFFFFF  }
0xc3: {  	_ =	shalt  }
tec
execute0_lowered:
.L_overlay_start_1:
0x0: {  	(tag) =	ssettag $0x1  }
0x1: {  	s6 =	rddreg [dreg:$0x0];
	s0 =	stileid.u32  }
0x2: {  	s1 =	srdreg.scid;
	s2 =	rddreg [dreg:$0x1]  }
0x3: {  	s3 =	simm.s32 $0x0;
	s14 =	simm.s32 $0x100;
	s5 =	smul.u32 $0x9E0, s0  }
0x4: {  	s7 =	sand.u32 $0x1, s1;
	s1 =	rddreg [dreg:$0x2];
	s9 =	smul.u32 $0x30E0, s0  }
0x5: {  	s17 =	simm.s32 $0x0;
	[smem:$0x7FF] =	sst s3;
	s28 =	smul.u32 $0x64000, s0  }
0x6: {  	s4 =	sadd.s32 $0x3C00, s6;
	s12 =	smul.u32 $0x61C00, s0;
	s30 =	sshll.u32 s0, $0x6  }
0x7: {  	s8 =	smul.u32 $0x30E00, s7;
	_ =	strace $0x80000053;
	s29 =	ssub.s32 $0x2, s7  }
0x8: {  	s15 =	smul.u32 $0x2710, s7;
	s10 =	sadd.s32 s5, s6;
	s5 =	sadd.s32 $0x52400, s6  }
0x9: {  	s11 =	sshrl.u32 s29, $0x1;
	s31 =	sshrl.u32 s12, $0x2;
	s12 =	simm.s32 $0x2  }
0xa: {  	s8 =	sadd.s32 s9, s8;
	s9 =	sshrl.u32 s28, $0x2;
	s11 =	ssub.s32 s29, s11  }
0xb: {  	s16 =	sadd.s32 s31, s2;
	v0 =	vmov s15;
	s15 =	simm.s32 $0x1;
	s8 =	sadd.s32 s8, s6  }
0xc: {  	s13 =	sadd.s32 s9, s2;
	s6 =	sor.u32 $0x1C02, s30;
	s9 =	sadd.s32 $0x48600, s10  }
0xd: {  	s10 =	sadd.s32 $0x3E800, s10;
	s16 =	sshrl.u32 s16, $0x3;
	s7 =	sadd.s32 $0x7CA00, s8  }
0xe: {  	s8 =	smax.u32 s11, $0x1;
	s11 =	sshrl.u32 s13, $0x3;
	s13 =	simm.s32 $0x80  }
.LBB2_1:
0xf: {  	[spmem:s11], [sflag:s6] =	dma.local [hbm:s5], $0x3200  }
0x10: {  	_ =	swait.ge [sflag:s12], $0x3200  }
0x11: {  	[sflag:s12] =	ssyncset.done $0x0  }
0x12: {  	[sflag:s12] =	ssyncadd.s32 $0xFFFFCE00  }
0x13: {  	s18 =	sadd.s32 $0x0, s10;
	[bflag:$0x0] =	sbarrier.arrive $0xFFFF  }
0x14: {  	[tilespmem:s13], [sflag:$0x2] =	stream.linear.gather [hbm4b:s18+s3], $0x80, $0x38;
	[tilespmem:$0x1A100] =	vst v63  }
0x15: {  	_ =	swait.ge [sflag:s12], $0x80  }
0x16: {  	[sflag:s12] =	ssyncset.done $0x0  }
0x17: {  	s31 =	sadd.s32 $0x0, s9;
	[sflag:s12] =	ssyncadd.s32 $0xFFFFFF80  }
0x18: {  	[tilespmem:s3], [sflag:$0x2] =	stream.linear.gather [hbm4b:s31+s3], $0x80, $0x38;
	[tilespmem:$0x1A100] =	vst v63  }
0x19: {  	_ =	swait.ge [sflag:s12], $0x80  }
0x1a: {  	[sflag:s12] =	ssyncset.done $0x0  }
0x1b: {  	[sflag:s12] =	ssyncadd.s32 $0xFFFFFF80  }
0x1c: {  	v1 =	vld [tilespmem:$0x70]  }
0x1d: {  	v2 =	vld [tilespmem:$0x30]  }
0x1e: {  	v3 =	vld [tilespmem:$0x50]  }
0x1f: {  	v5 =	vld [tilespmem:$0x20]  }
0x20: {  	v4 =	vld [tilespmem:$0x60]  }
0x21: {  	v6 =	vld [tilespmem:$0x10];
	v1 =	vadd.s32 v0, v1  }
0x22: {  	v7 =	vld [tilespmem:$0x40];
	v2 =	vadd.s32 v0, v2;
	[tilespmem:$0x70] =	vst v1  }
0x23: {  	v1 =	vld [tilespmem:$0x0];
	[tilespmem:$0x30] =	vst v2;
	v2 =	vadd.s32 v0, v3  }
0x24: {  	v3 =	vadd.s32 v0, v5;
	[tilespmem:$0x50] =	vst v2  }
0x25: {  	v2 =	vadd.s32 v0, v4;
	[tilespmem:$0x20] =	vst v3  }
0x26: {  	[tilespmem:$0x60] =	vst v2;
	v2 =	vadd.s32 v0, v6  }
0x27: {  	[tilespmem:$0x10] =	vst v2;
	v2 =	vadd.s32 v0, v7  }
0x28: {  	[tilespmem:$0x40] =	vst v2;
	v1 =	vadd.s32 v0, v1  }
0x29: {  	s18 =	simm.s32 $0x10;
	[tilespmem:$0x0] =	vst v1  }
.LBB2_2:
0x2a: {  	[tilespmem:s14], [sflag:$0x1] =	stream.indirect.gather [hbm4b:s4+s13], $0x20, s3, s13, $0xb8;
	[tilespmem:$0x1A100] =	vst v63  }
0x2b: {  	s19 =	smov.u32 s18  }
0x2c: {  	p0 =	sne.s32 s18, $0x9D0;
	s18 =	sadd.s32 $0x10, s18;
	_ =	swait.ge [sflag:s15], $0x1000  }
0x2d: {  	[sflag:s15] =	ssyncset.done $0x0  }
0x2e: {  	[sflag:s15] =	ssyncadd.s32 $0xFFFFF000  }
0x2f: {  	[spmem:s2] =	stream.indirect.scatter.add.f32 [tilespmem:s14], [sflag:$0x2], $0x20, s13, s13, $0xb8;
	[tilespmem:$0x1A100] =	vst v63  }
0x30: {  	_ =	swait.ge [sflag:s12], $0x1000  }
0x31: {  	[sflag:s12] =	ssyncset.done $0x0  }
0x32: {  	s20 =	sadd.s32 s19, s10;
	[sflag:s12] =	ssyncadd.s32 $0xFFFFF000  }
0x33: {  	[tilespmem:s13], [sflag:$0x2] =	stream.linear.gather [hbm4b:s20+s3], $0x80, $0x38;
	[tilespmem:$0x1A100] =	vst v63  }
0x34: {  	_ =	swait.ge [sflag:s12], $0x80  }
0x35: {  	[sflag:s12] =	ssyncset.done $0x0  }
0x36: {  	s19 =	sadd.s32 s19, s9;
	[sflag:s12] =	ssyncadd.s32 $0xFFFFFF80  }
0x37: {  	[tilespmem:s3], [sflag:$0x2] =	stream.linear.gather [hbm4b:s19+s3], $0x80, $0x38;
	[tilespmem:$0x1A100] =	vst v63  }
0x38: {  	_ =	swait.ge [sflag:s12], $0x80  }
0x39: {  	[sflag:s12] =	ssyncset.done $0x0  }
0x3a: {  	[sflag:s12] =	ssyncadd.s32 $0xFFFFFF80  }
0x3b: {  	v1 =	vld [tilespmem:$0x70]  }
0x3c: {  	v2 =	vld [tilespmem:$0x30]  }
0x3d: {  	v3 =	vld [tilespmem:$0x50]  }
0x3e: {  	v4 =	vld [tilespmem:$0x60]  }
0x3f: {  	v5 =	vld [tilespmem:$0x20]  }
0x40: {  	v6 =	vld [tilespmem:$0x10];
	v1 =	vadd.s32 v0, v1  }
0x41: {  	v2 =	vadd.s32 v0, v2;
	v7 =	vld [tilespmem:$0x40];
	[tilespmem:$0x70] =	vst v1  }
0x42: {  	v1 =	vld [tilespmem:$0x0];
	[tilespmem:$0x30] =	vst v2;
	v2 =	vadd.s32 v0, v3  }
0x43: {  	[tilespmem:$0x50] =	vst v2;
	v2 =	vadd.s32 v0, v4  }
.Ltmp0:
0x44: {  	v3 =	vadd.s32 v0, v5;
	[tilespmem:$0x60] =	vst v2;
	(pc) =	sbr.rel @p0 .LBB2_2-.Ltmp0, $4  }
0x45: {  	v2 =	vadd.s32 v0, v6;
	[tilespmem:$0x20] =	vst v3  }
0x46: {  	[tilespmem:$0x10] =	vst v2;
	v2 =	vadd.s32 v0, v7  }
0x47: {  	v1 =	vadd.s32 v0, v1;
	[tilespmem:$0x40] =	vst v2  }
0x48: {  	[tilespmem:$0x0] =	vst v1  }
0x49: {  	[tilespmem:s14], [sflag:$0x1] =	stream.indirect.gather [hbm4b:s4+s13], $0x20, s3, s13, $0xb8;
	[tilespmem:$0x1A100] =	vst v63  }
0x4a: {  	_ =	swait.ge [sflag:s15], $0x1000  }
0x4b: {  	[sflag:s15] =	ssyncset.done $0x0  }
0x4c: {  	[sflag:s15] =	ssyncadd.s32 $0xFFFFF000  }
0x4d: {  	[spmem:s2] =	stream.indirect.scatter.add.f32 [tilespmem:s14], [sflag:$0x2], $0x20, s13, s13, $0xb8;
	[tilespmem:$0x1A100] =	vst v63  }
0x4e: {  	_ =	swait.ge [sflag:s12], $0x1000  }
0x4f: {  	s17 =	sadd.s32 $0x1, s17;
	[sflag:s12] =	ssyncset.done $0x0  }
0x50: {  	p0 =	sne.s32 s17, s8;
	[sflag:s12] =	ssyncadd.s32 $0xFFFFF000  }
.Ltmp1:
0x51: {  	[bflag:$0x0] =	sbarrier.arrive $0xFFFF;
	(pc) =	sbr.rel @p0 .LBB2_1-.Ltmp1, $4  }
0x52: {  	[hbm:s7], [sflag:s6] =	dma.local [spmem:s16], $0x30E0  }
0x53: {  	_ =	swait.ge [sflag:s12], $0x30E0  }
0x54: {  	[sflag:s12] =	ssyncset.done $0x0  }
0x55: {  	[sflag:s12] =	ssyncadd.s32 $0xFFFFCF20  }
0x56: {  	_ =	sfence.sel $0x180000  }
0x57: {  	[bflag:$0x0] =	sbarrier.arrive $0xFFFF  }
0x58: {  	p0 =	sne.s32 s0, $0x0;
	_ =	strace $0x90000053  }
0x59: {  	s0 =	sadd.s32 @!p0 $0x100000, s1;
	[bflag:$0x2] =	sbarrier.arrive $0xFFFF  }
0x5a: {  	[sflag:s0] =	ssyncadd.tile.s32 @!p0 $0x1;
	_ =	shalt  }
.Lfunc_end2:
_tile_overlayer_lowered:
.L_overlay_start_2:
0x5b: {  	(tag) =	ssettag $0x2  }
0x5c: {  	s0 =	rddreg [dreg:$0x0];
	s2 =	stileid.u32  }
0x5d: {  	s1 =	rddreg [dreg:$0x1];
	p0 =	sne.s32 s2, $0x0  }
0x5e: {  	s3 =	rddreg [dreg:$0x2];
	[bflag:$0x3] =	sbarrier.arrive $0xFFFF;
	s2 =	simm.s32 @!p0 $0x1C02  }
0x5f: {  	[timem:s3], [sflag:s2] =	dma.local @!p0 [hbm:s0], s1  }
0x60: {  	s0 =	simm.s32 @!p0 $0x2  }
0x61: {  	_ =	swait.ge @!p0 [sflag:s0], s1  }
0x62: {  	s1 =	ssub.s32 @!p0 $0x0, s1;
	[sflag:s0] =	ssyncset.done @!p0 $0x0  }
0x63: {  	[sflag:s0] =	ssyncadd.s32 @!p0 s1  }
0x64: {  	[bflag:$0x3] =	sbarrier.arrive $0xFFFF  }
0x65: {  	_ =	shalt  }

// kernel: kernel.32.cloned.1.call-start
scs
__scs_entry_jumppad:
0x0: {  	(pc) =	sbr.rel $0x88, $3  }
0x1: {  	(tag) =	ssettag $0x0;
	lr =	simm.s32 $0x1  }
0x2: {  	[smem:$0x3F90] =	sst lr;
	_ =	strace $0xD0000000  }
0x3: {  	_ = 	snop  }
0x4: {  	_ = 	snop  }
0x5: {  	_ = 	snop  }
0x6: {  	_ = 	snop  }
0x7: {  	_ = 	snop  }
__scs_overlays_trampoline_lowered:
0x8: {  	[smem:$0x3F9F] =	sst s0  }
0x9: {  	[smem:$0x3FA0] =	sst s1  }
0xa: {  	[smem:$0x3FA1] =	sst s2  }
0xb: {  	[smem:$0x3FA2] =	sst s3  }
0xc: {  	[smem:$0x3FA3] =	sst s4  }
0xd: {  	[smem:$0x3FA4] =	sst s5  }
0xe: {  	[smem:$0x3FA5] =	sst s6  }
0xf: {  	[smem:$0x3FA6] =	sst s7  }
0x10: {  	[smem:$0x3FA7] =	sst s8  }
0x11: {  	[smem:$0x3FA8] =	sst s9;
	s0 =	simm.s32 @!p0 $0x0  }
0x12: {  	s1 =	sld [smem:$0x3F8E];
	s0 =	simm.s32 @p0 $0x1  }
0x13: {  	[smem:$0x3FA9] =	sst s0;
	s0 =	simm.s32 @!p1 $0x0  }
0x14: {  	s2 =	sld [smem:$0x3F8D];
	s0 =	simm.s32 @p1 $0x1  }
0x15: {  	[smem:$0x3FAA] =	sst s0;
	s0 =	simm.s32 @!p2 $0x0  }
0x16: {  	s3 =	sld [smem:$0x3FDB];
	s0 =	simm.s32 @p2 $0x1  }
0x17: {  	s4 =	simm.s32 $0x1BF5;
	[smem:$0x3FAC] =	sst s0  }
0x18: {  	s0 =	sld [smem:$0x3F8F];
	_ =	swait.ge [sflag:s4], $0x0  }
0x19: {  	s7 =	sld [smem:$0x3F90]  }
0x1a: {  	s8 =	sadd.s32 $0xFFFFE003, lr  }
0x1b: {  	s9 =	sadd.s32 $0xFFFFFEF7, lr;
	s5 =	simm.s32 $0xFFFFFFFF;
	p2 =	slt.u32 s8, $0xFFFFF086  }
0x1c: {  	p1 =	slt.u32 s9, $0xF7A;
	s5 =	simm.s32 @!p2 $0x0  }
0x1d: {  	s5 =	simm.s32 @p1 $0x1;
	p0 =	seq.s32 s7, s2  }
0x1e: {  	s7 =	smul.u32 @!p0 $0xF7A, s2;
	p2 =	seq.s32 @!p0 s5, $0x0  }
0x1f: {  	s9 =	smul.u32 $0xF7A, s1;
	s8 =	simm.s32 @!p0 $0x1BF5;
	p2 =	por !p2, p0  }
0x20: {  	[sflag:s8] =	ssyncset.s32 @!p0 $0xFFFFF086;
	s6 =	sadd.s32 @!p0 s3, s7;
	s7 =	simm.s32 @!p0 $0x108  }
0x21: {  	s3 =	sadd.s32 s3, s9;
	s6 =	sadd.s32 @!p0 $0x88, s6;
	s7 =	simm.s32 @p2 $0x1082  }
0x22: {  	[simem:s7], [sflag:s8] =	dma.local @!p0 [hbm:s6], $0xF7A  }
0x23: {  	s9 =	sor.u32 $0xD0000000, s2;
	s6 =	simm.s32 $0x108;
	_ =	swait.ge @!p0 [sflag:s8], $0x0  }
0x24: {  	s3 =	sadd.s32 $0x88, s3;
	s6 =	simm.s32 @!p1 $0x1082;
	[sflag:s4] =	ssyncset.s32 $0xFFFFF086  }
0x25: {  	[simem:s6], [sflag:s4] =	dma.local [hbm:s3], $0xF7A  }
0x26: {  	[smem:$0x3F90] =	sst s1;
	(tag) =	ssettag s2;
	_ =	strace s9  }
0x27: {  	s1 =	sld [smem:$0x3FA0]  }
0x28: {  	s2 =	sld [smem:$0x3FA1]  }
0x29: {  	s4 =	sld [smem:$0x3FA3]  }
0x2a: {  	p0 =	seq.s32 s5, $0x0;
	s5 =	sld [smem:$0x3FA4]  }
0x2b: {  	s6 =	sld [smem:$0x3FA5]  }
0x2c: {  	s7 =	sld [smem:$0x3FA6]  }
0x2d: {  	s3 =	simm.s32 $0x108;
	s8 =	sld [smem:$0x3FA7]  }
0x2e: {  	s3 =	simm.s32 @!p0 $0x1082;
	s9 =	sld [smem:$0x3FA8]  }
0x2f: {  	lr =	sadd.s32 s0, s3;
	s0 =	sld [smem:$0x3F9F]  }
0x30: {  	s3 =	sld [smem:$0x3FA2]  }
0x31: {  	[smem:$0x3FAB] =	sst s10  }
0x32: {  	s10 =	sld [smem:$0x3FA9];
	_ =	sdelay $0x3  }
0x33: {  	p0 =	seq.s32 s10, $0x1;
	s10 =	sld [smem:$0x3FAB];
	_ =	sdelay $0x3  }
0x34: {  	[smem:$0x3FAB] =	sst s10  }
0x35: {  	s10 =	sld [smem:$0x3FAA];
	_ =	sdelay $0x3  }
0x36: {  	p1 =	seq.s32 s10, $0x1;
	s10 =	sld [smem:$0x3FAB];
	_ =	sdelay $0x3  }
0x37: {  	[smem:$0x3FAB] =	sst s10  }
0x38: {  	s10 =	sld [smem:$0x3FAC]  }
0x39: {  	_ = 	snop;
	(pc) =	sbr.ind lr, $3  }
0x3a: {  	_ = 	snop  }
0x3b: {  	_ = 	snop  }
0x3c: {  	p2 =	seq.s32 s10, $0x1;
	s10 =	sld [smem:$0x3FAB]  }
0x3d: {  	_ =	shalt  }
0x3e: {  	_ =	shalt  }
0x3f: {  	_ =	shalt  }
0x40: {  	_ =	shalt  }
0x41: {  	_ =	shalt  }
0x42: {  	_ =	shalt  }
0x43: {  	_ =	shalt  }
0x44: {  	_ =	shalt  }
0x45: {  	_ =	shalt  }
0x46: {  	_ =	shalt  }
0x47: {  	_ =	shalt  }
0x48: {  	_ =	shalt  }
0x49: {  	_ =	shalt  }
0x4a: {  	_ =	shalt  }
0x4b: {  	_ =	shalt  }
0x4c: {  	_ =	shalt  }
0x4d: {  	_ =	shalt  }
0x4e: {  	_ =	shalt  }
0x4f: {  	_ =	shalt  }
0x50: {  	_ =	shalt  }
0x51: {  	_ =	shalt  }
0x52: {  	_ =	shalt  }
0x53: {  	_ =	shalt  }
0x54: {  	_ =	shalt  }
0x55: {  	_ =	shalt  }
0x56: {  	_ =	shalt  }
0x57: {  	_ =	shalt  }
0x58: {  	_ =	shalt  }
0x59: {  	_ =	shalt  }
0x5a: {  	_ =	shalt  }
0x5b: {  	_ =	shalt  }
0x5c: {  	_ =	shalt  }
0x5d: {  	_ =	shalt  }
0x5e: {  	_ =	shalt  }
0x5f: {  	_ =	shalt  }
0x60: {  	_ =	shalt  }
0x61: {  	_ =	shalt  }
0x62: {  	_ =	shalt  }
0x63: {  	_ =	shalt  }
0x64: {  	_ =	shalt  }
0x65: {  	_ =	shalt  }
0x66: {  	_ =	shalt  }
0x67: {  	_ =	shalt  }
0x68: {  	_ =	shalt  }
0x69: {  	_ =	shalt  }
0x6a: {  	_ =	shalt  }
0x6b: {  	_ =	shalt  }
0x6c: {  	_ =	shalt  }
0x6d: {  	_ =	shalt  }
0x6e: {  	_ =	shalt  }
0x6f: {  	_ =	shalt  }
0x70: {  	_ =	shalt  }
0x71: {  	_ =	shalt  }
0x72: {  	_ =	shalt  }
0x73: {  	_ =	shalt  }
0x74: {  	_ =	shalt  }
0x75: {  	_ =	shalt  }
0x76: {  	_ =	shalt  }
0x77: {  	_ =	shalt  }
0x78: {  	_ =	shalt  }
0x79: {  	_ =	shalt  }
0x7a: {  	_ =	shalt  }
0x7b: {  	_ =	shalt  }
0x7c: {  	_ =	shalt  }
0x7d: {  	_ =	shalt  }
0x7e: {  	_ =	shalt  }
0x7f: {  	_ =	shalt  }
0x80: {  	_ =	shalt  }
0x81: {  	_ =	shalt  }
0x82: {  	_ =	shalt  }
0x83: {  	_ =	shalt  }
0x84: {  	_ =	shalt  }
0x85: {  	_ =	shalt  }
0x86: {  	_ =	shalt  }
0x87: {  	_ =	shalt  }
.Lfunc_end0:
.L_simem_size_0:
called_computation.5_lowered:
.L_overlay_start_0:
0x88: {  	s2 =	sld [smem:$0x3FD9]  }
0x89: {  	s3 =	sld [smem:$0x3FFE];
	_ =	sdelay $0x1  }
0x8a: {  	s1 =	srdreg.scid  }
0x8b: {  	s0 =	sand.u32 $0x1, s1  }
0x8c: {  	s16 =	sshll.u32 s0, $0xA;
	s2 =	sadd.s32 s3, s2  }
0x8d: {  	s2 =	sadd.s32 s2, s16  }
0x8e: {  	[smem:$0x3FB7] =	sst s2  }
0x8f: {  	_ = 	snop  }
0x90: {  	(tm) =	ssettm $0x1  }
0x91: {  	s17 =	sld [smem:$0x3FFB];
	_ =	sdelay $0x3  }
0x92: {  	_ =	strace s17  }
0x93: {  	s2 =	sld [smem:$0x3FFC];
	_ =	sdelay $0x3  }
0x94: {  	_ =	strace s2  }
0x95: {  	s2 =	sld [smem:$0x3FFD];
	_ =	sdelay $0x3  }
0x96: {  	_ =	strace s2  }
0x97: {  	_ =	strace $0x8FFFFFFF  }
0x98: {  	s18 =	sld [smem:$0x3FDB];
	_ =	sdelay $0x1  }
0x99: {  	s19 =	simm.s32 $_scs_section_size  }
0x9a: {  	s4 =	simm.s32 $_size__tile_overlayer_lowered;
	s5 =	simm.s32 $_tile_overlayer_lowered  }
0x9b: {  	s22 =	simm.s32 $0x1BFF;
	s21 =	sshll.u32 s5, $0x1;
	s2 =	sadd.s32 s19, s18  }
0x9c: {  	s6 =	simm.s32 $0x0;
	s20 =	sshll.u32 s4, $0x1;
	s4 =	sadd.s32 s21, s2  }
0x9d: {  	[timem:s6], [sflag:s22] =	dma.local [hbm:s4], s20  }
0x9e: {  	_ =	swait.ge [sflag:s22], s20  }
0x9f: {  	s3 =	ssub.s32 $0x0, s20;
	[sflag:s22] =	ssyncset.done $0x0  }
0xa0: {  	[sflag:s22] =	ssyncadd.s32 s3;
	_ =	sdelay $0x1  }
0xa1: {  	s23 =	simm.s32 $0x1B8B  }
0xa2: {  	_ =	swait.ge [sflag:s23], $0x1  }
0xa3: {  	[sflag:s23] =	ssyncset.done $0x0  }
0xa4: {  	s25 =	simm.s32 $0x1B8E;
	s24 =	sld [smem:$0x3FFE];
	[sflag:s23] =	ssyncadd.s32 $0xFFFFFFFF  }
0xa5: {  	s26 =	simm.s32 $execute0_lowered;
	[smem:$0x3FD2] =	sst s25  }
0xa6: {  	s4 =	sshll.u32 s26, $0x1;
	_ =	strace $0x80000055;
	[dreg:$0x1] =	wrdreg $0xFFFFFFFF  }
0xa7: {  	s28 =	simm.s32 $_size_execute0_lowered;
	s2 =	sadd.s32 s2, s4;
	[dreg:$0x0] =	wrdreg $0x0  }
0xa8: {  	s4 =	sshll.u32 s28, $0x1;
	[dreg:$0x2] =	wrdreg s2  }
0xa9: {  	[dreg:$0x3] =	wrdreg s4  }
0xaa: {  	[dreg:$0x4] =	wrdreg $0xC0  }
0xab: {  	_ =	task [dreg:s6], $0x5FFFF  }
0xac: {  	[dreg:$0x1] =	wrdreg $0xFFFFFFFF  }
0xad: {  	[dreg:$0x0] =	wrdreg $0x60  }
0xae: {  	[dreg:$0x2] =	wrdreg s24  }
0xaf: {  	[dreg:$0x3] =	wrdreg $0x11000  }
0xb0: {  	[dreg:$0x4] =	wrdreg $0x9  }
0xb1: {  	_ =	task.clear_ibuf [dreg:s6], $0x5FFFF;
	_ =	strace $0x90000055  }
0xb2: {  	s29 =	simm.s32 $0x9;
	_ =	strace $0x80000057  }
0xb3: {  	_ =	swait.ge [sflag:s29], $0x1  }
0xb4: {  	[sflag:s29] =	ssyncadd.s32 $0xFFFFFFFF  }
0xb5: {  	_ =	strace $0x90000057  }
0xb6: {  	_ =	sfence  }
0xb7: {  	s30 =	sld [smem:$0x0];
	_ =	sdelay $0x2  }
0xb8: {  	s31 =	sshll.u32 s1, $0xD;
	s1 =	sshrl.u32 s1, $0x2  }
0xb9: {  	s3 =	sand.u32 $0x4000, s31;
	s1 =	sadd.s32 s1, s30  }
0xba: {  	s0 =	sor.u32 s3, s0;
	s1 =	sshll.u32 s1, $0x11  }
0xbb: {  	s0 =	sor.u32 s1, s0  }
0xbc: {  	s0 =	sadd.s32 $0x8F2B, s0  }
0xbd: {  	[sflag:s0] =	ssyncadd.remote.s32 $0x1  }
0xbe: {  	_ =	sfence.sel $0xFFFF  }
0xbf: {  	[dreg:$0x0] =	wrdreg $0xFFFFFFFF;
	(pc) =	sbr.abs _section_cstart, $3  }
0xc0: {  	[dreg:$0x1] =	wrdreg $0xFFFFFFFF  }
0xc1: {  	_ =	task.clear_ibuf [dreg:s6], $0x2FFFF;
	_ =	strace $0x9FFFFFFF  }
0xc2: {  	(tm) =	ssettm $0x7FFFFFFF  }
0xc3: {  	_ =	shalt  }
tec
execute0_lowered:
.L_overlay_start_1:
0x0: {  	(tag) =	ssettag $0x1  }
0x1: {  	s6 =	rddreg [dreg:$0x0];
	s0 =	stileid.u32  }
0x2: {  	s1 =	srdreg.scid;
	s2 =	rddreg [dreg:$0x1]  }
0x3: {  	s3 =	simm.s32 $0x0;
	s14 =	simm.s32 $0x100;
	s5 =	smul.u32 $0x9E0, s0  }
0x4: {  	s7 =	sand.u32 $0x1, s1;
	s1 =	rddreg [dreg:$0x2];
	s9 =	smul.u32 $0x30E0, s0  }
0x5: {  	s17 =	simm.s32 $0x0;
	[smem:$0x7FF] =	sst s3;
	s28 =	smul.u32 $0x64000, s0  }
0x6: {  	s4 =	sadd.s32 $0x2AE00, s6;
	s12 =	smul.u32 $0x61C00, s0;
	s30 =	sshll.u32 s0, $0x6  }
0x7: {  	s8 =	smul.u32 $0x30E00, s7;
	_ =	strace $0x80000056;
	s29 =	ssub.s32 $0x2, s7  }
0x8: {  	s15 =	smul.u32 $0x2710, s7;
	s10 =	sadd.s32 s5, s6;
	s5 =	sadd.s32 $0x52400, s6  }
0x9: {  	s11 =	sshrl.u32 s29, $0x1;
	s31 =	sshrl.u32 s12, $0x2;
	s12 =	simm.s32 $0x2  }
0xa: {  	s8 =	sadd.s32 s9, s8;
	s9 =	sshrl.u32 s28, $0x2;
	s11 =	ssub.s32 s29, s11  }
0xb: {  	s16 =	sadd.s32 s31, s2;
	v0 =	vmov s15;
	s15 =	simm.s32 $0x1;
	s8 =	sadd.s32 s8, s6  }
0xc: {  	s13 =	sadd.s32 s9, s2;
	s6 =	sor.u32 $0x1C02, s30;
	s9 =	sadd.s32 $0x48600, s10  }
0xd: {  	s10 =	sadd.s32 $0x3E800, s10;
	s16 =	sshrl.u32 s16, $0x3;
	s7 =	sadd.s32 $0x7CA00, s8  }
0xe: {  	s8 =	smax.u32 s11, $0x1;
	s11 =	sshrl.u32 s13, $0x3;
	s13 =	simm.s32 $0x80  }
.LBB2_1:
0xf: {  	[spmem:s11], [sflag:s6] =	dma.local [hbm:s5], $0x3200  }
0x10: {  	_ =	swait.ge [sflag:s12], $0x3200  }
0x11: {  	[sflag:s12] =	ssyncset.done $0x0  }
0x12: {  	[sflag:s12] =	ssyncadd.s32 $0xFFFFCE00  }
0x13: {  	s18 =	sadd.s32 $0x0, s10;
	[bflag:$0x0] =	sbarrier.arrive $0xFFFF  }
0x14: {  	[tilespmem:s13], [sflag:$0x2] =	stream.linear.gather [hbm4b:s18+s3], $0x80, $0x38;
	[tilespmem:$0x1A100] =	vst v63  }
0x15: {  	_ =	swait.ge [sflag:s12], $0x80  }
0x16: {  	[sflag:s12] =	ssyncset.done $0x0  }
0x17: {  	s31 =	sadd.s32 $0x0, s9;
	[sflag:s12] =	ssyncadd.s32 $0xFFFFFF80  }
0x18: {  	[tilespmem:s3], [sflag:$0x2] =	stream.linear.gather [hbm4b:s31+s3], $0x80, $0x38;
	[tilespmem:$0x1A100] =	vst v63  }
0x19: {  	_ =	swait.ge [sflag:s12], $0x80  }
0x1a: {  	[sflag:s12] =	ssyncset.done $0x0  }
0x1b: {  	[sflag:s12] =	ssyncadd.s32 $0xFFFFFF80  }
0x1c: {  	v1 =	vld [tilespmem:$0x70]  }
0x1d: {  	v2 =	vld [tilespmem:$0x30]  }
0x1e: {  	v3 =	vld [tilespmem:$0x50]  }
0x1f: {  	v5 =	vld [tilespmem:$0x20]  }
0x20: {  	v4 =	vld [tilespmem:$0x60]  }
0x21: {  	v6 =	vld [tilespmem:$0x10];
	v1 =	vadd.s32 v0, v1  }
0x22: {  	v7 =	vld [tilespmem:$0x40];
	v2 =	vadd.s32 v0, v2;
	[tilespmem:$0x70] =	vst v1  }
0x23: {  	v1 =	vld [tilespmem:$0x0];
	[tilespmem:$0x30] =	vst v2;
	v2 =	vadd.s32 v0, v3  }
0x24: {  	v3 =	vadd.s32 v0, v5;
	[tilespmem:$0x50] =	vst v2  }
0x25: {  	v2 =	vadd.s32 v0, v4;
	[tilespmem:$0x20] =	vst v3  }
0x26: {  	[tilespmem:$0x60] =	vst v2;
	v2 =	vadd.s32 v0, v6  }
0x27: {  	[tilespmem:$0x10] =	vst v2;
	v2 =	vadd.s32 v0, v7  }
0x28: {  	[tilespmem:$0x40] =	vst v2;
	v1 =	vadd.s32 v0, v1  }
0x29: {  	s18 =	simm.s32 $0x10;
	[tilespmem:$0x0] =	vst v1  }
.LBB2_2:
0x2a: {  	[tilespmem:s14], [sflag:$0x1] =	stream.indirect.gather [hbm4b:s4+s13], $0x20, s3, s13, $0xb8;
	[tilespmem:$0x1A100] =	vst v63  }
0x2b: {  	s19 =	smov.u32 s18  }
0x2c: {  	p0 =	sne.s32 s18, $0x9D0;
	s18 =	sadd.s32 $0x10, s18;
	_ =	swait.ge [sflag:s15], $0x1000  }
0x2d: {  	[sflag:s15] =	ssyncset.done $0x0  }
0x2e: {  	[sflag:s15] =	ssyncadd.s32 $0xFFFFF000  }
0x2f: {  	[spmem:s2] =	stream.indirect.scatter.add.f32 [tilespmem:s14], [sflag:$0x2], $0x20, s13, s13, $0xb8;
	[tilespmem:$0x1A100] =	vst v63  }
0x30: {  	_ =	swait.ge [sflag:s12], $0x1000  }
0x31: {  	[sflag:s12] =	ssyncset.done $0x0  }
0x32: {  	s20 =	sadd.s32 s19, s10;
	[sflag:s12] =	ssyncadd.s32 $0xFFFFF000  }
0x33: {  	[tilespmem:s13], [sflag:$0x2] =	stream.linear.gather [hbm4b:s20+s3], $0x80, $0x38;
	[tilespmem:$0x1A100] =	vst v63  }
0x34: {  	_ =	swait.ge [sflag:s12], $0x80  }
0x35: {  	[sflag:s12] =	ssyncset.done $0x0  }
0x36: {  	s19 =	sadd.s32 s19, s9;
	[sflag:s12] =	ssyncadd.s32 $0xFFFFFF80  }
0x37: {  	[tilespmem:s3], [sflag:$0x2] =	stream.linear.gather [hbm4b:s19+s3], $0x80, $0x38;
	[tilespmem:$0x1A100] =	vst v63  }
0x38: {  	_ =	swait.ge [sflag:s12], $0x80  }
0x39: {  	[sflag:s12] =	ssyncset.done $0x0  }
0x3a: {  	[sflag:s12] =	ssyncadd.s32 $0xFFFFFF80  }
0x3b: {  	v1 =	vld [tilespmem:$0x70]  }
0x3c: {  	v2 =	vld [tilespmem:$0x30]  }
0x3d: {  	v3 =	vld [tilespmem:$0x50]  }
0x3e: {  	v4 =	vld [tilespmem:$0x60]  }
0x3f: {  	v5 =	vld [tilespmem:$0x20]  }
0x40: {  	v6 =	vld [tilespmem:$0x10];
	v1 =	vadd.s32 v0, v1  }
0x41: {  	v2 =	vadd.s32 v0, v2;
	v7 =	vld [tilespmem:$0x40];
	[tilespmem:$0x70] =	vst v1  }
0x42: {  	v1 =	vld [tilespmem:$0x0];
	[tilespmem:$0x30] =	vst v2;
	v2 =	vadd.s32 v0, v3  }
0x43: {  	[tilespmem:$0x50] =	vst v2;
	v2 =	vadd.s32 v0, v4  }
.Ltmp0:
0x44: {  	v3 =	vadd.s32 v0, v5;
	[tilespmem:$0x60] =	vst v2;
	(pc) =	sbr.rel @p0 .LBB2_2-.Ltmp0, $4  }
0x45: {  	v2 =	vadd.s32 v0, v6;
	[tilespmem:$0x20] =	vst v3  }
0x46: {  	[tilespmem:$0x10] =	vst v2;
	v2 =	vadd.s32 v0, v7  }
0x47: {  	v1 =	vadd.s32 v0, v1;
	[tilespmem:$0x40] =	vst v2  }
0x48: {  	[tilespmem:$0x0] =	vst v1  }
0x49: {  	[tilespmem:s14], [sflag:$0x1] =	stream.indirect.gather [hbm4b:s4+s13], $0x20, s3, s13, $0xb8;
	[tilespmem:$0x1A100] =	vst v63  }
0x4a: {  	_ =	swait.ge [sflag:s15], $0x1000  }
0x4b: {  	[sflag:s15] =	ssyncset.done $0x0  }
0x4c: {  	[sflag:s15] =	ssyncadd.s32 $0xFFFFF000  }
0x4d: {  	[spmem:s2] =	stream.indirect.scatter.add.f32 [tilespmem:s14], [sflag:$0x2], $0x20, s13, s13, $0xb8;
	[tilespmem:$0x1A100] =	vst v63  }
0x4e: {  	_ =	swait.ge [sflag:s12], $0x1000  }
0x4f: {  	s17 =	sadd.s32 $0x1, s17;
	[sflag:s12] =	ssyncset.done $0x0  }
0x50: {  	p0 =	sne.s32 s17, s8;
	[sflag:s12] =	ssyncadd.s32 $0xFFFFF000  }
.Ltmp1:
0x51: {  	[bflag:$0x0] =	sbarrier.arrive $0xFFFF;
	(pc) =	sbr.rel @p0 .LBB2_1-.Ltmp1, $4  }
0x52: {  	[hbm:s7], [sflag:s6] =	dma.local [spmem:s16], $0x30E0  }
0x53: {  	_ =	swait.ge [sflag:s12], $0x30E0  }
0x54: {  	[sflag:s12] =	ssyncset.done $0x0  }
0x55: {  	[sflag:s12] =	ssyncadd.s32 $0xFFFFCF20  }
0x56: {  	_ =	sfence.sel $0x180000  }
0x57: {  	[bflag:$0x0] =	sbarrier.arrive $0xFFFF  }
0x58: {  	p0 =	sne.s32 s0, $0x0;
	_ =	strace $0x90000056  }
0x59: {  	s0 =	sadd.s32 @!p0 $0x100000, s1;
	[bflag:$0x2] =	sbarrier.arrive $0xFFFF  }
0x5a: {  	[sflag:s0] =	ssyncadd.tile.s32 @!p0 $0x1;
	_ =	shalt  }
.Lfunc_end2:
_tile_overlayer_lowered:
.L_overlay_start_2:
0x5b: {  	(tag) =	ssettag $0x2  }
0x5c: {  	s0 =	rddreg [dreg:$0x0];
	s2 =	stileid.u32  }
0x5d: {  	s1 =	rddreg [dreg:$0x1];
	p0 =	sne.s32 s2, $0x0  }
0x5e: {  	s3 =	rddreg [dreg:$0x2];
	[bflag:$0x3] =	sbarrier.arrive $0xFFFF;
	s2 =	simm.s32 @!p0 $0x1C02  }
0x5f: {  	[timem:s3], [sflag:s2] =	dma.local @!p0 [hbm:s0], s1  }
0x60: {  	s0 =	simm.s32 @!p0 $0x2  }
0x61: {  	_ =	swait.ge @!p0 [sflag:s0], s1  }
0x62: {  	s1 =	ssub.s32 @!p0 $0x0, s1;
	[sflag:s0] =	ssyncset.done @!p0 $0x0  }
0x63: {  	[sflag:s0] =	ssyncadd.s32 @!p0 s1  }
0x64: {  	[bflag:$0x3] =	sbarrier.arrive $0xFFFF  }
0x65: {  	_ =	shalt  }

// kernel: kernel.35.cloned.1.call-start
scs
__scs_entry_jumppad:
0x0: {  	(pc) =	sbr.rel $0x88, $3  }
0x1: {  	(tag) =	ssettag $0x0;
	lr =	simm.s32 $0x1  }
0x2: {  	[smem:$0x3F90] =	sst lr;
	_ =	strace $0xD0000000  }
0x3: {  	_ = 	snop  }
0x4: {  	_ = 	snop  }
0x5: {  	_ = 	snop  }
0x6: {  	_ = 	snop  }
0x7: {  	_ = 	snop  }
__scs_overlays_trampoline_lowered:
0x8: {  	[smem:$0x3F9F] =	sst s0  }
0x9: {  	[smem:$0x3FA0] =	sst s1  }
0xa: {  	[smem:$0x3FA1] =	sst s2  }
0xb: {  	[smem:$0x3FA2] =	sst s3  }
0xc: {  	[smem:$0x3FA3] =	sst s4  }
0xd: {  	[smem:$0x3FA4] =	sst s5  }
0xe: {  	[smem:$0x3FA5] =	sst s6  }
0xf: {  	[smem:$0x3FA6] =	sst s7  }
0x10: {  	[smem:$0x3FA7] =	sst s8  }
0x11: {  	[smem:$0x3FA8] =	sst s9;
	s0 =	simm.s32 @!p0 $0x0  }
0x12: {  	s1 =	sld [smem:$0x3F8E];
	s0 =	simm.s32 @p0 $0x1  }
0x13: {  	[smem:$0x3FA9] =	sst s0;
	s0 =	simm.s32 @!p1 $0x0  }
0x14: {  	s2 =	sld [smem:$0x3F8D];
	s0 =	simm.s32 @p1 $0x1  }
0x15: {  	[smem:$0x3FAA] =	sst s0;
	s0 =	simm.s32 @!p2 $0x0  }
0x16: {  	s3 =	sld [smem:$0x3FDB];
	s0 =	simm.s32 @p2 $0x1  }
0x17: {  	s4 =	simm.s32 $0x1BF5;
	[smem:$0x3FAC] =	sst s0  }
0x18: {  	s0 =	sld [smem:$0x3F8F];
	_ =	swait.ge [sflag:s4], $0x0  }
0x19: {  	s7 =	sld [smem:$0x3F90]  }
0x1a: {  	s8 =	sadd.s32 $0xFFFFE003, lr  }
0x1b: {  	s9 =	sadd.s32 $0xFFFFFEF7, lr;
	s5 =	simm.s32 $0xFFFFFFFF;
	p2 =	slt.u32 s8, $0xFFFFF086  }
0x1c: {  	p1 =	slt.u32 s9, $0xF7A;
	s5 =	simm.s32 @!p2 $0x0  }
0x1d: {  	s5 =	simm.s32 @p1 $0x1;
	p0 =	seq.s32 s7, s2  }
0x1e: {  	s7 =	smul.u32 @!p0 $0xF7A, s2;
	p2 =	seq.s32 @!p0 s5, $0x0  }
0x1f: {  	s9 =	smul.u32 $0xF7A, s1;
	s8 =	simm.s32 @!p0 $0x1BF5;
	p2 =	por !p2, p0  }
0x20: {  	[sflag:s8] =	ssyncset.s32 @!p0 $0xFFFFF086;
	s6 =	sadd.s32 @!p0 s3, s7;
	s7 =	simm.s32 @!p0 $0x108  }
0x21: {  	s3 =	sadd.s32 s3, s9;
	s6 =	sadd.s32 @!p0 $0x88, s6;
	s7 =	simm.s32 @p2 $0x1082  }
0x22: {  	[simem:s7], [sflag:s8] =	dma.local @!p0 [hbm:s6], $0xF7A  }
0x23: {  	s9 =	sor.u32 $0xD0000000, s2;
	s6 =	simm.s32 $0x108;
	_ =	swait.ge @!p0 [sflag:s8], $0x0  }
0x24: {  	s3 =	sadd.s32 $0x88, s3;
	s6 =	simm.s32 @!p1 $0x1082;
	[sflag:s4] =	ssyncset.s32 $0xFFFFF086  }
0x25: {  	[simem:s6], [sflag:s4] =	dma.local [hbm:s3], $0xF7A  }
0x26: {  	[smem:$0x3F90] =	sst s1;
	(tag) =	ssettag s2;
	_ =	strace s9  }
0x27: {  	s1 =	sld [smem:$0x3FA0]  }
0x28: {  	s2 =	sld [smem:$0x3FA1]  }
0x29: {  	s4 =	sld [smem:$0x3FA3]  }
0x2a: {  	p0 =	seq.s32 s5, $0x0;
	s5 =	sld [smem:$0x3FA4]  }
0x2b: {  	s6 =	sld [smem:$0x3FA5]  }
0x2c: {  	s7 =	sld [smem:$0x3FA6]  }
0x2d: {  	s3 =	simm.s32 $0x108;
	s8 =	sld [smem:$0x3FA7]  }
0x2e: {  	s3 =	simm.s32 @!p0 $0x1082;
	s9 =	sld [smem:$0x3FA8]  }
0x2f: {  	lr =	sadd.s32 s0, s3;
	s0 =	sld [smem:$0x3F9F]  }
0x30: {  	s3 =	sld [smem:$0x3FA2]  }
0x31: {  	[smem:$0x3FAB] =	sst s10  }
0x32: {  	s10 =	sld [smem:$0x3FA9];
	_ =	sdelay $0x3  }
0x33: {  	p0 =	seq.s32 s10, $0x1;
	s10 =	sld [smem:$0x3FAB];
	_ =	sdelay $0x3  }
0x34: {  	[smem:$0x3FAB] =	sst s10  }
0x35: {  	s10 =	sld [smem:$0x3FAA];
	_ =	sdelay $0x3  }
0x36: {  	p1 =	seq.s32 s10, $0x1;
	s10 =	sld [smem:$0x3FAB];
	_ =	sdelay $0x3  }
0x37: {  	[smem:$0x3FAB] =	sst s10  }
0x38: {  	s10 =	sld [smem:$0x3FAC]  }
0x39: {  	_ = 	snop;
	(pc) =	sbr.ind lr, $3  }
0x3a: {  	_ = 	snop  }
0x3b: {  	_ = 	snop  }
0x3c: {  	p2 =	seq.s32 s10, $0x1;
	s10 =	sld [smem:$0x3FAB]  }
0x3d: {  	_ =	shalt  }
0x3e: {  	_ =	shalt  }
0x3f: {  	_ =	shalt  }
0x40: {  	_ =	shalt  }
0x41: {  	_ =	shalt  }
0x42: {  	_ =	shalt  }
0x43: {  	_ =	shalt  }
0x44: {  	_ =	shalt  }
0x45: {  	_ =	shalt  }
0x46: {  	_ =	shalt  }
0x47: {  	_ =	shalt  }
0x48: {  	_ =	shalt  }
0x49: {  	_ =	shalt  }
0x4a: {  	_ =	shalt  }
0x4b: {  	_ =	shalt  }
0x4c: {  	_ =	shalt  }
0x4d: {  	_ =	shalt  }
0x4e: {  	_ =	shalt  }
0x4f: {  	_ =	shalt  }
0x50: {  	_ =	shalt  }
0x51: {  	_ =	shalt  }
0x52: {  	_ =	shalt  }
0x53: {  	_ =	shalt  }
0x54: {  	_ =	shalt  }
0x55: {  	_ =	shalt  }
0x56: {  	_ =	shalt  }
0x57: {  	_ =	shalt  }
0x58: {  	_ =	shalt  }
0x59: {  	_ =	shalt  }
0x5a: {  	_ =	shalt  }
0x5b: {  	_ =	shalt  }
0x5c: {  	_ =	shalt  }
0x5d: {  	_ =	shalt  }
0x5e: {  	_ =	shalt  }
0x5f: {  	_ =	shalt  }
0x60: {  	_ =	shalt  }
0x61: {  	_ =	shalt  }
0x62: {  	_ =	shalt  }
0x63: {  	_ =	shalt  }
0x64: {  	_ =	shalt  }
0x65: {  	_ =	shalt  }
0x66: {  	_ =	shalt  }
0x67: {  	_ =	shalt  }
0x68: {  	_ =	shalt  }
0x69: {  	_ =	shalt  }
0x6a: {  	_ =	shalt  }
0x6b: {  	_ =	shalt  }
0x6c: {  	_ =	shalt  }
0x6d: {  	_ =	shalt  }
0x6e: {  	_ =	shalt  }
0x6f: {  	_ =	shalt  }
0x70: {  	_ =	shalt  }
0x71: {  	_ =	shalt  }
0x72: {  	_ =	shalt  }
0x73: {  	_ =	shalt  }
0x74: {  	_ =	shalt  }
0x75: {  	_ =	shalt  }
0x76: {  	_ =	shalt  }
0x77: {  	_ =	shalt  }
0x78: {  	_ =	shalt  }
0x79: {  	_ =	shalt  }
0x7a: {  	_ =	shalt  }
0x7b: {  	_ =	shalt  }
0x7c: {  	_ =	shalt  }
0x7d: {  	_ =	shalt  }
0x7e: {  	_ =	shalt  }
0x7f: {  	_ =	shalt  }
0x80: {  	_ =	shalt  }
0x81: {  	_ =	shalt  }
0x82: {  	_ =	shalt  }
0x83: {  	_ =	shalt  }
0x84: {  	_ =	shalt  }
0x85: {  	_ =	shalt  }
0x86: {  	_ =	shalt  }
0x87: {  	_ =	shalt  }
.Lfunc_end0:
.L_simem_size_0:
called_computation.6_lowered:
.L_overlay_start_0:
0x88: {  	s2 =	sld [smem:$0x3FD9]  }
0x89: {  	s3 =	sld [smem:$0x3FFE];
	_ =	sdelay $0x1  }
0x8a: {  	s1 =	srdreg.scid  }
0x8b: {  	s0 =	sand.u32 $0x1, s1  }
0x8c: {  	s16 =	sshll.u32 s0, $0xA;
	s2 =	sadd.s32 s3, s2  }
0x8d: {  	s2 =	sadd.s32 s2, s16  }
0x8e: {  	[smem:$0x3FB7] =	sst s2  }
0x8f: {  	_ = 	snop  }
0x90: {  	(tm) =	ssettm $0x1  }
0x91: {  	s17 =	sld [smem:$0x3FFB];
	_ =	sdelay $0x3  }
0x92: {  	_ =	strace s17  }
0x93: {  	s2 =	sld [smem:$0x3FFC];
	_ =	sdelay $0x3  }
0x94: {  	_ =	strace s2  }
0x95: {  	s2 =	sld [smem:$0x3FFD];
	_ =	sdelay $0x3  }
0x96: {  	_ =	strace s2  }
0x97: {  	_ =	strace $0x8FFFFFFF  }
0x98: {  	s18 =	sld [smem:$0x3FDB];
	_ =	sdelay $0x1  }
0x99: {  	s19 =	simm.s32 $_scs_section_size  }
0x9a: {  	s4 =	simm.s32 $_size__tile_overlayer_lowered;
	s5 =	simm.s32 $_tile_overlayer_lowered  }
0x9b: {  	s22 =	simm.s32 $0x1BFF;
	s21 =	sshll.u32 s5, $0x1;
	s2 =	sadd.s32 s19, s18  }
0x9c: {  	s6 =	simm.s32 $0x0;
	s20 =	sshll.u32 s4, $0x1;
	s4 =	sadd.s32 s21, s2  }
0x9d: {  	[timem:s6], [sflag:s22] =	dma.local [hbm:s4], s20  }
0x9e: {  	_ =	swait.ge [sflag:s22], s20  }
0x9f: {  	s3 =	ssub.s32 $0x0, s20;
	[sflag:s22] =	ssyncset.done $0x0  }
0xa0: {  	[sflag:s22] =	ssyncadd.s32 s3;
	_ =	sdelay $0x1  }
0xa1: {  	s23 =	simm.s32 $0x1B8B  }
0xa2: {  	_ =	swait.ge [sflag:s23], $0x1  }
0xa3: {  	[sflag:s23] =	ssyncset.done $0x0  }
0xa4: {  	s25 =	simm.s32 $0x1B8E;
	s24 =	sld [smem:$0x3FFE];
	[sflag:s23] =	ssyncadd.s32 $0xFFFFFFFF  }
0xa5: {  	s26 =	simm.s32 $execute0_lowered;
	[smem:$0x3FD2] =	sst s25  }
0xa6: {  	s4 =	sshll.u32 s26, $0x1;
	_ =	strace $0x80000058;
	[dreg:$0x1] =	wrdreg $0xFFFFFFFF  }
0xa7: {  	s28 =	simm.s32 $_size_execute0_lowered;
	s2 =	sadd.s32 s2, s4;
	[dreg:$0x0] =	wrdreg $0x0  }
0xa8: {  	s4 =	sshll.u32 s28, $0x1;
	[dreg:$0x2] =	wrdreg s2  }
0xa9: {  	[dreg:$0x3] =	wrdreg s4  }
0xaa: {  	[dreg:$0x4] =	wrdreg $0xC0  }
0xab: {  	_ =	task [dreg:s6], $0x5FFFF  }
0xac: {  	[dreg:$0x1] =	wrdreg $0xFFFFFFFF  }
0xad: {  	[dreg:$0x0] =	wrdreg $0x60  }
0xae: {  	[dreg:$0x2] =	wrdreg s24  }
0xaf: {  	[dreg:$0x3] =	wrdreg $0x11000  }
0xb0: {  	[dreg:$0x4] =	wrdreg $0x9  }
0xb1: {  	_ =	task.clear_ibuf [dreg:s6], $0x5FFFF;
	_ =	strace $0x90000058  }
0xb2: {  	s29 =	simm.s32 $0x9;
	_ =	strace $0x8000005A  }
0xb3: {  	_ =	swait.ge [sflag:s29], $0x1  }
0xb4: {  	[sflag:s29] =	ssyncadd.s32 $0xFFFFFFFF  }
0xb5: {  	_ =	strace $0x9000005A  }
0xb6: {  	_ =	sfence  }
0xb7: {  	s30 =	sld [smem:$0x0];
	_ =	sdelay $0x2  }
0xb8: {  	s31 =	sshll.u32 s1, $0xD;
	s1 =	sshrl.u32 s1, $0x2  }
0xb9: {  	s3 =	sand.u32 $0x4000, s31;
	s1 =	sadd.s32 s1, s30  }
0xba: {  	s0 =	sor.u32 s3, s0;
	s1 =	sshll.u32 s1, $0x11  }
0xbb: {  	s0 =	sor.u32 s1, s0  }
0xbc: {  	s0 =	sadd.s32 $0x8F2B, s0  }
0xbd: {  	[sflag:s0] =	ssyncadd.remote.s32 $0x1  }
0xbe: {  	_ =	sfence.sel $0xFFFF  }
0xbf: {  	[dreg:$0x0] =	wrdreg $0xFFFFFFFF;
	(pc) =	sbr.abs _section_cstart, $3  }
0xc0: {  	[dreg:$0x1] =	wrdreg $0xFFFFFFFF  }
0xc1: {  	_ =	task.clear_ibuf [dreg:s6], $0x2FFFF;
	_ =	strace $0x9FFFFFFF  }
0xc2: {  	(tm) =	ssettm $0x7FFFFFFF  }
0xc3: {  	_ =	shalt  }
tec
execute0_lowered:
.L_overlay_start_1:
0x0: {  	(tag) =	ssettag $0x1  }
0x1: {  	s6 =	rddreg [dreg:$0x0];
	s0 =	stileid.u32  }
0x2: {  	s1 =	srdreg.scid;
	s2 =	rddreg [dreg:$0x1]  }
0x3: {  	s3 =	simm.s32 $0x0;
	s14 =	simm.s32 $0x100;
	s5 =	smul.u32 $0x9E0, s0  }
0x4: {  	s7 =	sand.u32 $0x1, s1;
	s1 =	rddreg [dreg:$0x2];
	s9 =	smul.u32 $0x30E0, s0  }
0x5: {  	s17 =	simm.s32 $0x0;
	[smem:$0x7FF] =	sst s3;
	s28 =	smul.u32 $0x64000, s0  }
0x6: {  	s4 =	sadd.s32 $0x3C00, s6;
	s12 =	smul.u32 $0x61C00, s0;
	s30 =	sshll.u32 s0, $0x6  }
0x7: {  	s8 =	smul.u32 $0x30E00, s7;
	_ =	strace $0x80000059;
	s29 =	ssub.s32 $0x2, s7  }
0x8: {  	s15 =	smul.u32 $0x2710, s7;
	s10 =	sadd.s32 s5, s6;
	s5 =	sadd.s32 $0x52400, s6  }
0x9: {  	s11 =	sshrl.u32 s29, $0x1;
	s31 =	sshrl.u32 s12, $0x2;
	s12 =	simm.s32 $0x2  }
0xa: {  	s8 =	sadd.s32 s9, s8;
	s9 =	sshrl.u32 s28, $0x2;
	s11 =	ssub.s32 s29, s11  }
0xb: {  	s16 =	sadd.s32 s31, s2;
	v0 =	vmov s15;
	s15 =	simm.s32 $0x1;
	s8 =	sadd.s32 s8, s6  }
0xc: {  	s13 =	sadd.s32 s9, s2;
	s6 =	sor.u32 $0x1C02, s30;
	s9 =	sadd.s32 $0x48600, s10  }
0xd: {  	s10 =	sadd.s32 $0x3E800, s10;
	s16 =	sshrl.u32 s16, $0x3;
	s7 =	sadd.s32 $0x7CA00, s8  }
0xe: {  	s8 =	smax.u32 s11, $0x1;
	s11 =	sshrl.u32 s13, $0x3;
	s13 =	simm.s32 $0x80  }
.LBB2_1:
0xf: {  	[spmem:s11], [sflag:s6] =	dma.local [hbm:s5], $0x3200  }
0x10: {  	_ =	swait.ge [sflag:s12], $0x3200  }
0x11: {  	[sflag:s12] =	ssyncset.done $0x0  }
0x12: {  	[sflag:s12] =	ssyncadd.s32 $0xFFFFCE00  }
0x13: {  	s18 =	sadd.s32 $0x0, s10;
	[bflag:$0x0] =	sbarrier.arrive $0xFFFF  }
0x14: {  	[tilespmem:s13], [sflag:$0x2] =	stream.linear.gather [hbm4b:s18+s3], $0x80, $0x38;
	[tilespmem:$0x1A100] =	vst v63  }
0x15: {  	_ =	swait.ge [sflag:s12], $0x80  }
0x16: {  	[sflag:s12] =	ssyncset.done $0x0  }
0x17: {  	s31 =	sadd.s32 $0x0, s9;
	[sflag:s12] =	ssyncadd.s32 $0xFFFFFF80  }
0x18: {  	[tilespmem:s3], [sflag:$0x2] =	stream.linear.gather [hbm4b:s31+s3], $0x80, $0x38;
	[tilespmem:$0x1A100] =	vst v63  }
0x19: {  	_ =	swait.ge [sflag:s12], $0x80  }
0x1a: {  	[sflag:s12] =	ssyncset.done $0x0  }
0x1b: {  	[sflag:s12] =	ssyncadd.s32 $0xFFFFFF80  }
0x1c: {  	v1 =	vld [tilespmem:$0x70]  }
0x1d: {  	v2 =	vld [tilespmem:$0x30]  }
0x1e: {  	v3 =	vld [tilespmem:$0x50]  }
0x1f: {  	v5 =	vld [tilespmem:$0x20]  }
0x20: {  	v4 =	vld [tilespmem:$0x60]  }
0x21: {  	v6 =	vld [tilespmem:$0x10];
	v1 =	vadd.s32 v0, v1  }
0x22: {  	v7 =	vld [tilespmem:$0x40];
	v2 =	vadd.s32 v0, v2;
	[tilespmem:$0x70] =	vst v1  }
0x23: {  	v1 =	vld [tilespmem:$0x0];
	[tilespmem:$0x30] =	vst v2;
	v2 =	vadd.s32 v0, v3  }
0x24: {  	v3 =	vadd.s32 v0, v5;
	[tilespmem:$0x50] =	vst v2  }
0x25: {  	v2 =	vadd.s32 v0, v4;
	[tilespmem:$0x20] =	vst v3  }
0x26: {  	[tilespmem:$0x60] =	vst v2;
	v2 =	vadd.s32 v0, v6  }
0x27: {  	[tilespmem:$0x10] =	vst v2;
	v2 =	vadd.s32 v0, v7  }
0x28: {  	[tilespmem:$0x40] =	vst v2;
	v1 =	vadd.s32 v0, v1  }
0x29: {  	s18 =	simm.s32 $0x10;
	[tilespmem:$0x0] =	vst v1  }
.LBB2_2:
0x2a: {  	[tilespmem:s14], [sflag:$0x1] =	stream.indirect.gather [hbm4b:s4+s13], $0x20, s3, s13, $0xb8;
	[tilespmem:$0x1A100] =	vst v63  }
0x2b: {  	s19 =	smov.u32 s18  }
0x2c: {  	p0 =	sne.s32 s18, $0x9D0;
	s18 =	sadd.s32 $0x10, s18;
	_ =	swait.ge [sflag:s15], $0x1000  }
0x2d: {  	[sflag:s15] =	ssyncset.done $0x0  }
0x2e: {  	[sflag:s15] =	ssyncadd.s32 $0xFFFFF000  }
0x2f: {  	[spmem:s2] =	stream.indirect.scatter.add.f32 [tilespmem:s14], [sflag:$0x2], $0x20, s13, s13, $0xb8;
	[tilespmem:$0x1A100] =	vst v63  }
0x30: {  	_ =	swait.ge [sflag:s12], $0x1000  }
0x31: {  	[sflag:s12] =	ssyncset.done $0x0  }
0x32: {  	s20 =	sadd.s32 s19, s10;
	[sflag:s12] =	ssyncadd.s32 $0xFFFFF000  }
0x33: {  	[tilespmem:s13], [sflag:$0x2] =	stream.linear.gather [hbm4b:s20+s3], $0x80, $0x38;
	[tilespmem:$0x1A100] =	vst v63  }
0x34: {  	_ =	swait.ge [sflag:s12], $0x80  }
0x35: {  	[sflag:s12] =	ssyncset.done $0x0  }
0x36: {  	s19 =	sadd.s32 s19, s9;
	[sflag:s12] =	ssyncadd.s32 $0xFFFFFF80  }
0x37: {  	[tilespmem:s3], [sflag:$0x2] =	stream.linear.gather [hbm4b:s19+s3], $0x80, $0x38;
	[tilespmem:$0x1A100] =	vst v63  }
0x38: {  	_ =	swait.ge [sflag:s12], $0x80  }
0x39: {  	[sflag:s12] =	ssyncset.done $0x0  }
0x3a: {  	[sflag:s12] =	ssyncadd.s32 $0xFFFFFF80  }
0x3b: {  	v1 =	vld [tilespmem:$0x70]  }
0x3c: {  	v2 =	vld [tilespmem:$0x30]  }
0x3d: {  	v3 =	vld [tilespmem:$0x50]  }
0x3e: {  	v4 =	vld [tilespmem:$0x60]  }
0x3f: {  	v5 =	vld [tilespmem:$0x20]  }
0x40: {  	v6 =	vld [tilespmem:$0x10];
	v1 =	vadd.s32 v0, v1  }
0x41: {  	v2 =	vadd.s32 v0, v2;
	v7 =	vld [tilespmem:$0x40];
	[tilespmem:$0x70] =	vst v1  }
0x42: {  	v1 =	vld [tilespmem:$0x0];
	[tilespmem:$0x30] =	vst v2;
	v2 =	vadd.s32 v0, v3  }
0x43: {  	[tilespmem:$0x50] =	vst v2;
	v2 =	vadd.s32 v0, v4  }
.Ltmp0:
0x44: {  	v3 =	vadd.s32 v0, v5;
	[tilespmem:$0x60] =	vst v2;
	(pc) =	sbr.rel @p0 .LBB2_2-.Ltmp0, $4  }
0x45: {  	v2 =	vadd.s32 v0, v6;
	[tilespmem:$0x20] =	vst v3  }
0x46: {  	[tilespmem:$0x10] =	vst v2;
	v2 =	vadd.s32 v0, v7  }
0x47: {  	v1 =	vadd.s32 v0, v1;
	[tilespmem:$0x40] =	vst v2  }
0x48: {  	[tilespmem:$0x0] =	vst v1  }
0x49: {  	[tilespmem:s14], [sflag:$0x1] =	stream.indirect.gather [hbm4b:s4+s13], $0x20, s3, s13, $0xb8;
	[tilespmem:$0x1A100] =	vst v63  }
0x4a: {  	_ =	swait.ge [sflag:s15], $0x1000  }
0x4b: {  	[sflag:s15] =	ssyncset.done $0x0  }
0x4c: {  	[sflag:s15] =	ssyncadd.s32 $0xFFFFF000  }
0x4d: {  	[spmem:s2] =	stream.indirect.scatter.add.f32 [tilespmem:s14], [sflag:$0x2], $0x20, s13, s13, $0xb8;
	[tilespmem:$0x1A100] =	vst v63  }
0x4e: {  	_ =	swait.ge [sflag:s12], $0x1000  }
0x4f: {  	s17 =	sadd.s32 $0x1, s17;
	[sflag:s12] =	ssyncset.done $0x0  }
0x50: {  	p0 =	sne.s32 s17, s8;
	[sflag:s12] =	ssyncadd.s32 $0xFFFFF000  }
.Ltmp1:
0x51: {  	[bflag:$0x0] =	sbarrier.arrive $0xFFFF;
	(pc) =	sbr.rel @p0 .LBB2_1-.Ltmp1, $4  }
0x52: {  	[hbm:s7], [sflag:s6] =	dma.local [spmem:s16], $0x30E0  }
0x53: {  	_ =	swait.ge [sflag:s12], $0x30E0  }
0x54: {  	[sflag:s12] =	ssyncset.done $0x0  }
0x55: {  	[sflag:s12] =	ssyncadd.s32 $0xFFFFCF20  }
0x56: {  	_ =	sfence.sel $0x180000  }
0x57: {  	[bflag:$0x0] =	sbarrier.arrive $0xFFFF  }
0x58: {  	p0 =	sne.s32 s0, $0x0;
	_ =	strace $0x90000059  }
0x59: {  	s0 =	sadd.s32 @!p0 $0x100000, s1;
	[bflag:$0x2] =	sbarrier.arrive $0xFFFF  }
0x5a: {  	[sflag:s0] =	ssyncadd.tile.s32 @!p0 $0x1;
	_ =	shalt  }
.Lfunc_end2:
_tile_overlayer_lowered:
.L_overlay_start_2:
0x5b: {  	(tag) =	ssettag $0x2  }
0x5c: {  	s0 =	rddreg [dreg:$0x0];
	s2 =	stileid.u32  }
0x5d: {  	s1 =	rddreg [dreg:$0x1];
	p0 =	sne.s32 s2, $0x0  }
0x5e: {  	s3 =	rddreg [dreg:$0x2];
	[bflag:$0x3] =	sbarrier.arrive $0xFFFF;
	s2 =	simm.s32 @!p0 $0x1C02  }
0x5f: {  	[timem:s3], [sflag:s2] =	dma.local @!p0 [hbm:s0], s1  }
0x60: {  	s0 =	simm.s32 @!p0 $0x2  }
0x61: {  	_ =	swait.ge @!p0 [sflag:s0], s1  }
0x62: {  	s1 =	ssub.s32 @!p0 $0x0, s1;
	[sflag:s0] =	ssyncset.done @!p0 $0x0  }
0x63: {  	[sflag:s0] =	ssyncadd.s32 @!p0 s1  }
0x64: {  	[bflag:$0x3] =	sbarrier.arrive $0xFFFF  }
0x65: {  	_ =	shalt  }

</sc_bundles>
